<compile_context>
chip_gen: v7x
topology: tpu7x:2x2x1
jax: 0.10.2.dev20260603
libtpu: 0.0.44.dev20260713+nightly
codegen_flags: <defaults>
</compile_context>

<pallas_src>
import functools

import jax
import jax.numpy as jnp
from jax import lax
from jax.experimental import pallas as pl
from jax.experimental.pallas import tpu as pltpu
from jax.experimental.pallas import tpu_sc as plsc

B = 8192
NSPLIT = 1
BH = B // NSPLIT
D = 256
E = 8192
TB = 256
TE = 1024
NW = 32
RW = BH // NW
SUB = 128

def _mxu_round(q):
    return q.astype(jnp.bfloat16).astype(jnp.float32)


def _argmin_codes(r, emb_ref):
    r_sq = jnp.sum(r * r, axis=1, keepdims=True)

    def chunk(c, carry):
        bv, bi = carry
        e = emb_ref[pl.ds(c * TE, TE), :]
        d = lax.dot_general(r, e, (((1,), (1,)), ((), ())),
                            preferred_element_type=jnp.float32)
        e_sq = jnp.sum(e * e, axis=1)[None, :]
        dist = (r_sq + e_sq) - 2.0 * d
        m = jnp.min(dist, axis=1, keepdims=True)
        iota = lax.broadcasted_iota(jnp.int32, (TB, TE), 1) + c * TE
        li = jnp.min(jnp.where(dist == m, iota, jnp.int32(2 ** 30)),
                     axis=1, keepdims=True)
        better = m < bv
        return jnp.where(better, m, bv), jnp.where(better, li, bi)

    bv0 = jnp.full((TB, 1), jnp.inf, dtype=jnp.float32)
    bi0 = jnp.zeros((TB, 1), dtype=jnp.int32)
    _, bi = lax.fori_loop(0, E // TE, chunk, (bv0, bi0))
    return jnp.transpose(bi, (1, 0)).reshape(1, 1, TB)


def _head0_body(r_ref, emb_ref, idx_ref):
    idx_ref[...] = _argmin_codes(r_ref[...], emb_ref)


def _head_body(r_ref, q_ref, emb_ref, idx_ref, rout_ref):
    r = r_ref[...] - _mxu_round(q_ref[...])
    rout_ref[...] = r
    idx_ref[...] = _argmin_codes(r, emb_ref)


_RSPEC = pl.BlockSpec((TB, D), lambda i: (i, 0))
_ESPEC = pl.BlockSpec((E, D), lambda i: (0, 0))
_ISPEC = pl.BlockSpec((1, 1, TB), lambda i: (i, 0, 0))
_PARAMS = pltpu.CompilerParams(dimension_semantics=("arbitrary",))


def _tc_head0(r, emb):
    return pl.pallas_call(
        _head0_body,
        grid=(BH // TB,),
        in_specs=[_RSPEC, _ESPEC],
        out_specs=_ISPEC,
        out_shape=jax.ShapeDtypeStruct((BH // TB, 1, TB), jnp.int32),
        compiler_params=_PARAMS,
    )(r, emb)


def _tc_head(r_prev, q_prev, emb):
    return pl.pallas_call(
        _head_body,
        grid=(BH // TB,),
        in_specs=[_RSPEC, _RSPEC, _ESPEC],
        out_specs=(_ISPEC, _RSPEC),
        out_shape=(jax.ShapeDtypeStruct((BH // TB, 1, TB), jnp.int32),
                   jax.ShapeDtypeStruct((BH, D), jnp.float32)),
        compiler_params=_PARAMS,
    )(r_prev, q_prev, emb)


@functools.cache
def _sc_gather():
    mesh = plsc.VectorSubcoreMesh(core_axis_name="c", subcore_axis_name="s")

    @functools.partial(
        pl.kernel,
        out_type=jax.ShapeDtypeStruct((BH, D), jnp.float32),
        mesh=mesh,
        scratch_types=[
            pltpu.VMEM((SUB,), jnp.int32),
            pltpu.VMEM((SUB, D), jnp.float32),
            pltpu.SemaphoreType.DMA,
        ],
    )
    def gather(emb_hbm, idx_hbm, out_hbm, idx_v, q_v, sem):
        base = (lax.axis_index("s") * 2 + lax.axis_index("c")) * RW
        for s in range(RW // SUB):
            b0 = base + s * SUB
            pltpu.sync_copy(idx_hbm.at[pl.ds(b0, SUB)], idx_v)
            pltpu.async_copy(emb_hbm.at[idx_v], q_v, sem).wait()
            pltpu.sync_copy(q_v, out_hbm.at[pl.ds(b0, SUB), :])

    return gather


@functools.cache
def _sc_final():
    mesh = plsc.VectorSubcoreMesh(core_axis_name="c", subcore_axis_name="s")

    @functools.partial(
        pl.kernel,
        out_type=jax.ShapeDtypeStruct((BH, D), jnp.float32),
        mesh=mesh,
        scratch_types=[
            pltpu.VMEM((SUB,), jnp.int32),
            pltpu.VMEM((SUB, D), jnp.float32),
            pltpu.VMEM((SUB, D), jnp.float32),
            pltpu.VMEM((SUB, D), jnp.float32),
            pltpu.SemaphoreType.DMA,
        ],
    )
    def final(emb_hbm, idx_hbm, r_hbm, r0_hbm, out_hbm,
              idx_v, q_v, a_v, b_v, sem):
        base = (lax.axis_index("s") * 2 + lax.axis_index("c")) * RW
        for s in range(RW // SUB):
            b0 = base + s * SUB
            pltpu.sync_copy(idx_hbm.at[pl.ds(b0, SUB)], idx_v)
            cp = pltpu.async_copy(emb_hbm.at[idx_v], q_v, sem)
            pltpu.sync_copy(r0_hbm.at[pl.ds(b0, SUB), :], a_v)
            pltpu.sync_copy(r_hbm.at[pl.ds(b0, SUB), :], b_v)
            cp.wait()

            def row(i, _):
                for j in range(D // 16):
                    sl = pl.ds(j * 16, 16)
                    a_v[i, sl] = (a_v[i, sl] - b_v[i, sl]) + q_v[i, sl]
                return 0

            lax.fori_loop(0, SUB, row, 0)
            pltpu.sync_copy(a_v, out_hbm.at[pl.ds(b0, SUB), :])

    return final


def kernel(inputs, emb0, emb1, emb2):
    r0 = inputs[:, 0, :]
    embs = (emb0, emb1, emb2)
    gather = _sc_gather()

    r = [r0[p * BH:(p + 1) * BH] for p in range(NSPLIT)]
    idxs = [[] for _ in range(NSPLIT)]
    quant = [None] * NSPLIT
    q = [None] * NSPLIT
    for h in range(3):
        for p in range(NSPLIT):
            if h == 0:
                idx = _tc_head0(r[p], embs[0])
            else:
                idx, r[p] = _tc_head(r[p], q[p], embs[h])
            idxs[p].append(idx)
            if h < 2:
                q[p] = gather(embs[h], idx.reshape(BH))
            else:
                quant[p] = _sc_final()(embs[2], idx.reshape(BH), r[p],
                                       r0[p * BH:(p + 1) * BH])

    quant_full = jnp.concatenate(quant, axis=0) if NSPLIT > 1 else quant[0]
    vq_codes = jnp.concatenate(
        [jnp.stack([i.reshape(BH) for i in idxs[p]], axis=-1)
         for p in range(NSPLIT)], axis=0)
    return quant_full[:, None, :], vq_codes

# --- scband reference (transcript-rebuilt; emitter-appended) ---
"""Pipeline reference for scband-hierarchical-refinement-quantizer-82617990906585 (READ-ONLY COPY).

The authoritative reference and input builder live on the scoring server;
editing this copy changes nothing except your own understanding.
"""

import jax, jax.numpy as jnp
import numpy as np

NUM_HEADS = 3
NUM_EMBED = 8192
DIM = 256
BATCH = 8192
TEMP = 2.0
INIT_SCALE = 1.0
INIT_DECAY = 0.5


def _xavier_uniform(key, shape, gain):
    fan_in, fan_out = shape[1], shape[0]
    limit = gain * np.sqrt(6.0 / (fan_in + fan_out))
    return jax.random.uniform(key, shape, minval=-limit, maxval=limit, dtype=jnp.float32)


def setup_inputs(seed: int = 0) -> dict:
    key = jax.random.key(seed)
    ks = jax.random.split(key, NUM_HEADS + 1)
    inputs = jax.random.normal(ks[0], (BATCH, 1, DIM), dtype=jnp.float32)
    out = {"inputs": inputs}
    for h in range(NUM_HEADS):
        gain = 6.0 * INIT_SCALE * (INIT_DECAY ** h)
        out[f"emb{h}"] = _xavier_uniform(ks[h + 1], (NUM_EMBED, DIM), gain)
    return out


def _quantize(inputs, embeddings):
    # Hierarchical refinement quantization (eval path):
    # at each head, find nearest code to the current residual via L2 distance,
    # quantize with hard one-hot (straight-through via softmax probs), subtract,
    # and refine with the next head's codebook.
    residual = inputs[:, 0, :]
    quantized_total = jnp.zeros_like(residual)
    codes = []
    for emb in embeddings:
        # squared L2 distances: ||r||^2 + ||e||^2 - 2 r e^T
        r_sq = jnp.sum(residual ** 2, axis=-1, keepdims=True)
        e_sq = jnp.sum(emb ** 2, axis=-1)[None, :]
        dist = r_sq + e_sq - 2.0 * residual @ emb.T
        logits = -dist
        probs = jax.nn.softmax(logits / TEMP, axis=-1)
        idx = jnp.argmax(logits, axis=-1)
        onehot = jax.nn.one_hot(idx, emb.shape[0], dtype=residual.dtype)
        # straight-through hard one-hot
        onehot_st = onehot + probs - jax.lax.stop_gradient(probs)
        q = onehot_st @ emb
        quantized_total = quantized_total + q
        residual = residual - q
        codes.append(idx)
    quantized = quantized_total[:, None, :]
    vq_codes = jnp.stack(codes, axis=-1)
    return quantized, vq_codes


def reference(inputs, emb0, emb1, emb2):
    return _quantize(inputs, [emb0, emb1, emb2])

if __name__ == "__main__":
    import jax
    _d = setup_inputs()
    print(jax.jit(kernel)(*tuple(_d.values())))

</pallas_src>

<mosaic_0001>
#map = affine_map<(d0, d1) -> (0, 0)>
#map1 = affine_map<(d0, d1) -> (0)>
module attributes {stable_mosaic.version = 14 : i64} {
  func.func @gather(%arg0: i32, %arg1: i32, %arg2: memref<8192x256xf32, #tpu.memory_space<hbm>>, %arg3: memref<8192xi32, #tpu.memory_space<hbm>>, %arg4: memref<8192x256xf32, #tpu.memory_space<hbm>>, %arg5: memref<128xi32, #tpu.memory_space<vmem>>, %arg6: memref<128x256xf32, #tpu.memory_space<vmem>>, %arg7: memref<!tpu.dma_semaphore, #tpu.memory_space<semaphore_mem>>) attributes {dimension_semantics = [#tpu.dimension_semantics<core_parallel>, #tpu.dimension_semantics<subcore_parallel>], iteration_bounds = array<i64: 2, 16>, scalar_prefetch = 0 : i64, scratch_operands = 3 : i64, tpu.core_type = #tpu.core_type<sc_vector_subcore>, window_params = [{transform_indices = #map}, {transform_indices = #map1}, {transform_indices = #map}]} {
    %mul3A = arith.constant 2 : i32
    %mul3A_0 = arith.muli %arg1, %mul3A : i32
    %add3A = arith.addi %mul3A_0, %arg0 : i32
    %mul3A_1 = arith.constant 256 : i32
    %mul3A_2 = arith.muli %add3A, %mul3A_1 : i32
    %add3A_3 = arith.constant 0 : i32
    %add3A_4 = arith.addi %mul3A_2, %add3A_3 : i32
    "tpu.region"() ({
      %run_scoped3A = tpu.sem_alloc : memref<!tpu.dma_semaphore, #tpu.memory_space<semaphore_mem>>
      %dma_start3A_17 = tpu.memref_slice %arg3[%add3A_4] : memref<8192xi32, #tpu.memory_space<hbm>> -> memref<128xi32, #tpu.memory_space<hbm>>
      %dma_start3A_18 = tpu.memref_slice %arg3[%add3A_4] : memref<8192xi32, #tpu.memory_space<hbm>> -> memref<128xi32, #tpu.memory_space<hbm>>
      tpu.enqueue_dma source(%dma_start3A_18 : memref<128xi32, #tpu.memory_space<hbm>>) target(%arg5 : memref<128xi32, #tpu.memory_space<vmem>>) target_semaphore(%run_scoped3A : memref<!tpu.dma_semaphore, #tpu.memory_space<semaphore_mem>>)
      %dma_wait3A_19 = tpu.memref_slice %arg3[%add3A_4] : memref<8192xi32, #tpu.memory_space<hbm>> -> memref<128xi32, #tpu.memory_space<hbm>>
      %dma_wait3A_20 = tpu.memref_slice %arg3[%add3A_4] : memref<8192xi32, #tpu.memory_space<hbm>> -> memref<128xi32, #tpu.memory_space<hbm>>
      tpu.wait_dma2 semaphore(%run_scoped3A : memref<!tpu.dma_semaphore, #tpu.memory_space<semaphore_mem>>) src(%dma_wait3A_20 : memref<128xi32, #tpu.memory_space<hbm>>) dst(%arg5 : memref<128xi32, #tpu.memory_space<vmem>>)
      tpu.yield
    }) : () -> ()
    %dma_start3A = arith.constant 0 : i32
    %dma_start3A_5 = arith.constant 0 : i32
    %dma_start3A_6 = tpu.memref_slice %arg2[%dma_start3A, %dma_start3A_5] : memref<8192x256xf32, #tpu.memory_space<hbm>> -> memref<8192x256xf32, #tpu.memory_space<hbm>>
    tpu.enqueue_indirect_dma source(%dma_start3A_6 : memref<8192x256xf32, #tpu.memory_space<hbm>>) target(%arg6 : memref<128x256xf32, #tpu.memory_space<vmem>>) offsets(%arg5 : memref<128xi32, #tpu.memory_space<vmem>>) semaphore(%arg7 : memref<!tpu.dma_semaphore, #tpu.memory_space<semaphore_mem>>)
    %dma_wait3A = arith.constant 0 : i32
    %dma_wait3A_7 = arith.constant 0 : i32
    %dma_wait3A_8 = tpu.memref_slice %arg2[%dma_wait3A, %dma_wait3A_7] : memref<8192x256xf32, #tpu.memory_space<hbm>> -> memref<8192x256xf32, #tpu.memory_space<hbm>>
    tpu.wait_indirect_dma semaphore(%arg7 : memref<!tpu.dma_semaphore, #tpu.memory_space<semaphore_mem>>) src(%dma_wait3A_8 : memref<8192x256xf32, #tpu.memory_space<hbm>>) dst(%arg6 : memref<128x256xf32, #tpu.memory_space<vmem>>)
    "tpu.region"() ({
      %run_scoped3A = tpu.sem_alloc : memref<!tpu.dma_semaphore, #tpu.memory_space<semaphore_mem>>
      %dma_start3A_17 = arith.constant 0 : i32
      %dma_start3A_18 = tpu.memref_slice %arg4[%add3A_4, %dma_start3A_17] : memref<8192x256xf32, #tpu.memory_space<hbm>> -> memref<128x256xf32, #tpu.memory_space<hbm>>
      %dma_start3A_19 = arith.constant 0 : i32
      %dma_start3A_20 = tpu.memref_slice %arg4[%add3A_4, %dma_start3A_19] : memref<8192x256xf32, #tpu.memory_space<hbm>> -> memref<128x256xf32, #tpu.memory_space<hbm>>
      tpu.enqueue_dma source(%arg6 : memref<128x256xf32, #tpu.memory_space<vmem>>) target(%dma_start3A_20 : memref<128x256xf32, #tpu.memory_space<hbm>>) target_semaphore(%run_scoped3A : memref<!tpu.dma_semaphore, #tpu.memory_space<semaphore_mem>>)
      %dma_wait3A_21 = arith.constant 0 : i32
      %dma_wait3A_22 = tpu.memref_slice %arg4[%add3A_4, %dma_wait3A_21] : memref<8192x256xf32, #tpu.memory_space<hbm>> -> memref<128x256xf32, #tpu.memory_space<hbm>>
      %dma_wait3A_23 = arith.constant 0 : i32
      %dma_wait3A_24 = tpu.memref_slice %arg4[%add3A_4, %dma_wait3A_23] : memref<8192x256xf32, #tpu.memory_space<hbm>> -> memref<128x256xf32, #tpu.memory_space<hbm>>
      tpu.wait_dma2 semaphore(%run_scoped3A : memref<!tpu.dma_semaphore, #tpu.memory_space<semaphore_mem>>) src(%arg6 : memref<128x256xf32, #tpu.memory_space<vmem>>) dst(%dma_wait3A_24 : memref<128x256xf32, #tpu.memory_space<hbm>>)
      tpu.yield
    }) : () -> ()
    %add3A_9 = arith.constant 128 : i32
    %add3A_10 = arith.addi %mul3A_2, %add3A_9 : i32
    "tpu.region"() ({
      %run_scoped3A = tpu.sem_alloc : memref<!tpu.dma_semaphore, #tpu.memory_space<semaphore_mem>>
      %dma_start3A_17 = tpu.memref_slice %arg3[%add3A_10] : memref<8192xi32, #tpu.memory_space<hbm>> -> memref<128xi32, #tpu.memory_space<hbm>>
      %dma_start3A_18 = tpu.memref_slice %arg3[%add3A_10] : memref<8192xi32, #tpu.memory_space<hbm>> -> memref<128xi32, #tpu.memory_space<hbm>>
      tpu.enqueue_dma source(%dma_start3A_18 : memref<128xi32, #tpu.memory_space<hbm>>) target(%arg5 : memref<128xi32, #tpu.memory_space<vmem>>) target_semaphore(%run_scoped3A : memref<!tpu.dma_semaphore, #tpu.memory_space<semaphore_mem>>)
      %dma_wait3A_19 = tpu.memref_slice %arg3[%add3A_10] : memref<8192xi32, #tpu.memory_space<hbm>> -> memref<128xi32, #tpu.memory_space<hbm>>
      %dma_wait3A_20 = tpu.memref_slice %arg3[%add3A_10] : memref<8192xi32, #tpu.memory_space<hbm>> -> memref<128xi32, #tpu.memory_space<hbm>>
      tpu.wait_dma2 semaphore(%run_scoped3A : memref<!tpu.dma_semaphore, #tpu.memory_space<semaphore_mem>>) src(%dma_wait3A_20 : memref<128xi32, #tpu.memory_space<hbm>>) dst(%arg5 : memref<128xi32, #tpu.memory_space<vmem>>)
      tpu.yield
    }) : () -> ()
    %dma_start3A_11 = arith.constant 0 : i32
    %dma_start3A_12 = arith.constant 0 : i32
    %dma_start3A_13 = tpu.memref_slice %arg2[%dma_start3A_11, %dma_start3A_12] : memref<8192x256xf32, #tpu.memory_space<hbm>> -> memref<8192x256xf32, #tpu.memory_space<hbm>>
    tpu.enqueue_indirect_dma source(%dma_start3A_13 : memref<8192x256xf32, #tpu.memory_space<hbm>>) target(%arg6 : memref<128x256xf32, #tpu.memory_space<vmem>>) offsets(%arg5 : memref<128xi32, #tpu.memory_space<vmem>>) semaphore(%arg7 : memref<!tpu.dma_semaphore, #tpu.memory_space<semaphore_mem>>)
    %dma_wait3A_14 = arith.constant 0 : i32
    %dma_wait3A_15 = arith.constant 0 : i32
    %dma_wait3A_16 = tpu.memref_slice %arg2[%dma_wait3A_14, %dma_wait3A_15] : memref<8192x256xf32, #tpu.memory_space<hbm>> -> memref<8192x256xf32, #tpu.memory_space<hbm>>
    tpu.wait_indirect_dma semaphore(%arg7 : memref<!tpu.dma_semaphore, #tpu.memory_space<semaphore_mem>>) src(%dma_wait3A_16 : memref<8192x256xf32, #tpu.memory_space<hbm>>) dst(%arg6 : memref<128x256xf32, #tpu.memory_space<vmem>>)
    "tpu.region"() ({
      %run_scoped3A = tpu.sem_alloc : memref<!tpu.dma_semaphore, #tpu.memory_space<semaphore_mem>>
      %dma_start3A_17 = arith.constant 0 : i32
      %dma_start3A_18 = tpu.memref_slice %arg4[%add3A_10, %dma_start3A_17] : memref<8192x256xf32, #tpu.memory_space<hbm>> -> memref<128x256xf32, #tpu.memory_space<hbm>>
      %dma_start3A_19 = arith.constant 0 : i32
      %dma_start3A_20 = tpu.memref_slice %arg4[%add3A_10, %dma_start3A_19] : memref<8192x256xf32, #tpu.memory_space<hbm>> -> memref<128x256xf32, #tpu.memory_space<hbm>>
      tpu.enqueue_dma source(%arg6 : memref<128x256xf32, #tpu.memory_space<vmem>>) target(%dma_start3A_20 : memref<128x256xf32, #tpu.memory_space<hbm>>) target_semaphore(%run_scoped3A : memref<!tpu.dma_semaphore, #tpu.memory_space<semaphore_mem>>)
      %dma_wait3A_21 = arith.constant 0 : i32
      %dma_wait3A_22 = tpu.memref_slice %arg4[%add3A_10, %dma_wait3A_21] : memref<8192x256xf32, #tpu.memory_space<hbm>> -> memref<128x256xf32, #tpu.memory_space<hbm>>
      %dma_wait3A_23 = arith.constant 0 : i32
      %dma_wait3A_24 = tpu.memref_slice %arg4[%add3A_10, %dma_wait3A_23] : memref<8192x256xf32, #tpu.memory_space<hbm>> -> memref<128x256xf32, #tpu.memory_space<hbm>>
      tpu.wait_dma2 semaphore(%run_scoped3A : memref<!tpu.dma_semaphore, #tpu.memory_space<semaphore_mem>>) src(%arg6 : memref<128x256xf32, #tpu.memory_space<vmem>>) dst(%dma_wait3A_24 : memref<128x256xf32, #tpu.memory_space<hbm>>)
      tpu.yield
    }) : () -> ()
    return
  }
}

#map = affine_map<(d0, d1) -> (0, 0)>
#map1 = affine_map<(d0, d1) -> (0)>
module attributes {stable_mosaic.version = 14 : i64} {
  func.func @final(%arg0: i32, %arg1: i32, %arg2: memref<8192x256xf32, #tpu.memory_space<hbm>>, %arg3: memref<8192xi32, #tpu.memory_space<hbm>>, %arg4: memref<8192x256xf32, #tpu.memory_space<hbm>>, %arg5: memref<8192x256xf32, #tpu.memory_space<hbm>>, %arg6: memref<8192x256xf32, #tpu.memory_space<hbm>>, %arg7: memref<128xi32, #tpu.memory_space<vmem>>, %arg8: memref<128x256xf32, #tpu.memory_space<vmem>>, %arg9: memref<128x256xf32, #tpu.memory_space<vmem>>, %arg10: memref<128x256xf32, #tpu.memory_space<vmem>>, %arg11: memref<!tpu.dma_semaphore, #tpu.memory_space<semaphore_mem>>) attributes {dimension_semantics = [#tpu.dimension_semantics<core_parallel>, #tpu.dimension_semantics<subcore_parallel>], iteration_bounds = array<i64: 2, 16>, scalar_prefetch = 0 : i64, scratch_operands = 5 : i64, tpu.core_type = #tpu.core_type<sc_vector_subcore>, window_params = [{transform_indices = #map}, {transform_indices = #map1}, {transform_indices = #map}, {transform_indices = #map}, {transform_indices = #map}]} {
    %mul3A = arith.constant 2 : i32
    %mul3A_0 = arith.muli %arg1, %mul3A : i32
    %add3A = arith.addi %mul3A_0, %arg0 : i32
    %mul3A_1 = arith.constant 256 : i32
    %mul3A_2 = arith.muli %add3A, %mul3A_1 : i32
    %add3A_3 = arith.constant 0 : i32
    %add3A_4 = arith.addi %mul3A_2, %add3A_3 : i32
    "tpu.region"() ({
      %run_scoped3A = tpu.sem_alloc : memref<!tpu.dma_semaphore, #tpu.memory_space<semaphore_mem>>
      %dma_start3A_30 = tpu.memref_slice %arg3[%add3A_4] : memref<8192xi32, #tpu.memory_space<hbm>> -> memref<128xi32, #tpu.memory_space<hbm>>
      %dma_start3A_31 = tpu.memref_slice %arg3[%add3A_4] : memref<8192xi32, #tpu.memory_space<hbm>> -> memref<128xi32, #tpu.memory_space<hbm>>
      tpu.enqueue_dma source(%dma_start3A_31 : memref<128xi32, #tpu.memory_space<hbm>>) target(%arg7 : memref<128xi32, #tpu.memory_space<vmem>>) target_semaphore(%run_scoped3A : memref<!tpu.dma_semaphore, #tpu.memory_space<semaphore_mem>>)
      %dma_wait3A_32 = tpu.memref_slice %arg3[%add3A_4] : memref<8192xi32, #tpu.memory_space<hbm>> -> memref<128xi32, #tpu.memory_space<hbm>>
      %dma_wait3A_33 = tpu.memref_slice %arg3[%add3A_4] : memref<8192xi32, #tpu.memory_space<hbm>> -> memref<128xi32, #tpu.memory_space<hbm>>
      tpu.wait_dma2 semaphore(%run_scoped3A : memref<!tpu.dma_semaphore, #tpu.memory_space<semaphore_mem>>) src(%dma_wait3A_33 : memref<128xi32, #tpu.memory_space<hbm>>) dst(%arg7 : memref<128xi32, #tpu.memory_space<vmem>>)
      tpu.yield
    }) : () -> ()
    %dma_start3A = arith.constant 0 : i32
    %dma_start3A_5 = arith.constant 0 : i32
    %dma_start3A_6 = tpu.memref_slice %arg2[%dma_start3A, %dma_start3A_5] : memref<8192x256xf32, #tpu.memory_space<hbm>> -> memref<8192x256xf32, #tpu.memory_space<hbm>>
    tpu.enqueue_indirect_dma source(%dma_start3A_6 : memref<8192x256xf32, #tpu.memory_space<hbm>>) target(%arg8 : memref<128x256xf32, #tpu.memory_space<vmem>>) offsets(%arg7 : memref<128xi32, #tpu.memory_space<vmem>>) semaphore(%arg11 : memref<!tpu.dma_semaphore, #tpu.memory_space<semaphore_mem>>)
    "tpu.region"() ({
      %run_scoped3A = tpu.sem_alloc : memref<!tpu.dma_semaphore, #tpu.memory_space<semaphore_mem>>
      %dma_start3A_30 = arith.constant 0 : i32
      %dma_start3A_31 = tpu.memref_slice %arg5[%add3A_4, %dma_start3A_30] : memref<8192x256xf32, #tpu.memory_space<hbm>> -> memref<128x256xf32, #tpu.memory_space<hbm>>
      %dma_start3A_32 = arith.constant 0 : i32
      %dma_start3A_33 = tpu.memref_slice %arg5[%add3A_4, %dma_start3A_32] : memref<8192x256xf32, #tpu.memory_space<hbm>> -> memref<128x256xf32, #tpu.memory_space<hbm>>
      tpu.enqueue_dma source(%dma_start3A_33 : memref<128x256xf32, #tpu.memory_space<hbm>>) target(%arg9 : memref<128x256xf32, #tpu.memory_space<vmem>>) target_semaphore(%run_scoped3A : memref<!tpu.dma_semaphore, #tpu.memory_space<semaphore_mem>>)
      %dma_wait3A_34 = arith.constant 0 : i32
      %dma_wait3A_35 = tpu.memref_slice %arg5[%add3A_4, %dma_wait3A_34] : memref<8192x256xf32, #tpu.memory_space<hbm>> -> memref<128x256xf32, #tpu.memory_space<hbm>>
      %dma_wait3A_36 = arith.constant 0 : i32
      %dma_wait3A_37 = tpu.memref_slice %arg5[%add3A_4, %dma_wait3A_36] : memref<8192x256xf32, #tpu.memory_space<hbm>> -> memref<128x256xf32, #tpu.memory_space<hbm>>
      tpu.wait_dma2 semaphore(%run_scoped3A : memref<!tpu.dma_semaphore, #tpu.memory_space<semaphore_mem>>) src(%dma_wait3A_37 : memref<128x256xf32, #tpu.memory_space<hbm>>) dst(%arg9 : memref<128x256xf32, #tpu.memory_space<vmem>>)
      tpu.yield
    }) : () -> ()
    "tpu.region"() ({
      %run_scoped3A = tpu.sem_alloc : memref<!tpu.dma_semaphore, #tpu.memory_space<semaphore_mem>>
      %dma_start3A_30 = arith.constant 0 : i32
      %dma_start3A_31 = tpu.memref_slice %arg4[%add3A_4, %dma_start3A_30] : memref<8192x256xf32, #tpu.memory_space<hbm>> -> memref<128x256xf32, #tpu.memory_space<hbm>>
      %dma_start3A_32 = arith.constant 0 : i32
      %dma_start3A_33 = tpu.memref_slice %arg4[%add3A_4, %dma_start3A_32] : memref<8192x256xf32, #tpu.memory_space<hbm>> -> memref<128x256xf32, #tpu.memory_space<hbm>>
      tpu.enqueue_dma source(%dma_start3A_33 : memref<128x256xf32, #tpu.memory_space<hbm>>) target(%arg10 : memref<128x256xf32, #tpu.memory_space<vmem>>) target_semaphore(%run_scoped3A : memref<!tpu.dma_semaphore, #tpu.memory_space<semaphore_mem>>)
      %dma_wait3A_34 = arith.constant 0 : i32
      %dma_wait3A_35 = tpu.memref_slice %arg4[%add3A_4, %dma_wait3A_34] : memref<8192x256xf32, #tpu.memory_space<hbm>> -> memref<128x256xf32, #tpu.memory_space<hbm>>
      %dma_wait3A_36 = arith.constant 0 : i32
      %dma_wait3A_37 = tpu.memref_slice %arg4[%add3A_4, %dma_wait3A_36] : memref<8192x256xf32, #tpu.memory_space<hbm>> -> memref<128x256xf32, #tpu.memory_space<hbm>>
      tpu.wait_dma2 semaphore(%run_scoped3A : memref<!tpu.dma_semaphore, #tpu.memory_space<semaphore_mem>>) src(%dma_wait3A_37 : memref<128x256xf32, #tpu.memory_space<hbm>>) dst(%arg10 : memref<128x256xf32, #tpu.memory_space<vmem>>)
      tpu.yield
    }) : () -> ()
    %dma_wait3A = arith.constant 0 : i32
    %dma_wait3A_7 = arith.constant 0 : i32
    %dma_wait3A_8 = tpu.memref_slice %arg2[%dma_wait3A, %dma_wait3A_7] : memref<8192x256xf32, #tpu.memory_space<hbm>> -> memref<8192x256xf32, #tpu.memory_space<hbm>>
    tpu.wait_indirect_dma semaphore(%arg11 : memref<!tpu.dma_semaphore, #tpu.memory_space<semaphore_mem>>) src(%dma_wait3A_8 : memref<8192x256xf32, #tpu.memory_space<hbm>>) dst(%arg8 : memref<128x256xf32, #tpu.memory_space<vmem>>)
    %scan3A = arith.constant 0 : i32
    %scan3A_9 = arith.constant 0 : i32
    %scan3A_10 = arith.constant 128 : i32
    %scan3A_11 = arith.addi %scan3A_9, %scan3A_10 : i32
    %scan3A_12 = arith.constant 1 : i32
    %scan3A_13 = scf.for %scan3A_30 = %scan3A_9 to %scan3A_11 step %scan3A_12 iter_args(%scan3A_31 = %scan3A) -> (i32)  : i32 {
      %get3A = arith.index_cast %scan3A_30 : i32 to index
      %get3A_32 = arith.constant 0 : index
      %get3A_33 = tpu.vector_load %arg9[%get3A, %get3A_32] {strides = array<i32>} : memref<128x256xf32, #tpu.memory_space<vmem>>, vector<1x16xf32>,
      %get3A_34 = vector.shape_cast %get3A_33 : vector<1x16xf32> to vector<16xf32>
      %get3A_35 = arith.index_cast %scan3A_30 : i32 to index
      %get3A_36 = arith.constant 0 : index
      %get3A_37 = tpu.vector_load %arg10[%get3A_35, %get3A_36] {strides = array<i32>} : memref<128x256xf32, #tpu.memory_space<vmem>>, vector<1x16xf32>,
      %get3A_38 = vector.shape_cast %get3A_37 : vector<1x16xf32> to vector<16xf32>
      %sub3A = arith.subf %get3A_34, %get3A_38 : vector<16xf32>
      %get3A_39 = arith.index_cast %scan3A_30 : i32 to index
      %get3A_40 = arith.constant 0 : index
      %get3A_41 = tpu.vector_load %arg8[%get3A_39, %get3A_40] {strides = array<i32>} : memref<128x256xf32, #tpu.memory_space<vmem>>, vector<1x16xf32>,
      %get3A_42 = vector.shape_cast %get3A_41 : vector<1x16xf32> to vector<16xf32>
      %add3A_43 = arith.addf %sub3A, %get3A_42 : vector<16xf32>
      %swap3A = arith.index_cast %scan3A_30 : i32 to index
      %swap3A_44 = arith.constant 0 : index
      %swap3A_45 = tpu.vector_load %arg9[%swap3A, %swap3A_44] {strides = array<i32>} : memref<128x256xf32, #tpu.memory_space<vmem>>, vector<1x16xf32>,
      %swap3A_46 = vector.shape_cast %swap3A_45 : vector<1x16xf32> to vector<16xf32>
      %swap3A_47 = vector.shape_cast %add3A_43 : vector<16xf32> to vector<1x16xf32>
      tpu.vector_store %arg9[%swap3A, %swap3A_44], %swap3A_47 {strides = array<i32>} : memref<128x256xf32, #tpu.memory_space<vmem>>, vector<1x16xf32>,
      %get3A_48 = arith.index_cast %scan3A_30 : i32 to index
      %get3A_49 = arith.constant 16 : index
      %get3A_50 = tpu.vector_load %arg9[%get3A_48, %get3A_49] {strides = array<i32>} : memref<128x256xf32, #tpu.memory_space<vmem>>, vector<1x16xf32>,
      %get3A_51 = vector.shape_cast %get3A_50 : vector<1x16xf32> to vector<16xf32>
      %get3A_52 = arith.index_cast %scan3A_30 : i32 to index
      %get3A_53 = arith.constant 16 : index
      %get3A_54 = tpu.vector_load %arg10[%get3A_52, %get3A_53] {strides = array<i32>} : memref<128x256xf32, #tpu.memory_space<vmem>>, vector<1x16xf32>,
      %get3A_55 = vector.shape_cast %get3A_54 : vector<1x16xf32> to vector<16xf32>
      %sub3A_56 = arith.subf %get3A_51, %get3A_55 : vector<16xf32>
      %get3A_57 = arith.index_cast %scan3A_30 : i32 to index
      %get3A_58 = arith.constant 16 : index
      %get3A_59 = tpu.vector_load %arg8[%get3A_57, %get3A_58] {strides = array<i32>} : memref<128x256xf32, #tpu.memory_space<vmem>>, vector<1x16xf32>,
      %get3A_60 = vector.shape_cast %get3A_59 : vector<1x16xf32> to vector<16xf32>
      %add3A_61 = arith.addf %sub3A_56, %get3A_60 : vector<16xf32>
      %swap3A_62 = arith.index_cast %scan3A_30 : i32 to index
      %swap3A_63 = arith.constant 16 : index
      %swap3A_64 = tpu.vector_load %arg9[%swap3A_62, %swap3A_63] {strides = array<i32>} : memref<128x256xf32, #tpu.memory_space<vmem>>, vector<1x16xf32>,
      %swap3A_65 = vector.shape_cast %swap3A_64 : vector<1x16xf32> to vector<16xf32>
      %swap3A_66 = vector.shape_cast %add3A_61 : vector<16xf32> to vector<1x16xf32>
      tpu.vector_store %arg9[%swap3A_62, %swap3A_63], %swap3A_66 {strides = array<i32>} : memref<128x256xf32, #tpu.memory_space<vmem>>, vector<1x16xf32>,
      %get3A_67 = arith.index_cast %scan3A_30 : i32 to index
      %get3A_68 = arith.constant 32 : index
      %get3A_69 = tpu.vector_load %arg9[%get3A_67, %get3A_68] {strides = array<i32>} : memref<128x256xf32, #tpu.memory_space<vmem>>, vector<1x16xf32>,
      %get3A_70 = vector.shape_cast %get3A_69 : vector<1x16xf32> to vector<16xf32>
      %get3A_71 = arith.index_cast %scan3A_30 : i32 to index
      %get3A_72 = arith.constant 32 : index
      %get3A_73 = tpu.vector_load %arg10[%get3A_71, %get3A_72] {strides = array<i32>} : memref<128x256xf32, #tpu.memory_space<vmem>>, vector<1x16xf32>,
      %get3A_74 = vector.shape_cast %get3A_73 : vector<1x16xf32> to vector<16xf32>
      %sub3A_75 = arith.subf %get3A_70, %get3A_74 : vector<16xf32>
      %get3A_76 = arith.index_cast %scan3A_30 : i32 to index
      %get3A_77 = arith.constant 32 : index
      %get3A_78 = tpu.vector_load %arg8[%get3A_76, %get3A_77] {strides = array<i32>} : memref<128x256xf32, #tpu.memory_space<vmem>>, vector<1x16xf32>,
      %get3A_79 = vector.shape_cast %get3A_78 : vector<1x16xf32> to vector<16xf32>
      %add3A_80 = arith.addf %sub3A_75, %get3A_79 : vector<16xf32>
      %swap3A_81 = arith.index_cast %scan3A_30 : i32 to index
      %swap3A_82 = arith.constant 32 : index
      %swap3A_83 = tpu.vector_load %arg9[%swap3A_81, %swap3A_82] {strides = array<i32>} : memref<128x256xf32, #tpu.memory_space<vmem>>, vector<1x16xf32>,
      %swap3A_84 = vector.shape_cast %swap3A_83 : vector<1x16xf32> to vector<16xf32>
      %swap3A_85 = vector.shape_cast %add3A_80 : vector<16xf32> to vector<1x16xf32>
      tpu.vector_store %arg9[%swap3A_81, %swap3A_82], %swap3A_85 {strides = array<i32>} : memref<128x256xf32, #tpu.memory_space<vmem>>, vector<1x16xf32>,
      %get3A_86 = arith.index_cast %scan3A_30 : i32 to index
      %get3A_87 = arith.constant 48 : index
      %get3A_88 = tpu.vector_load %arg9[%get3A_86, %get3A_87] {strides = array<i32>} : memref<128x256xf32, #tpu.memory_space<vmem>>, vector<1x16xf32>,
      %get3A_89 = vector.shape_cast %get3A_88 : vector<1x16xf32> to vector<16xf32>
      %get3A_90 = arith.index_cast %scan3A_30 : i32 to index
      %get3A_91 = arith.constant 48 : index
      %get3A_92 = tpu.vector_load %arg10[%get3A_90, %get3A_91] {strides = array<i32>} : memref<128x256xf32, #tpu.memory_space<vmem>>, vector<1x16xf32>,
      %get3A_93 = vector.shape_cast %get3A_92 : vector<1x16xf32> to vector<16xf32>
      %sub3A_94 = arith.subf %get3A_89, %get3A_93 : vector<16xf32>
      %get3A_95 = arith.index_cast %scan3A_30 : i32 to index
      %get3A_96 = arith.constant 48 : index
      %get3A_97 = tpu.vector_load %arg8[%get3A_95, %get3A_96] {strides = array<i32>} : memref<128x256xf32, #tpu.memory_space<vmem>>, vector<1x16xf32>,
      %get3A_98 = vector.shape_cast %get3A_97 : vector<1x16xf32> to vector<16xf32>
      %add3A_99 = arith.addf %sub3A_94, %get3A_98 : vector<16xf32>
      %swap3A_100 = arith.index_cast %scan3A_30 : i32 to index
      %swap3A_101 = arith.constant 48 : index
      %swap3A_102 = tpu.vector_load %arg9[%swap3A_100, %swap3A_101] {strides = array<i32>} : memref<128x256xf32, #tpu.memory_space<vmem>>, vector<1x16xf32>,
      %swap3A_103 = vector.shape_cast %swap3A_102 : vector<1x16xf32> to vector<16xf32>
      %swap3A_104 = vector.shape_cast %add3A_99 : vector<16xf32> to vector<1x16xf32>
      tpu.vector_store %arg9[%swap3A_100, %swap3A_101], %swap3A_104 {strides = array<i32>} : memref<128x256xf32, #tpu.memory_space<vmem>>, vector<1x16xf32>,
      %get3A_105 = arith.index_cast %scan3A_30 : i32 to index
      %get3A_106 = arith.constant 64 : index
      %get3A_107 = tpu.vector_load %arg9[%get3A_105, %get3A_106] {strides = array<i32>} : memref<128x256xf32, #tpu.memory_space<vmem>>, vector<1x16xf32>,
      %get3A_108 = vector.shape_cast %get3A_107 : vector<1x16xf32> to vector<16xf32>
      %get3A_109 = arith.index_cast %scan3A_30 : i32 to index
      %get3A_110 = arith.constant 64 : index
      %get3A_111 = tpu.vector_load %arg10[%get3A_109, %get3A_110] {strides = array<i32>} : memref<128x256xf32, #tpu.memory_space<vmem>>, vector<1x16xf32>,
      %get3A_112 = vector.shape_cast %get3A_111 : vector<1x16xf32> to vector<16xf32>
      %sub3A_113 = arith.subf %get3A_108, %get3A_112 : vector<16xf32>
      %get3A_114 = arith.index_cast %scan3A_30 : i32 to index
      %get3A_115 = arith.constant 64 : index
      %get3A_116 = tpu.vector_load %arg8[%get3A_114, %get3A_115] {strides = array<i32>} : memref<128x256xf32, #tpu.memory_space<vmem>>, vector<1x16xf32>,
      %get3A_117 = vector.shape_cast %get3A_116 : vector<1x16xf32> to vector<16xf32>
      %add3A_118 = arith.addf %sub3A_113, %get3A_117 : vector<16xf32>
      %swap3A_119 = arith.index_cast %scan3A_30 : i32 to index
      %swap3A_120 = arith.constant 64 : index
      %swap3A_121 = tpu.vector_load %arg9[%swap3A_119, %swap3A_120] {strides = array<i32>} : memref<128x256xf32, #tpu.memory_space<vmem>>, vector<1x16xf32>,
      %swap3A_122 = vector.shape_cast %swap3A_121 : vector<1x16xf32> to vector<16xf32>
      %swap3A_123 = vector.shape_cast %add3A_118 : vector<16xf32> to vector<1x16xf32>
      tpu.vector_store %arg9[%swap3A_119, %swap3A_120], %swap3A_123 {strides = array<i32>} : memref<128x256xf32, #tpu.memory_space<vmem>>, vector<1x16xf32>,
      %get3A_124 = arith.index_cast %scan3A_30 : i32 to index
      %get3A_125 = arith.constant 80 : index
      %get3A_126 = tpu.vector_load %arg9[%get3A_124, %get3A_125] {strides = array<i32>} : memref<128x256xf32, #tpu.memory_space<vmem>>, vector<1x16xf32>,
      %get3A_127 = vector.shape_cast %get3A_126 : vector<1x16xf32> to vector<16xf32>
      %get3A_128 = arith.index_cast %scan3A_30 : i32 to index
      %get3A_129 = arith.constant 80 : index
      %get3A_130 = tpu.vector_load %arg10[%get3A_128, %get3A_129] {strides = array<i32>} : memref<128x256xf32, #tpu.memory_space<vmem>>, vector<1x16xf32>,
      %get3A_131 = vector.shape_cast %get3A_130 : vector<1x16xf32> to vector<16xf32>
      %sub3A_132 = arith.subf %get3A_127, %get3A_131 : vector<16xf32>
      %get3A_133 = arith.index_cast %scan3A_30 : i32 to index
      %get3A_134 = arith.constant 80 : index
      %get3A_135 = tpu.vector_load %arg8[%get3A_133, %get3A_134] {strides = array<i32>} : memref<128x256xf32, #tpu.memory_space<vmem>>, vector<1x16xf32>,
      %get3A_136 = vector.shape_cast %get3A_135 : vector<1x16xf32> to vector<16xf32>
      %add3A_137 = arith.addf %sub3A_132, %get3A_136 : vector<16xf32>
      %swap3A_138 = arith.index_cast %scan3A_30 : i32 to index
      %swap3A_139 = arith.constant 80 : index
      %swap3A_140 = tpu.vector_load %arg9[%swap3A_138, %swap3A_139] {strides = array<i32>} : memref<128x256xf32, #tpu.memory_space<vmem>>, vector<1x16xf32>,
      %swap3A_141 = vector.shape_cast %swap3A_140 : vector<1x16xf32> to vector<16xf32>
      %swap3A_142 = vector.shape_cast %add3A_137 : vector<16xf32> to vector<1x16xf32>
      tpu.vector_store %arg9[%swap3A_138, %swap3A_139], %swap3A_142 {strides = array<i32>} : memref<128x256xf32, #tpu.memory_space<vmem>>, vector<1x16xf32>,
      %get3A_143 = arith.index_cast %scan3A_30 : i32 to index
      %get3A_144 = arith.constant 96 : index
      %get3A_145 = tpu.vector_load %arg9[%get3A_143, %get3A_144] {strides = array<i32>} : memref<128x256xf32, #tpu.memory_space<vmem>>, vector<1x16xf32>,
      %get3A_146 = vector.shape_cast %get3A_145 : vector<1x16xf32> to vector<16xf32>
      %get3A_147 = arith.index_cast %scan3A_30 : i32 to index
      %get3A_148 = arith.constant 96 : index
      %get3A_149 = tpu.vector_load %arg10[%get3A_147, %get3A_148] {strides = array<i32>} : memref<128x256xf32, #tpu.memory_space<vmem>>, vector<1x16xf32>,
      %get3A_150 = vector.shape_cast %get3A_149 : vector<1x16xf32> to vector<16xf32>
      %sub3A_151 = arith.subf %get3A_146, %get3A_150 : vector<16xf32>
      %get3A_152 = arith.index_cast %scan3A_30 : i32 to index
      %get3A_153 = arith.constant 96 : index
      %get3A_154 = tpu.vector_load %arg8[%get3A_152, %get3A_153] {strides = array<i32>} : memref<128x256xf32, #tpu.memory_space<vmem>>, vector<1x16xf32>,
      %get3A_155 = vector.shape_cast %get3A_154 : vector<1x16xf32> to vector<16xf32>
      %add3A_156 = arith.addf %sub3A_151, %get3A_155 : vector<16xf32>
      %swap3A_157 = arith.index_cast %scan3A_30 : i32 to index
      %swap3A_158 = arith.constant 96 : index
      %swap3A_159 = tpu.vector_load %arg9[%swap3A_157, %swap3A_158] {strides = array<i32>} : memref<128x256xf32, #tpu.memory_space<vmem>>, vector<1x16xf32>,
      %swap3A_160 = vector.shape_cast %swap3A_159 : vector<1x16xf32> to vector<16xf32>
      %swap3A_161 = vector.shape_cast %add3A_156 : vector<16xf32> to vector<1x16xf32>
      tpu.vector_store %arg9[%swap3A_157, %swap3A_158], %swap3A_161 {strides = array<i32>} : memref<128x256xf32, #tpu.memory_space<vmem>>, vector<1x16xf32>,
      %get3A_162 = arith.index_cast %scan3A_30 : i32 to index
      %get3A_163 = arith.constant 112 : index
      %get3A_164 = tpu.vector_load %arg9[%get3A_162, %get3A_163] {strides = array<i32>} : memref<128x256xf32, #tpu.memory_space<vmem>>, vector<1x16xf32>,
      %get3A_165 = vector.shape_cast %get3A_164 : vector<1x16xf32> to vector<16xf32>
      %get3A_166 = arith.index_cast %scan3A_30 : i32 to index
      %get3A_167 = arith.constant 112 : index
      %get3A_168 = tpu.vector_load %arg10[%get3A_166, %get3A_167] {strides = array<i32>} : memref<128x256xf32, #tpu.memory_space<vmem>>, vector<1x16xf32>,
      %get3A_169 = vector.shape_cast %get3A_168 : vector<1x16xf32> to vector<16xf32>
      %sub3A_170 = arith.subf %get3A_165, %get3A_169 : vector<16xf32>
      %get3A_171 = arith.index_cast %scan3A_30 : i32 to index
      %get3A_172 = arith.constant 112 : index
      %get3A_173 = tpu.vector_load %arg8[%get3A_171, %get3A_172] {strides = array<i32>} : memref<128x256xf32, #tpu.memory_space<vmem>>, vector<1x16xf32>,
      %get3A_174 = vector.shape_cast %get3A_173 : vector<1x16xf32> to vector<16xf32>
      %add3A_175 = arith.addf %sub3A_170, %get3A_174 : vector<16xf32>
      %swap3A_176 = arith.index_cast %scan3A_30 : i32 to index
      %swap3A_177 = arith.constant 112 : index
      %swap3A_178 = tpu.vector_load %arg9[%swap3A_176, %swap3A_177] {strides = array<i32>} : memref<128x256xf32, #tpu.memory_space<vmem>>, vector<1x16xf32>,
      %swap3A_179 = vector.shape_cast %swap3A_178 : vector<1x16xf32> to vector<16xf32>
      %swap3A_180 = vector.shape_cast %add3A_175 : vector<16xf32> to vector<1x16xf32>
      tpu.vector_store %arg9[%swap3A_176, %swap3A_177], %swap3A_180 {strides = array<i32>} : memref<128x256xf32, #tpu.memory_space<vmem>>, vector<1x16xf32>,
      %get3A_181 = arith.index_cast %scan3A_30 : i32 to index
      %get3A_182 = arith.constant 128 : index
      %get3A_183 = tpu.vector_load %arg9[%get3A_181, %get3A_182] {strides = array<i32>} : memref<128x256xf32, #tpu.memory_space<vmem>>, vector<1x16xf32>,
      %get3A_184 = vector.shape_cast %get3A_183 : vector<1x16xf32> to vector<16xf32>
      %get3A_185 = arith.index_cast %scan3A_30 : i32 to index
      %get3A_186 = arith.constant 128 : index
      %get3A_187 = tpu.vector_load %arg10[%get3A_185, %get3A_186] {strides = array<i32>} : memref<128x256xf32, #tpu.memory_space<vmem>>, vector<1x16xf32>,
      %get3A_188 = vector.shape_cast %get3A_187 : vector<1x16xf32> to vector<16xf32>
      %sub3A_189 = arith.subf %get3A_184, %get3A_188 : vector<16xf32>
      %get3A_190 = arith.index_cast %scan3A_30 : i32 to index
      %get3A_191 = arith.constant 128 : index
      %get3A_192 = tpu.vector_load %arg8[%get3A_190, %get3A_191] {strides = array<i32>} : memref<128x256xf32, #tpu.memory_space<vmem>>, vector<1x16xf32>,
      %get3A_193 = vector.shape_cast %get3A_192 : vector<1x16xf32> to vector<16xf32>
      %add3A_194 = arith.addf %sub3A_189, %get3A_193 : vector<16xf32>
      %swap3A_195 = arith.index_cast %scan3A_30 : i32 to index
      %swap3A_196 = arith.constant 128 : index
      %swap3A_197 = tpu.vector_load %arg9[%swap3A_195, %swap3A_196] {strides = array<i32>} : memref<128x256xf32, #tpu.memory_space<vmem>>, vector<1x16xf32>,
      %swap3A_198 = vector.shape_cast %swap3A_197 : vector<1x16xf32> to vector<16xf32>
      %swap3A_199 = vector.shape_cast %add3A_194 : vector<16xf32> to vector<1x16xf32>
      tpu.vector_store %arg9[%swap3A_195, %swap3A_196], %swap3A_199 {strides = array<i32>} : memref<128x256xf32, #tpu.memory_space<vmem>>, vector<1x16xf32>,
      %get3A_200 = arith.index_cast %scan3A_30 : i32 to index
      %get3A_201 = arith.constant 144 : index
      %get3A_202 = tpu.vector_load %arg9[%get3A_200, %get3A_201] {strides = array<i32>} : memref<128x256xf32, #tpu.memory_space<vmem>>, vector<1x16xf32>,
      %get3A_203 = vector.shape_cast %get3A_202 : vector<1x16xf32> to vector<16xf32>
      %get3A_204 = arith.index_cast %scan3A_30 : i32 to index
      %get3A_205 = arith.constant 144 : index
      %get3A_206 = tpu.vector_load %arg10[%get3A_204, %get3A_205] {strides = array<i32>} : memref<128x256xf32, #tpu.memory_space<vmem>>, vector<1x16xf32>,
      %get3A_207 = vector.shape_cast %get3A_206 : vector<1x16xf32> to vector<16xf32>
      %sub3A_208 = arith.subf %get3A_203, %get3A_207 : vector<16xf32>
      %get3A_209 = arith.index_cast %scan3A_30 : i32 to index
      %get3A_210 = arith.constant 144 : index
      %get3A_211 = tpu.vector_load %arg8[%get3A_209, %get3A_210] {strides = array<i32>} : memref<128x256xf32, #tpu.memory_space<vmem>>, vector<1x16xf32>,
      %get3A_212 = vector.shape_cast %get3A_211 : vector<1x16xf32> to vector<16xf32>
      %add3A_213 = arith.addf %sub3A_208, %get3A_212 : vector<16xf32>
      %swap3A_214 = arith.index_cast %scan3A_30 : i32 to index
      %swap3A_215 = arith.constant 144 : index
      %swap3A_216 = tpu.vector_load %arg9[%swap3A_214, %swap3A_215] {strides = array<i32>} : memref<128x256xf32, #tpu.memory_space<vmem>>, vector<1x16xf32>,
      %swap3A_217 = vector.shape_cast %swap3A_216 : vector<1x16xf32> to vector<16xf32>
      %swap3A_218 = vector.shape_cast %add3A_213 : vector<16xf32> to vector<1x16xf32>
      tpu.vector_store %arg9[%swap3A_214, %swap3A_215], %swap3A_218 {strides = array<i32>} : memref<128x256xf32, #tpu.memory_space<vmem>>, vector<1x16xf32>,
      %get3A_219 = arith.index_cast %scan3A_30 : i32 to index
      %get3A_220 = arith.constant 160 : index
      %get3A_221 = tpu.vector_load %arg9[%get3A_219, %get3A_220] {strides = array<i32>} : memref<128x256xf32, #tpu.memory_space<vmem>>, vector<1x16xf32>,
      %get3A_222 = vector.shape_cast %get3A_221 : vector<1x16xf32> to vector<16xf32>
      %get3A_223 = arith.index_cast %scan3A_30 : i32 to index
      %get3A_224 = arith.constant 160 : index
      %get3A_225 = tpu.vector_load %arg10[%get3A_223, %get3A_224] {strides = array<i32>} : memref<128x256xf32, #tpu.memory_space<vmem>>, vector<1x16xf32>,
      %get3A_226 = vector.shape_cast %get3A_225 : vector<1x16xf32> to vector<16xf32>
      %sub3A_227 = arith.subf %get3A_222, %get3A_226 : vector<16xf32>
      %get3A_228 = arith.index_cast %scan3A_30 : i32 to index
      %get3A_229 = arith.constant 160 : index
      %get3A_230 = tpu.vector_load %arg8[%get3A_228, %get3A_229] {strides = array<i32>} : memref<128x256xf32, #tpu.memory_space<vmem>>, vector<1x16xf32>,
      %get3A_231 = vector.shape_cast %get3A_230 : vector<1x16xf32> to vector<16xf32>
      %add3A_232 = arith.addf %sub3A_227, %get3A_231 : vector<16xf32>
      %swap3A_233 = arith.index_cast %scan3A_30 : i32 to index
      %swap3A_234 = arith.constant 160 : index
      %swap3A_235 = tpu.vector_load %arg9[%swap3A_233, %swap3A_234] {strides = array<i32>} : memref<128x256xf32, #tpu.memory_space<vmem>>, vector<1x16xf32>,
      %swap3A_236 = vector.shape_cast %swap3A_235 : vector<1x16xf32> to vector<16xf32>
      %swap3A_237 = vector.shape_cast %add3A_232 : vector<16xf32> to vector<1x16xf32>
      tpu.vector_store %arg9[%swap3A_233, %swap3A_234], %swap3A_237 {strides = array<i32>} : memref<128x256xf32, #tpu.memory_space<vmem>>, vector<1x16xf32>,
      %get3A_238 = arith.index_cast %scan3A_30 : i32 to index
      %get3A_239 = arith.constant 176 : index
      %get3A_240 = tpu.vector_load %arg9[%get3A_238, %get3A_239] {strides = array<i32>} : memref<128x256xf32, #tpu.memory_space<vmem>>, vector<1x16xf32>,
      %get3A_241 = vector.shape_cast %get3A_240 : vector<1x16xf32> to vector<16xf32>
      %get3A_242 = arith.index_cast %scan3A_30 : i32 to index
      %get3A_243 = arith.constant 176 : index
      %get3A_244 = tpu.vector_load %arg10[%get3A_242, %get3A_243] {strides = array<i32>} : memref<128x256xf32, #tpu.memory_space<vmem>>, vector<1x16xf32>,
      %get3A_245 = vector.shape_cast %get3A_244 : vector<1x16xf32> to vector<16xf32>
      %sub3A_246 = arith.subf %get3A_241, %get3A_245 : vector<16xf32>
      %get3A_247 = arith.index_cast %scan3A_30 : i32 to index
      %get3A_248 = arith.constant 176 : index
      %get3A_249 = tpu.vector_load %arg8[%get3A_247, %get3A_248] {strides = array<i32>} : memref<128x256xf32, #tpu.memory_space<vmem>>, vector<1x16xf32>,
      %get3A_250 = vector.shape_cast %get3A_249 : vector<1x16xf32> to vector<16xf32>
      %add3A_251 = arith.addf %sub3A_246, %get3A_250 : vector<16xf32>
      %swap3A_252 = arith.index_cast %scan3A_30 : i32 to index
      %swap3A_253 = arith.constant 176 : index
      %swap3A_254 = tpu.vector_load %arg9[%swap3A_252, %swap3A_253] {strides = array<i32>} : memref<128x256xf32, #tpu.memory_space<vmem>>, vector<1x16xf32>,
      %swap3A_255 = vector.shape_cast %swap3A_254 : vector<1x16xf32> to vector<16xf32>
      %swap3A_256 = vector.shape_cast %add3A_251 : vector<16xf32> to vector<1x16xf32>
      tpu.vector_store %arg9[%swap3A_252, %swap3A_253], %swap3A_256 {strides = array<i32>} : memref<128x256xf32, #tpu.memory_space<vmem>>, vector<1x16xf32>,
      %get3A_257 = arith.index_cast %scan3A_30 : i32 to index
      %get3A_258 = arith.constant 192 : index
      %get3A_259 = tpu.vector_load %arg9[%get3A_257, %get3A_258] {strides = array<i32>} : memref<128x256xf32, #tpu.memory_space<vmem>>, vector<1x16xf32>,
      %get3A_260 = vector.shape_cast %get3A_259 : vector<1x16xf32> to vector<16xf32>
      %get3A_261 = arith.index_cast %scan3A_30 : i32 to index
      %get3A_262 = arith.constant 192 : index
      %get3A_263 = tpu.vector_load %arg10[%get3A_261, %get3A_262] {strides = array<i32>} : memref<128x256xf32, #tpu.memory_space<vmem>>, vector<1x16xf32>,
      %get3A_264 = vector.shape_cast %get3A_263 : vector<1x16xf32> to vector<16xf32>
      %sub3A_265 = arith.subf %get3A_260, %get3A_264 : vector<16xf32>
      %get3A_266 = arith.index_cast %scan3A_30 : i32 to index
      %get3A_267 = arith.constant 192 : index
      %get3A_268 = tpu.vector_load %arg8[%get3A_266, %get3A_267] {strides = array<i32>} : memref<128x256xf32, #tpu.memory_space<vmem>>, vector<1x16xf32>,
      %get3A_269 = vector.shape_cast %get3A_268 : vector<1x16xf32> to vector<16xf32>
      %add3A_270 = arith.addf %sub3A_265, %get3A_269 : vector<16xf32>
      %swap3A_271 = arith.index_cast %scan3A_30 : i32 to index
      %swap3A_272 = arith.constant 192 : index
      %swap3A_273 = tpu.vector_load %arg9[%swap3A_271, %swap3A_272] {strides = array<i32>} : memref<128x256xf32, #tpu.memory_space<vmem>>, vector<1x16xf32>,
      %swap3A_274 = vector.shape_cast %swap3A_273 : vector<1x16xf32> to vector<16xf32>
      %swap3A_275 = vector.shape_cast %add3A_270 : vector<16xf32> to vector<1x16xf32>
      tpu.vector_store %arg9[%swap3A_271, %swap3A_272], %swap3A_275 {strides = array<i32>} : memref<128x256xf32, #tpu.memory_space<vmem>>, vector<1x16xf32>,
      %get3A_276 = arith.index_cast %scan3A_30 : i32 to index
      %get3A_277 = arith.constant 208 : index
      %get3A_278 = tpu.vector_load %arg9[%get3A_276, %get3A_277] {strides = array<i32>} : memref<128x256xf32, #tpu.memory_space<vmem>>, vector<1x16xf32>,
      %get3A_279 = vector.shape_cast %get3A_278 : vector<1x16xf32> to vector<16xf32>
      %get3A_280 = arith.index_cast %scan3A_30 : i32 to index
      %get3A_281 = arith.constant 208 : index
      %get3A_282 = tpu.vector_load %arg10[%get3A_280, %get3A_281] {strides = array<i32>} : memref<128x256xf32, #tpu.memory_space<vmem>>, vector<1x16xf32>,
      %get3A_283 = vector.shape_cast %get3A_282 : vector<1x16xf32> to vector<16xf32>
      %sub3A_284 = arith.subf %get3A_279, %get3A_283 : vector<16xf32>
      %get3A_285 = arith.index_cast %scan3A_30 : i32 to index
      %get3A_286 = arith.constant 208 : index
      %get3A_287 = tpu.vector_load %arg8[%get3A_285, %get3A_286] {strides = array<i32>} : memref<128x256xf32, #tpu.memory_space<vmem>>, vector<1x16xf32>,
      %get3A_288 = vector.shape_cast %get3A_287 : vector<1x16xf32> to vector<16xf32>
      %add3A_289 = arith.addf %sub3A_284, %get3A_288 : vector<16xf32>
      %swap3A_290 = arith.index_cast %scan3A_30 : i32 to index
      %swap3A_291 = arith.constant 208 : index
      %swap3A_292 = tpu.vector_load %arg9[%swap3A_290, %swap3A_291] {strides = array<i32>} : memref<128x256xf32, #tpu.memory_space<vmem>>, vector<1x16xf32>,
      %swap3A_293 = vector.shape_cast %swap3A_292 : vector<1x16xf32> to vector<16xf32>
      %swap3A_294 = vector.shape_cast %add3A_289 : vector<16xf32> to vector<1x16xf32>
      tpu.vector_store %arg9[%swap3A_290, %swap3A_291], %swap3A_294 {strides = array<i32>} : memref<128x256xf32, #tpu.memory_space<vmem>>, vector<1x16xf32>,
      %get3A_295 = arith.index_cast %scan3A_30 : i32 to index
      %get3A_296 = arith.constant 224 : index
      %get3A_297 = tpu.vector_load %arg9[%get3A_295, %get3A_296] {strides = array<i32>} : memref<128x256xf32, #tpu.memory_space<vmem>>, vector<1x16xf32>,
      %get3A_298 = vector.shape_cast %get3A_297 : vector<1x16xf32> to vector<16xf32>
      %get3A_299 = arith.index_cast %scan3A_30 : i32 to index
      %get3A_300 = arith.constant 224 : index
      %get3A_301 = tpu.vector_load %arg10[%get3A_299, %get3A_300] {strides = array<i32>} : memref<128x256xf32, #tpu.memory_space<vmem>>, vector<1x16xf32>,
      %get3A_302 = vector.shape_cast %get3A_301 : vector<1x16xf32> to vector<16xf32>
      %sub3A_303 = arith.subf %get3A_298, %get3A_302 : vector<16xf32>
      %get3A_304 = arith.index_cast %scan3A_30 : i32 to index
      %get3A_305 = arith.constant 224 : index
      %get3A_306 = tpu.vector_load %arg8[%get3A_304, %get3A_305] {strides = array<i32>} : memref<128x256xf32, #tpu.memory_space<vmem>>, vector<1x16xf32>,
      %get3A_307 = vector.shape_cast %get3A_306 : vector<1x16xf32> to vector<16xf32>
      %add3A_308 = arith.addf %sub3A_303, %get3A_307 : vector<16xf32>
      %swap3A_309 = arith.index_cast %scan3A_30 : i32 to index
      %swap3A_310 = arith.constant 224 : index
      %swap3A_311 = tpu.vector_load %arg9[%swap3A_309, %swap3A_310] {strides = array<i32>} : memref<128x256xf32, #tpu.memory_space<vmem>>, vector<1x16xf32>,
      %swap3A_312 = vector.shape_cast %swap3A_311 : vector<1x16xf32> to vector<16xf32>
      %swap3A_313 = vector.shape_cast %add3A_308 : vector<16xf32> to vector<1x16xf32>
      tpu.vector_store %arg9[%swap3A_309, %swap3A_310], %swap3A_313 {strides = array<i32>} : memref<128x256xf32, #tpu.memory_space<vmem>>, vector<1x16xf32>,
      %get3A_314 = arith.index_cast %scan3A_30 : i32 to index
      %get3A_315 = arith.constant 240 : index
      %get3A_316 = tpu.vector_load %arg9[%get3A_314, %get3A_315] {strides = array<i32>} : memref<128x256xf32, #tpu.memory_space<vmem>>, vector<1x16xf32>,
      %get3A_317 = vector.shape_cast %get3A_316 : vector<1x16xf32> to vector<16xf32>
      %get3A_318 = arith.index_cast %scan3A_30 : i32 to index
      %get3A_319 = arith.constant 240 : index
      %get3A_320 = tpu.vector_load %arg10[%get3A_318, %get3A_319] {strides = array<i32>} : memref<128x256xf32, #tpu.memory_space<vmem>>, vector<1x16xf32>,
      %get3A_321 = vector.shape_cast %get3A_320 : vector<1x16xf32> to vector<16xf32>
      %sub3A_322 = arith.subf %get3A_317, %get3A_321 : vector<16xf32>
      %get3A_323 = arith.index_cast %scan3A_30 : i32 to index
      %get3A_324 = arith.constant 240 : index
      %get3A_325 = tpu.vector_load %arg8[%get3A_323, %get3A_324] {strides = array<i32>} : memref<128x256xf32, #tpu.memory_space<vmem>>, vector<1x16xf32>,
      %get3A_326 = vector.shape_cast %get3A_325 : vector<1x16xf32> to vector<16xf32>
      %add3A_327 = arith.addf %sub3A_322, %get3A_326 : vector<16xf32>
      %swap3A_328 = arith.index_cast %scan3A_30 : i32 to index
      %swap3A_329 = arith.constant 240 : index
      %swap3A_330 = tpu.vector_load %arg9[%swap3A_328, %swap3A_329] {strides = array<i32>} : memref<128x256xf32, #tpu.memory_space<vmem>>, vector<1x16xf32>,
      %swap3A_331 = vector.shape_cast %swap3A_330 : vector<1x16xf32> to vector<16xf32>
      %swap3A_332 = vector.shape_cast %add3A_327 : vector<16xf32> to vector<1x16xf32>
      tpu.vector_store %arg9[%swap3A_328, %swap3A_329], %swap3A_332 {strides = array<i32>} : memref<128x256xf32, #tpu.memory_space<vmem>>, vector<1x16xf32>,
      %scan3A_333 = arith.constant 0 : i32
      scf.yield %scan3A_333 : i32
    }
    %scan3A_14 = arith.constant 128 : i32
    "tpu.region"() ({
      %run_scoped3A = tpu.sem_alloc : memref<!tpu.dma_semaphore, #tpu.memory_space<semaphore_mem>>
      %dma_start3A_30 = arith.constant 0 : i32
      %dma_start3A_31 = tpu.memref_slice %arg6[%add3A_4, %dma_start3A_30] : memref<8192x256xf32, #tpu.memory_space<hbm>> -> memref<128x256xf32, #tpu.memory_space<hbm>>
      %dma_start3A_32 = arith.constant 0 : i32
      %dma_start3A_33 = tpu.memref_slice %arg6[%add3A_4, %dma_start3A_32] : memref<8192x256xf32, #tpu.memory_space<hbm>> -> memref<128x256xf32, #tpu.memory_space<hbm>>
      tpu.enqueue_dma source(%arg9 : memref<128x256xf32, #tpu.memory_space<vmem>>) target(%dma_start3A_33 : memref<128x256xf32, #tpu.memory_space<hbm>>) target_semaphore(%run_scoped3A : memref<!tpu.dma_semaphore, #tpu.memory_space<semaphore_mem>>)
      %dma_wait3A_34 = arith.constant 0 : i32
      %dma_wait3A_35 = tpu.memref_slice %arg6[%add3A_4, %dma_wait3A_34] : memref<8192x256xf32, #tpu.memory_space<hbm>> -> memref<128x256xf32, #tpu.memory_space<hbm>>
      %dma_wait3A_36 = arith.constant 0 : i32
      %dma_wait3A_37 = tpu.memref_slice %arg6[%add3A_4, %dma_wait3A_36] : memref<8192x256xf32, #tpu.memory_space<hbm>> -> memref<128x256xf32, #tpu.memory_space<hbm>>
      tpu.wait_dma2 semaphore(%run_scoped3A : memref<!tpu.dma_semaphore, #tpu.memory_space<semaphore_mem>>) src(%arg9 : memref<128x256xf32, #tpu.memory_space<vmem>>) dst(%dma_wait3A_37 : memref<128x256xf32, #tpu.memory_space<hbm>>)
      tpu.yield
    }) : () -> ()
    %add3A_15 = arith.constant 128 : i32
    %add3A_16 = arith.addi %mul3A_2, %add3A_15 : i32
    "tpu.region"() ({
      %run_scoped3A = tpu.sem_alloc : memref<!tpu.dma_semaphore, #tpu.memory_space<semaphore_mem>>
      %dma_start3A_30 = tpu.memref_slice %arg3[%add3A_16] : memref<8192xi32, #tpu.memory_space<hbm>> -> memref<128xi32, #tpu.memory_space<hbm>>
      %dma_start3A_31 = tpu.memref_slice %arg3[%add3A_16] : memref<8192xi32, #tpu.memory_space<hbm>> -> memref<128xi32, #tpu.memory_space<hbm>>
      tpu.enqueue_dma source(%dma_start3A_31 : memref<128xi32, #tpu.memory_space<hbm>>) target(%arg7 : memref<128xi32, #tpu.memory_space<vmem>>) target_semaphore(%run_scoped3A : memref<!tpu.dma_semaphore, #tpu.memory_space<semaphore_mem>>)
      %dma_wait3A_32 = tpu.memref_slice %arg3[%add3A_16] : memref<8192xi32, #tpu.memory_space<hbm>> -> memref<128xi32, #tpu.memory_space<hbm>>
      %dma_wait3A_33 = tpu.memref_slice %arg3[%add3A_16] : memref<8192xi32, #tpu.memory_space<hbm>> -> memref<128xi32, #tpu.memory_space<hbm>>
      tpu.wait_dma2 semaphore(%run_scoped3A : memref<!tpu.dma_semaphore, #tpu.memory_space<semaphore_mem>>) src(%dma_wait3A_33 : memref<128xi32, #tpu.memory_space<hbm>>) dst(%arg7 : memref<128xi32, #tpu.memory_space<vmem>>)
      tpu.yield
    }) : () -> ()
    %dma_start3A_17 = arith.constant 0 : i32
    %dma_start3A_18 = arith.constant 0 : i32
    %dma_start3A_19 = tpu.memref_slice %arg2[%dma_start3A_17, %dma_start3A_18] : memref<8192x256xf32, #tpu.memory_space<hbm>> -> memref<8192x256xf32, #tpu.memory_space<hbm>>
    tpu.enqueue_indirect_dma source(%dma_start3A_19 : memref<8192x256xf32, #tpu.memory_space<hbm>>) target(%arg8 : memref<128x256xf32, #tpu.memory_space<vmem>>) offsets(%arg7 : memref<128xi32, #tpu.memory_space<vmem>>) semaphore(%arg11 : memref<!tpu.dma_semaphore, #tpu.memory_space<semaphore_mem>>)
    "tpu.region"() ({
      %run_scoped3A = tpu.sem_alloc : memref<!tpu.dma_semaphore, #tpu.memory_space<semaphore_mem>>
      %dma_start3A_30 = arith.constant 0 : i32
      %dma_start3A_31 = tpu.memref_slice %arg5[%add3A_16, %dma_start3A_30] : memref<8192x256xf32, #tpu.memory_space<hbm>> -> memref<128x256xf32, #tpu.memory_space<hbm>>
      %dma_start3A_32 = arith.constant 0 : i32
      %dma_start3A_33 = tpu.memref_slice %arg5[%add3A_16, %dma_start3A_32] : memref<8192x256xf32, #tpu.memory_space<hbm>> -> memref<128x256xf32, #tpu.memory_space<hbm>>
      tpu.enqueue_dma source(%dma_start3A_33 : memref<128x256xf32, #tpu.memory_space<hbm>>) target(%arg9 : memref<128x256xf32, #tpu.memory_space<vmem>>) target_semaphore(%run_scoped3A : memref<!tpu.dma_semaphore, #tpu.memory_space<semaphore_mem>>)
      %dma_wait3A_34 = arith.constant 0 : i32
      %dma_wait3A_35 = tpu.memref_slice %arg5[%add3A_16, %dma_wait3A_34] : memref<8192x256xf32, #tpu.memory_space<hbm>> -> memref<128x256xf32, #tpu.memory_space<hbm>>
      %dma_wait3A_36 = arith.constant 0 : i32
      %dma_wait3A_37 = tpu.memref_slice %arg5[%add3A_16, %dma_wait3A_36] : memref<8192x256xf32, #tpu.memory_space<hbm>> -> memref<128x256xf32, #tpu.memory_space<hbm>>
      tpu.wait_dma2 semaphore(%run_scoped3A : memref<!tpu.dma_semaphore, #tpu.memory_space<semaphore_mem>>) src(%dma_wait3A_37 : memref<128x256xf32, #tpu.memory_space<hbm>>) dst(%arg9 : memref<128x256xf32, #tpu.memory_space<vmem>>)
      tpu.yield
    }) : () -> ()
    "tpu.region"() ({
      %run_scoped3A = tpu.sem_alloc : memref<!tpu.dma_semaphore, #tpu.memory_space<semaphore_mem>>
      %dma_start3A_30 = arith.constant 0 : i32
      %dma_start3A_31 = tpu.memref_slice %arg4[%add3A_16, %dma_start3A_30] : memref<8192x256xf32, #tpu.memory_space<hbm>> -> memref<128x256xf32, #tpu.memory_space<hbm>>
      %dma_start3A_32 = arith.constant 0 : i32
      %dma_start3A_33 = tpu.memref_slice %arg4[%add3A_16, %dma_start3A_32] : memref<8192x256xf32, #tpu.memory_space<hbm>> -> memref<128x256xf32, #tpu.memory_space<hbm>>
      tpu.enqueue_dma source(%dma_start3A_33 : memref<128x256xf32, #tpu.memory_space<hbm>>) target(%arg10 : memref<128x256xf32, #tpu.memory_space<vmem>>) target_semaphore(%run_scoped3A : memref<!tpu.dma_semaphore, #tpu.memory_space<semaphore_mem>>)
      %dma_wait3A_34 = arith.constant 0 : i32
      %dma_wait3A_35 = tpu.memref_slice %arg4[%add3A_16, %dma_wait3A_34] : memref<8192x256xf32, #tpu.memory_space<hbm>> -> memref<128x256xf32, #tpu.memory_space<hbm>>
      %dma_wait3A_36 = arith.constant 0 : i32
      %dma_wait3A_37 = tpu.memref_slice %arg4[%add3A_16, %dma_wait3A_36] : memref<8192x256xf32, #tpu.memory_space<hbm>> -> memref<128x256xf32, #tpu.memory_space<hbm>>
      tpu.wait_dma2 semaphore(%run_scoped3A : memref<!tpu.dma_semaphore, #tpu.memory_space<semaphore_mem>>) src(%dma_wait3A_37 : memref<128x256xf32, #tpu.memory_space<hbm>>) dst(%arg10 : memref<128x256xf32, #tpu.memory_space<vmem>>)
      tpu.yield
    }) : () -> ()
    %dma_wait3A_20 = arith.constant 0 : i32
    %dma_wait3A_21 = arith.constant 0 : i32
    %dma_wait3A_22 = tpu.memref_slice %arg2[%dma_wait3A_20, %dma_wait3A_21] : memref<8192x256xf32, #tpu.memory_space<hbm>> -> memref<8192x256xf32, #tpu.memory_space<hbm>>
    tpu.wait_indirect_dma semaphore(%arg11 : memref<!tpu.dma_semaphore, #tpu.memory_space<semaphore_mem>>) src(%dma_wait3A_22 : memref<8192x256xf32, #tpu.memory_space<hbm>>) dst(%arg8 : memref<128x256xf32, #tpu.memory_space<vmem>>)
    %scan3A_23 = arith.constant 0 : i32
    %scan3A_24 = arith.constant 0 : i32
    %scan3A_25 = arith.constant 128 : i32
    %scan3A_26 = arith.addi %scan3A_24, %scan3A_25 : i32
    %scan3A_27 = arith.constant 1 : i32
    %scan3A_28 = scf.for %scan3A_30 = %scan3A_24 to %scan3A_26 step %scan3A_27 iter_args(%scan3A_31 = %scan3A_23) -> (i32)  : i32 {
      %get3A = arith.index_cast %scan3A_30 : i32 to index
      %get3A_32 = arith.constant 0 : index
      %get3A_33 = tpu.vector_load %arg9[%get3A, %get3A_32] {strides = array<i32>} : memref<128x256xf32, #tpu.memory_space<vmem>>, vector<1x16xf32>,
      %get3A_34 = vector.shape_cast %get3A_33 : vector<1x16xf32> to vector<16xf32>
      %get3A_35 = arith.index_cast %scan3A_30 : i32 to index
      %get3A_36 = arith.constant 0 : index
      %get3A_37 = tpu.vector_load %arg10[%get3A_35, %get3A_36] {strides = array<i32>} : memref<128x256xf32, #tpu.memory_space<vmem>>, vector<1x16xf32>,
      %get3A_38 = vector.shape_cast %get3A_37 : vector<1x16xf32> to vector<16xf32>
      %sub3A = arith.subf %get3A_34, %get3A_38 : vector<16xf32>
      %get3A_39 = arith.index_cast %scan3A_30 : i32 to index
      %get3A_40 = arith.constant 0 : index
      %get3A_41 = tpu.vector_load %arg8[%get3A_39, %get3A_40] {strides = array<i32>} : memref<128x256xf32, #tpu.memory_space<vmem>>, vector<1x16xf32>,
      %get3A_42 = vector.shape_cast %get3A_41 : vector<1x16xf32> to vector<16xf32>
      %add3A_43 = arith.addf %sub3A, %get3A_42 : vector<16xf32>
      %swap3A = arith.index_cast %scan3A_30 : i32 to index
      %swap3A_44 = arith.constant 0 : index
      %swap3A_45 = tpu.vector_load %arg9[%swap3A, %swap3A_44] {strides = array<i32>} : memref<128x256xf32, #tpu.memory_space<vmem>>, vector<1x16xf32>,
      %swap3A_46 = vector.shape_cast %swap3A_45 : vector<1x16xf32> to vector<16xf32>
      %swap3A_47 = vector.shape_cast %add3A_43 : vector<16xf32> to vector<1x16xf32>
      tpu.vector_store %arg9[%swap3A, %swap3A_44], %swap3A_47 {strides = array<i32>} : memref<128x256xf32, #tpu.memory_space<vmem>>, vector<1x16xf32>,
      %get3A_48 = arith.index_cast %scan3A_30 : i32 to index
      %get3A_49 = arith.constant 16 : index
      %get3A_50 = tpu.vector_load %arg9[%get3A_48, %get3A_49] {strides = array<i32>} : memref<128x256xf32, #tpu.memory_space<vmem>>, vector<1x16xf32>,
      %get3A_51 = vector.shape_cast %get3A_50 : vector<1x16xf32> to vector<16xf32>
      %get3A_52 = arith.index_cast %scan3A_30 : i32 to index
      %get3A_53 = arith.constant 16 : index
      %get3A_54 = tpu.vector_load %arg10[%get3A_52, %get3A_53] {strides = array<i32>} : memref<128x256xf32, #tpu.memory_space<vmem>>, vector<1x16xf32>,
      %get3A_55 = vector.shape_cast %get3A_54 : vector<1x16xf32> to vector<16xf32>
      %sub3A_56 = arith.subf %get3A_51, %get3A_55 : vector<16xf32>
      %get3A_57 = arith.index_cast %scan3A_30 : i32 to index
      %get3A_58 = arith.constant 16 : index
      %get3A_59 = tpu.vector_load %arg8[%get3A_57, %get3A_58] {strides = array<i32>} : memref<128x256xf32, #tpu.memory_space<vmem>>, vector<1x16xf32>,
      %get3A_60 = vector.shape_cast %get3A_59 : vector<1x16xf32> to vector<16xf32>
      %add3A_61 = arith.addf %sub3A_56, %get3A_60 : vector<16xf32>
      %swap3A_62 = arith.index_cast %scan3A_30 : i32 to index
      %swap3A_63 = arith.constant 16 : index
      %swap3A_64 = tpu.vector_load %arg9[%swap3A_62, %swap3A_63] {strides = array<i32>} : memref<128x256xf32, #tpu.memory_space<vmem>>, vector<1x16xf32>,
      %swap3A_65 = vector.shape_cast %swap3A_64 : vector<1x16xf32> to vector<16xf32>
      %swap3A_66 = vector.shape_cast %add3A_61 : vector<16xf32> to vector<1x16xf32>
      tpu.vector_store %arg9[%swap3A_62, %swap3A_63], %swap3A_66 {strides = array<i32>} : memref<128x256xf32, #tpu.memory_space<vmem>>, vector<1x16xf32>,
      %get3A_67 = arith.index_cast %scan3A_30 : i32 to index
      %get3A_68 = arith.constant 32 : index
      %get3A_69 = tpu.vector_load %arg9[%get3A_67, %get3A_68] {strides = array<i32>} : memref<128x256xf32, #tpu.memory_space<vmem>>, vector<1x16xf32>,
      %get3A_70 = vector.shape_cast %get3A_69 : vector<1x16xf32> to vector<16xf32>
      %get3A_71 = arith.index_cast %scan3A_30 : i32 to index
      %get3A_72 = arith.constant 32 : index
      %get3A_73 = tpu.vector_load %arg10[%get3A_71, %get3A_72] {strides = array<i32>} : memref<128x256xf32, #tpu.memory_space<vmem>>, vector<1x16xf32>,
      %get3A_74 = vector.shape_cast %get3A_73 : vector<1x16xf32> to vector<16xf32>
      %sub3A_75 = arith.subf %get3A_70, %get3A_74 : vector<16xf32>
      %get3A_76 = arith.index_cast %scan3A_30 : i32 to index
      %get3A_77 = arith.constant 32 : index
      %get3A_78 = tpu.vector_load %arg8[%get3A_76, %get3A_77] {strides = array<i32>} : memref<128x256xf32, #tpu.memory_space<vmem>>, vector<1x16xf32>,
      %get3A_79 = vector.shape_cast %get3A_78 : vector<1x16xf32> to vector<16xf32>
      %add3A_80 = arith.addf %sub3A_75, %get3A_79 : vector<16xf32>
      %swap3A_81 = arith.index_cast %scan3A_30 : i32 to index
      %swap3A_82 = arith.constant 32 : index
      %swap3A_83 = tpu.vector_load %arg9[%swap3A_81, %swap3A_82] {strides = array<i32>} : memref<128x256xf32, #tpu.memory_space<vmem>>, vector<1x16xf32>,
      %swap3A_84 = vector.shape_cast %swap3A_83 : vector<1x16xf32> to vector<16xf32>
      %swap3A_85 = vector.shape_cast %add3A_80 : vector<16xf32> to vector<1x16xf32>
      tpu.vector_store %arg9[%swap3A_81, %swap3A_82], %swap3A_85 {strides = array<i32>} : memref<128x256xf32, #tpu.memory_space<vmem>>, vector<1x16xf32>,
      %get3A_86 = arith.index_cast %scan3A_30 : i32 to index
      %get3A_87 = arith.constant 48 : index
      %get3A_88 = tpu.vector_load %arg9[%get3A_86, %get3A_87] {strides = array<i32>} : memref<128x256xf32, #tpu.memory_space<vmem>>, vector<1x16xf32>,
      %get3A_89 = vector.shape_cast %get3A_88 : vector<1x16xf32> to vector<16xf32>
      %get3A_90 = arith.index_cast %scan3A_30 : i32 to index
      %get3A_91 = arith.constant 48 : index
      %get3A_92 = tpu.vector_load %arg10[%get3A_90, %get3A_91] {strides = array<i32>} : memref<128x256xf32, #tpu.memory_space<vmem>>, vector<1x16xf32>,
      %get3A_93 = vector.shape_cast %get3A_92 : vector<1x16xf32> to vector<16xf32>
      %sub3A_94 = arith.subf %get3A_89, %get3A_93 : vector<16xf32>
      %get3A_95 = arith.index_cast %scan3A_30 : i32 to index
      %get3A_96 = arith.constant 48 : index
      %get3A_97 = tpu.vector_load %arg8[%get3A_95, %get3A_96] {strides = array<i32>} : memref<128x256xf32, #tpu.memory_space<vmem>>, vector<1x16xf32>,
      %get3A_98 = vector.shape_cast %get3A_97 : vector<1x16xf32> to vector<16xf32>
      %add3A_99 = arith.addf %sub3A_94, %get3A_98 : vector<16xf32>
      %swap3A_100 = arith.index_cast %scan3A_30 : i32 to index
      %swap3A_101 = arith.constant 48 : index
      %swap3A_102 = tpu.vector_load %arg9[%swap3A_100, %swap3A_101] {strides = array<i32>} : memref<128x256xf32, #tpu.memory_space<vmem>>, vector<1x16xf32>,
      %swap3A_103 = vector.shape_cast %swap3A_102 : vector<1x16xf32> to vector<16xf32>
      %swap3A_104 = vector.shape_cast %add3A_99 : vector<16xf32> to vector<1x16xf32>
      tpu.vector_store %arg9[%swap3A_100, %swap3A_101], %swap3A_104 {strides = array<i32>} : memref<128x256xf32, #tpu.memory_space<vmem>>, vector<1x16xf32>,
      %get3A_105 = arith.index_cast %scan3A_30 : i32 to index
      %get3A_106 = arith.constant 64 : index
      %get3A_107 = tpu.vector_load %arg9[%get3A_105, %get3A_106] {strides = array<i32>} : memref<128x256xf32, #tpu.memory_space<vmem>>, vector<1x16xf32>,
      %get3A_108 = vector.shape_cast %get3A_107 : vector<1x16xf32> to vector<16xf32>
      %get3A_109 = arith.index_cast %scan3A_30 : i32 to index
      %get3A_110 = arith.constant 64 : index
      %get3A_111 = tpu.vector_load %arg10[%get3A_109, %get3A_110] {strides = array<i32>} : memref<128x256xf32, #tpu.memory_space<vmem>>, vector<1x16xf32>,
      %get3A_112 = vector.shape_cast %get3A_111 : vector<1x16xf32> to vector<16xf32>
      %sub3A_113 = arith.subf %get3A_108, %get3A_112 : vector<16xf32>
      %get3A_114 = arith.index_cast %scan3A_30 : i32 to index
      %get3A_115 = arith.constant 64 : index
      %get3A_116 = tpu.vector_load %arg8[%get3A_114, %get3A_115] {strides = array<i32>} : memref<128x256xf32, #tpu.memory_space<vmem>>, vector<1x16xf32>,
      %get3A_117 = vector.shape_cast %get3A_116 : vector<1x16xf32> to vector<16xf32>
      %add3A_118 = arith.addf %sub3A_113, %get3A_117 : vector<16xf32>
      %swap3A_119 = arith.index_cast %scan3A_30 : i32 to index
      %swap3A_120 = arith.constant 64 : index
      %swap3A_121 = tpu.vector_load %arg9[%swap3A_119, %swap3A_120] {strides = array<i32>} : memref<128x256xf32, #tpu.memory_space<vmem>>, vector<1x16xf32>,
      %swap3A_122 = vector.shape_cast %swap3A_121 : vector<1x16xf32> to vector<16xf32>
      %swap3A_123 = vector.shape_cast %add3A_118 : vector<16xf32> to vector<1x16xf32>
      tpu.vector_store %arg9[%swap3A_119, %swap3A_120], %swap3A_123 {strides = array<i32>} : memref<128x256xf32, #tpu.memory_space<vmem>>, vector<1x16xf32>,
      %get3A_124 = arith.index_cast %scan3A_30 : i32 to index
      %get3A_125 = arith.constant 80 : index
      %get3A_126 = tpu.vector_load %arg9[%get3A_124, %get3A_125] {strides = array<i32>} : memref<128x256xf32, #tpu.memory_space<vmem>>, vector<1x16xf32>,
      %get3A_127 = vector.shape_cast %get3A_126 : vector<1x16xf32> to vector<16xf32>
      %get3A_128 = arith.index_cast %scan3A_30 : i32 to index
      %get3A_129 = arith.constant 80 : index
      %get3A_130 = tpu.vector_load %arg10[%get3A_128, %get3A_129] {strides = array<i32>} : memref<128x256xf32, #tpu.memory_space<vmem>>, vector<1x16xf32>,
      %get3A_131 = vector.shape_cast %get3A_130 : vector<1x16xf32> to vector<16xf32>
      %sub3A_132 = arith.subf %get3A_127, %get3A_131 : vector<16xf32>
      %get3A_133 = arith.index_cast %scan3A_30 : i32 to index
      %get3A_134 = arith.constant 80 : index
      %get3A_135 = tpu.vector_load %arg8[%get3A_133, %get3A_134] {strides = array<i32>} : memref<128x256xf32, #tpu.memory_space<vmem>>, vector<1x16xf32>,
      %get3A_136 = vector.shape_cast %get3A_135 : vector<1x16xf32> to vector<16xf32>
      %add3A_137 = arith.addf %sub3A_132, %get3A_136 : vector<16xf32>
      %swap3A_138 = arith.index_cast %scan3A_30 : i32 to index
      %swap3A_139 = arith.constant 80 : index
      %swap3A_140 = tpu.vector_load %arg9[%swap3A_138, %swap3A_139] {strides = array<i32>} : memref<128x256xf32, #tpu.memory_space<vmem>>, vector<1x16xf32>,
      %swap3A_141 = vector.shape_cast %swap3A_140 : vector<1x16xf32> to vector<16xf32>
      %swap3A_142 = vector.shape_cast %add3A_137 : vector<16xf32> to vector<1x16xf32>
      tpu.vector_store %arg9[%swap3A_138, %swap3A_139], %swap3A_142 {strides = array<i32>} : memref<128x256xf32, #tpu.memory_space<vmem>>, vector<1x16xf32>,
      %get3A_143 = arith.index_cast %scan3A_30 : i32 to index
      %get3A_144 = arith.constant 96 : index
      %get3A_145 = tpu.vector_load %arg9[%get3A_143, %get3A_144] {strides = array<i32>} : memref<128x256xf32, #tpu.memory_space<vmem>>, vector<1x16xf32>,
      %get3A_146 = vector.shape_cast %get3A_145 : vector<1x16xf32> to vector<16xf32>
      %get3A_147 = arith.index_cast %scan3A_30 : i32 to index
      %get3A_148 = arith.constant 96 : index
      %get3A_149 = tpu.vector_load %arg10[%get3A_147, %get3A_148] {strides = array<i32>} : memref<128x256xf32, #tpu.memory_space<vmem>>, vector<1x16xf32>,
      %get3A_150 = vector.shape_cast %get3A_149 : vector<1x16xf32> to vector<16xf32>
      %sub3A_151 = arith.subf %get3A_146, %get3A_150 : vector<16xf32>
      %get3A_152 = arith.index_cast %scan3A_30 : i32 to index
      %get3A_153 = arith.constant 96 : index
      %get3A_154 = tpu.vector_load %arg8[%get3A_152, %get3A_153] {strides = array<i32>} : memref<128x256xf32, #tpu.memory_space<vmem>>, vector<1x16xf32>,
      %get3A_155 = vector.shape_cast %get3A_154 : vector<1x16xf32> to vector<16xf32>
      %add3A_156 = arith.addf %sub3A_151, %get3A_155 : vector<16xf32>
      %swap3A_157 = arith.index_cast %scan3A_30 : i32 to index
      %swap3A_158 = arith.constant 96 : index
      %swap3A_159 = tpu.vector_load %arg9[%swap3A_157, %swap3A_158] {strides = array<i32>} : memref<128x256xf32, #tpu.memory_space<vmem>>, vector<1x16xf32>,
      %swap3A_160 = vector.shape_cast %swap3A_159 : vector<1x16xf32> to vector<16xf32>
      %swap3A_161 = vector.shape_cast %add3A_156 : vector<16xf32> to vector<1x16xf32>
      tpu.vector_store %arg9[%swap3A_157, %swap3A_158], %swap3A_161 {strides = array<i32>} : memref<128x256xf32, #tpu.memory_space<vmem>>, vector<1x16xf32>,
      %get3A_162 = arith.index_cast %scan3A_30 : i32 to index
      %get3A_163 = arith.constant 112 : index
      %get3A_164 = tpu.vector_load %arg9[%get3A_162, %get3A_163] {strides = array<i32>} : memref<128x256xf32, #tpu.memory_space<vmem>>, vector<1x16xf32>,
      %get3A_165 = vector.shape_cast %get3A_164 : vector<1x16xf32> to vector<16xf32>
      %get3A_166 = arith.index_cast %scan3A_30 : i32 to index
      %get3A_167 = arith.constant 112 : index
      %get3A_168 = tpu.vector_load %arg10[%get3A_166, %get3A_167] {strides = array<i32>} : memref<128x256xf32, #tpu.memory_space<vmem>>, vector<1x16xf32>,
      %get3A_169 = vector.shape_cast %get3A_168 : vector<1x16xf32> to vector<16xf32>
      %sub3A_170 = arith.subf %get3A_165, %get3A_169 : vector<16xf32>
      %get3A_171 = arith.index_cast %scan3A_30 : i32 to index
      %get3A_172 = arith.constant 112 : index
      %get3A_173 = tpu.vector_load %arg8[%get3A_171, %get3A_172] {strides = array<i32>} : memref<128x256xf32, #tpu.memory_space<vmem>>, vector<1x16xf32>,
      %get3A_174 = vector.shape_cast %get3A_173 : vector<1x16xf32> to vector<16xf32>
      %add3A_175 = arith.addf %sub3A_170, %get3A_174 : vector<16xf32>
      %swap3A_176 = arith.index_cast %scan3A_30 : i32 to index
      %swap3A_177 = arith.constant 112 : index
      %swap3A_178 = tpu.vector_load %arg9[%swap3A_176, %swap3A_177] {strides = array<i32>} : memref<128x256xf32, #tpu.memory_space<vmem>>, vector<1x16xf32>,
      %swap3A_179 = vector.shape_cast %swap3A_178 : vector<1x16xf32> to vector<16xf32>
      %swap3A_180 = vector.shape_cast %add3A_175 : vector<16xf32> to vector<1x16xf32>
      tpu.vector_store %arg9[%swap3A_176, %swap3A_177], %swap3A_180 {strides = array<i32>} : memref<128x256xf32, #tpu.memory_space<vmem>>, vector<1x16xf32>,
      %get3A_181 = arith.index_cast %scan3A_30 : i32 to index
      %get3A_182 = arith.constant 128 : index
      %get3A_183 = tpu.vector_load %arg9[%get3A_181, %get3A_182] {strides = array<i32>} : memref<128x256xf32, #tpu.memory_space<vmem>>, vector<1x16xf32>,
      %get3A_184 = vector.shape_cast %get3A_183 : vector<1x16xf32> to vector<16xf32>
      %get3A_185 = arith.index_cast %scan3A_30 : i32 to index
      %get3A_186 = arith.constant 128 : index
      %get3A_187 = tpu.vector_load %arg10[%get3A_185, %get3A_186] {strides = array<i32>} : memref<128x256xf32, #tpu.memory_space<vmem>>, vector<1x16xf32>,
      %get3A_188 = vector.shape_cast %get3A_187 : vector<1x16xf32> to vector<16xf32>
      %sub3A_189 = arith.subf %get3A_184, %get3A_188 : vector<16xf32>
      %get3A_190 = arith.index_cast %scan3A_30 : i32 to index
      %get3A_191 = arith.constant 128 : index
      %get3A_192 = tpu.vector_load %arg8[%get3A_190, %get3A_191] {strides = array<i32>} : memref<128x256xf32, #tpu.memory_space<vmem>>, vector<1x16xf32>,
      %get3A_193 = vector.shape_cast %get3A_192 : vector<1x16xf32> to vector<16xf32>
      %add3A_194 = arith.addf %sub3A_189, %get3A_193 : vector<16xf32>
      %swap3A_195 = arith.index_cast %scan3A_30 : i32 to index
      %swap3A_196 = arith.constant 128 : index
      %swap3A_197 = tpu.vector_load %arg9[%swap3A_195, %swap3A_196] {strides = array<i32>} : memref<128x256xf32, #tpu.memory_space<vmem>>, vector<1x16xf32>,
      %swap3A_198 = vector.shape_cast %swap3A_197 : vector<1x16xf32> to vector<16xf32>
      %swap3A_199 = vector.shape_cast %add3A_194 : vector<16xf32> to vector<1x16xf32>
      tpu.vector_store %arg9[%swap3A_195, %swap3A_196], %swap3A_199 {strides = array<i32>} : memref<128x256xf32, #tpu.memory_space<vmem>>, vector<1x16xf32>,
      %get3A_200 = arith.index_cast %scan3A_30 : i32 to index
      %get3A_201 = arith.constant 144 : index
      %get3A_202 = tpu.vector_load %arg9[%get3A_200, %get3A_201] {strides = array<i32>} : memref<128x256xf32, #tpu.memory_space<vmem>>, vector<1x16xf32>,
      %get3A_203 = vector.shape_cast %get3A_202 : vector<1x16xf32> to vector<16xf32>
      %get3A_204 = arith.index_cast %scan3A_30 : i32 to index
      %get3A_205 = arith.constant 144 : index
      %get3A_206 = tpu.vector_load %arg10[%get3A_204, %get3A_205] {strides = array<i32>} : memref<128x256xf32, #tpu.memory_space<vmem>>, vector<1x16xf32>,
      %get3A_207 = vector.shape_cast %get3A_206 : vector<1x16xf32> to vector<16xf32>
      %sub3A_208 = arith.subf %get3A_203, %get3A_207 : vector<16xf32>
      %get3A_209 = arith.index_cast %scan3A_30 : i32 to index
      %get3A_210 = arith.constant 144 : index
      %get3A_211 = tpu.vector_load %arg8[%get3A_209, %get3A_210] {strides = array<i32>} : memref<128x256xf32, #tpu.memory_space<vmem>>, vector<1x16xf32>,
      %get3A_212 = vector.shape_cast %get3A_211 : vector<1x16xf32> to vector<16xf32>
      %add3A_213 = arith.addf %sub3A_208, %get3A_212 : vector<16xf32>
      %swap3A_214 = arith.index_cast %scan3A_30 : i32 to index
      %swap3A_215 = arith.constant 144 : index
      %swap3A_216 = tpu.vector_load %arg9[%swap3A_214, %swap3A_215] {strides = array<i32>} : memref<128x256xf32, #tpu.memory_space<vmem>>, vector<1x16xf32>,
      %swap3A_217 = vector.shape_cast %swap3A_216 : vector<1x16xf32> to vector<16xf32>
      %swap3A_218 = vector.shape_cast %add3A_213 : vector<16xf32> to vector<1x16xf32>
      tpu.vector_store %arg9[%swap3A_214, %swap3A_215], %swap3A_218 {strides = array<i32>} : memref<128x256xf32, #tpu.memory_space<vmem>>, vector<1x16xf32>,
      %get3A_219 = arith.index_cast %scan3A_30 : i32 to index
      %get3A_220 = arith.constant 160 : index
      %get3A_221 = tpu.vector_load %arg9[%get3A_219, %get3A_220] {strides = array<i32>} : memref<128x256xf32, #tpu.memory_space<vmem>>, vector<1x16xf32>,
      %get3A_222 = vector.shape_cast %get3A_221 : vector<1x16xf32> to vector<16xf32>
      %get3A_223 = arith.index_cast %scan3A_30 : i32 to index
      %get3A_224 = arith.constant 160 : index
      %get3A_225 = tpu.vector_load %arg10[%get3A_223, %get3A_224] {strides = array<i32>} : memref<128x256xf32, #tpu.memory_space<vmem>>, vector<1x16xf32>,
      %get3A_226 = vector.shape_cast %get3A_225 : vector<1x16xf32> to vector<16xf32>
      %sub3A_227 = arith.subf %get3A_222, %get3A_226 : vector<16xf32>
      %get3A_228 = arith.index_cast %scan3A_30 : i32 to index
      %get3A_229 = arith.constant 160 : index
      %get3A_230 = tpu.vector_load %arg8[%get3A_228, %get3A_229] {strides = array<i32>} : memref<128x256xf32, #tpu.memory_space<vmem>>, vector<1x16xf32>,
      %get3A_231 = vector.shape_cast %get3A_230 : vector<1x16xf32> to vector<16xf32>
      %add3A_232 = arith.addf %sub3A_227, %get3A_231 : vector<16xf32>
      %swap3A_233 = arith.index_cast %scan3A_30 : i32 to index
      %swap3A_234 = arith.constant 160 : index
      %swap3A_235 = tpu.vector_load %arg9[%swap3A_233, %swap3A_234] {strides = array<i32>} : memref<128x256xf32, #tpu.memory_space<vmem>>, vector<1x16xf32>,
      %swap3A_236 = vector.shape_cast %swap3A_235 : vector<1x16xf32> to vector<16xf32>
      %swap3A_237 = vector.shape_cast %add3A_232 : vector<16xf32> to vector<1x16xf32>
      tpu.vector_store %arg9[%swap3A_233, %swap3A_234], %swap3A_237 {strides = array<i32>} : memref<128x256xf32, #tpu.memory_space<vmem>>, vector<1x16xf32>,
      %get3A_238 = arith.index_cast %scan3A_30 : i32 to index
      %get3A_239 = arith.constant 176 : index
      %get3A_240 = tpu.vector_load %arg9[%get3A_238, %get3A_239] {strides = array<i32>} : memref<128x256xf32, #tpu.memory_space<vmem>>, vector<1x16xf32>,
      %get3A_241 = vector.shape_cast %get3A_240 : vector<1x16xf32> to vector<16xf32>
      %get3A_242 = arith.index_cast %scan3A_30 : i32 to index
      %get3A_243 = arith.constant 176 : index
      %get3A_244 = tpu.vector_load %arg10[%get3A_242, %get3A_243] {strides = array<i32>} : memref<128x256xf32, #tpu.memory_space<vmem>>, vector<1x16xf32>,
      %get3A_245 = vector.shape_cast %get3A_244 : vector<1x16xf32> to vector<16xf32>
      %sub3A_246 = arith.subf %get3A_241, %get3A_245 : vector<16xf32>
      %get3A_247 = arith.index_cast %scan3A_30 : i32 to index
      %get3A_248 = arith.constant 176 : index
      %get3A_249 = tpu.vector_load %arg8[%get3A_247, %get3A_248] {strides = array<i32>} : memref<128x256xf32, #tpu.memory_space<vmem>>, vector<1x16xf32>,
      %get3A_250 = vector.shape_cast %get3A_249 : vector<1x16xf32> to vector<16xf32>
      %add3A_251 = arith.addf %sub3A_246, %get3A_250 : vector<16xf32>
      %swap3A_252 = arith.index_cast %scan3A_30 : i32 to index
      %swap3A_253 = arith.constant 176 : index
      %swap3A_254 = tpu.vector_load %arg9[%swap3A_252, %swap3A_253] {strides = array<i32>} : memref<128x256xf32, #tpu.memory_space<vmem>>, vector<1x16xf32>,
      %swap3A_255 = vector.shape_cast %swap3A_254 : vector<1x16xf32> to vector<16xf32>
      %swap3A_256 = vector.shape_cast %add3A_251 : vector<16xf32> to vector<1x16xf32>
      tpu.vector_store %arg9[%swap3A_252, %swap3A_253], %swap3A_256 {strides = array<i32>} : memref<128x256xf32, #tpu.memory_space<vmem>>, vector<1x16xf32>,
      %get3A_257 = arith.index_cast %scan3A_30 : i32 to index
      %get3A_258 = arith.constant 192 : index
      %get3A_259 = tpu.vector_load %arg9[%get3A_257, %get3A_258] {strides = array<i32>} : memref<128x256xf32, #tpu.memory_space<vmem>>, vector<1x16xf32>,
      %get3A_260 = vector.shape_cast %get3A_259 : vector<1x16xf32> to vector<16xf32>
      %get3A_261 = arith.index_cast %scan3A_30 : i32 to index
      %get3A_262 = arith.constant 192 : index
      %get3A_263 = tpu.vector_load %arg10[%get3A_261, %get3A_262] {strides = array<i32>} : memref<128x256xf32, #tpu.memory_space<vmem>>, vector<1x16xf32>,
      %get3A_264 = vector.shape_cast %get3A_263 : vector<1x16xf32> to vector<16xf32>
      %sub3A_265 = arith.subf %get3A_260, %get3A_264 : vector<16xf32>
      %get3A_266 = arith.index_cast %scan3A_30 : i32 to index
      %get3A_267 = arith.constant 192 : index
      %get3A_268 = tpu.vector_load %arg8[%get3A_266, %get3A_267] {strides = array<i32>} : memref<128x256xf32, #tpu.memory_space<vmem>>, vector<1x16xf32>,
      %get3A_269 = vector.shape_cast %get3A_268 : vector<1x16xf32> to vector<16xf32>
      %add3A_270 = arith.addf %sub3A_265, %get3A_269 : vector<16xf32>
      %swap3A_271 = arith.index_cast %scan3A_30 : i32 to index
      %swap3A_272 = arith.constant 192 : index
      %swap3A_273 = tpu.vector_load %arg9[%swap3A_271, %swap3A_272] {strides = array<i32>} : memref<128x256xf32, #tpu.memory_space<vmem>>, vector<1x16xf32>,
      %swap3A_274 = vector.shape_cast %swap3A_273 : vector<1x16xf32> to vector<16xf32>
      %swap3A_275 = vector.shape_cast %add3A_270 : vector<16xf32> to vector<1x16xf32>
      tpu.vector_store %arg9[%swap3A_271, %swap3A_272], %swap3A_275 {strides = array<i32>} : memref<128x256xf32, #tpu.memory_space<vmem>>, vector<1x16xf32>,
      %get3A_276 = arith.index_cast %scan3A_30 : i32 to index
      %get3A_277 = arith.constant 208 : index
      %get3A_278 = tpu.vector_load %arg9[%get3A_276, %get3A_277] {strides = array<i32>} : memref<128x256xf32, #tpu.memory_space<vmem>>, vector<1x16xf32>,
      %get3A_279 = vector.shape_cast %get3A_278 : vector<1x16xf32> to vector<16xf32>
      %get3A_280 = arith.index_cast %scan3A_30 : i32 to index
      %get3A_281 = arith.constant 208 : index
      %get3A_282 = tpu.vector_load %arg10[%get3A_280, %get3A_281] {strides = array<i32>} : memref<128x256xf32, #tpu.memory_space<vmem>>, vector<1x16xf32>,
      %get3A_283 = vector.shape_cast %get3A_282 : vector<1x16xf32> to vector<16xf32>
      %sub3A_284 = arith.subf %get3A_279, %get3A_283 : vector<16xf32>
      %get3A_285 = arith.index_cast %scan3A_30 : i32 to index
      %get3A_286 = arith.constant 208 : index
      %get3A_287 = tpu.vector_load %arg8[%get3A_285, %get3A_286] {strides = array<i32>} : memref<128x256xf32, #tpu.memory_space<vmem>>, vector<1x16xf32>,
      %get3A_288 = vector.shape_cast %get3A_287 : vector<1x16xf32> to vector<16xf32>
      %add3A_289 = arith.addf %sub3A_284, %get3A_288 : vector<16xf32>
      %swap3A_290 = arith.index_cast %scan3A_30 : i32 to index
      %swap3A_291 = arith.constant 208 : index
      %swap3A_292 = tpu.vector_load %arg9[%swap3A_290, %swap3A_291] {strides = array<i32>} : memref<128x256xf32, #tpu.memory_space<vmem>>, vector<1x16xf32>,
      %swap3A_293 = vector.shape_cast %swap3A_292 : vector<1x16xf32> to vector<16xf32>
      %swap3A_294 = vector.shape_cast %add3A_289 : vector<16xf32> to vector<1x16xf32>
      tpu.vector_store %arg9[%swap3A_290, %swap3A_291], %swap3A_294 {strides = array<i32>} : memref<128x256xf32, #tpu.memory_space<vmem>>, vector<1x16xf32>,
      %get3A_295 = arith.index_cast %scan3A_30 : i32 to index
      %get3A_296 = arith.constant 224 : index
      %get3A_297 = tpu.vector_load %arg9[%get3A_295, %get3A_296] {strides = array<i32>} : memref<128x256xf32, #tpu.memory_space<vmem>>, vector<1x16xf32>,
      %get3A_298 = vector.shape_cast %get3A_297 : vector<1x16xf32> to vector<16xf32>
      %get3A_299 = arith.index_cast %scan3A_30 : i32 to index
      %get3A_300 = arith.constant 224 : index
      %get3A_301 = tpu.vector_load %arg10[%get3A_299, %get3A_300] {strides = array<i32>} : memref<128x256xf32, #tpu.memory_space<vmem>>, vector<1x16xf32>,
      %get3A_302 = vector.shape_cast %get3A_301 : vector<1x16xf32> to vector<16xf32>
      %sub3A_303 = arith.subf %get3A_298, %get3A_302 : vector<16xf32>
      %get3A_304 = arith.index_cast %scan3A_30 : i32 to index
      %get3A_305 = arith.constant 224 : index
      %get3A_306 = tpu.vector_load %arg8[%get3A_304, %get3A_305] {strides = array<i32>} : memref<128x256xf32, #tpu.memory_space<vmem>>, vector<1x16xf32>,
      %get3A_307 = vector.shape_cast %get3A_306 : vector<1x16xf32> to vector<16xf32>
      %add3A_308 = arith.addf %sub3A_303, %get3A_307 : vector<16xf32>
      %swap3A_309 = arith.index_cast %scan3A_30 : i32 to index
      %swap3A_310 = arith.constant 224 : index
      %swap3A_311 = tpu.vector_load %arg9[%swap3A_309, %swap3A_310] {strides = array<i32>} : memref<128x256xf32, #tpu.memory_space<vmem>>, vector<1x16xf32>,
      %swap3A_312 = vector.shape_cast %swap3A_311 : vector<1x16xf32> to vector<16xf32>
      %swap3A_313 = vector.shape_cast %add3A_308 : vector<16xf32> to vector<1x16xf32>
      tpu.vector_store %arg9[%swap3A_309, %swap3A_310], %swap3A_313 {strides = array<i32>} : memref<128x256xf32, #tpu.memory_space<vmem>>, vector<1x16xf32>,
      %get3A_314 = arith.index_cast %scan3A_30 : i32 to index
      %get3A_315 = arith.constant 240 : index
      %get3A_316 = tpu.vector_load %arg9[%get3A_314, %get3A_315] {strides = array<i32>} : memref<128x256xf32, #tpu.memory_space<vmem>>, vector<1x16xf32>,
      %get3A_317 = vector.shape_cast %get3A_316 : vector<1x16xf32> to vector<16xf32>
      %get3A_318 = arith.index_cast %scan3A_30 : i32 to index
      %get3A_319 = arith.constant 240 : index
      %get3A_320 = tpu.vector_load %arg10[%get3A_318, %get3A_319] {strides = array<i32>} : memref<128x256xf32, #tpu.memory_space<vmem>>, vector<1x16xf32>,
      %get3A_321 = vector.shape_cast %get3A_320 : vector<1x16xf32> to vector<16xf32>
      %sub3A_322 = arith.subf %get3A_317, %get3A_321 : vector<16xf32>
      %get3A_323 = arith.index_cast %scan3A_30 : i32 to index
      %get3A_324 = arith.constant 240 : index
      %get3A_325 = tpu.vector_load %arg8[%get3A_323, %get3A_324] {strides = array<i32>} : memref<128x256xf32, #tpu.memory_space<vmem>>, vector<1x16xf32>,
      %get3A_326 = vector.shape_cast %get3A_325 : vector<1x16xf32> to vector<16xf32>
      %add3A_327 = arith.addf %sub3A_322, %get3A_326 : vector<16xf32>
      %swap3A_328 = arith.index_cast %scan3A_30 : i32 to index
      %swap3A_329 = arith.constant 240 : index
      %swap3A_330 = tpu.vector_load %arg9[%swap3A_328, %swap3A_329] {strides = array<i32>} : memref<128x256xf32, #tpu.memory_space<vmem>>, vector<1x16xf32>,
      %swap3A_331 = vector.shape_cast %swap3A_330 : vector<1x16xf32> to vector<16xf32>
      %swap3A_332 = vector.shape_cast %add3A_327 : vector<16xf32> to vector<1x16xf32>
      tpu.vector_store %arg9[%swap3A_328, %swap3A_329], %swap3A_332 {strides = array<i32>} : memref<128x256xf32, #tpu.memory_space<vmem>>, vector<1x16xf32>,
      %scan3A_333 = arith.constant 0 : i32
      scf.yield %scan3A_333 : i32
    }
    %scan3A_29 = arith.constant 128 : i32
    "tpu.region"() ({
      %run_scoped3A = tpu.sem_alloc : memref<!tpu.dma_semaphore, #tpu.memory_space<semaphore_mem>>
      %dma_start3A_30 = arith.constant 0 : i32
      %dma_start3A_31 = tpu.memref_slice %arg6[%add3A_16, %dma_start3A_30] : memref<8192x256xf32, #tpu.memory_space<hbm>> -> memref<128x256xf32, #tpu.memory_space<hbm>>
      %dma_start3A_32 = arith.constant 0 : i32
      %dma_start3A_33 = tpu.memref_slice %arg6[%add3A_16, %dma_start3A_32] : memref<8192x256xf32, #tpu.memory_space<hbm>> -> memref<128x256xf32, #tpu.memory_space<hbm>>
      tpu.enqueue_dma source(%arg9 : memref<128x256xf32, #tpu.memory_space<vmem>>) target(%dma_start3A_33 : memref<128x256xf32, #tpu.memory_space<hbm>>) target_semaphore(%run_scoped3A : memref<!tpu.dma_semaphore, #tpu.memory_space<semaphore_mem>>)
      %dma_wait3A_34 = arith.constant 0 : i32
      %dma_wait3A_35 = tpu.memref_slice %arg6[%add3A_16, %dma_wait3A_34] : memref<8192x256xf32, #tpu.memory_space<hbm>> -> memref<128x256xf32, #tpu.memory_space<hbm>>
      %dma_wait3A_36 = arith.constant 0 : i32
      %dma_wait3A_37 = tpu.memref_slice %arg6[%add3A_16, %dma_wait3A_36] : memref<8192x256xf32, #tpu.memory_space<hbm>> -> memref<128x256xf32, #tpu.memory_space<hbm>>
      tpu.wait_dma2 semaphore(%run_scoped3A : memref<!tpu.dma_semaphore, #tpu.memory_space<semaphore_mem>>) src(%arg9 : memref<128x256xf32, #tpu.memory_space<vmem>>) dst(%dma_wait3A_37 : memref<128x256xf32, #tpu.memory_space<hbm>>)
      tpu.yield
    }) : () -> ()
    return
  }
}

#map = affine_map<(d0, d1) -> (0, 0)>
#map1 = affine_map<(d0, d1) -> (0)>
module attributes {stable_mosaic.version = 14 : i64} {
  func.func @gather(%arg0: i32, %arg1: i32, %arg2: memref<8192x256xf32, #tpu.memory_space<hbm>>, %arg3: memref<8192xi32, #tpu.memory_space<hbm>>, %arg4: memref<8192x256xf32, #tpu.memory_space<hbm>>, %arg5: memref<128xi32, #tpu.memory_space<vmem>>, %arg6: memref<128x256xf32, #tpu.memory_space<vmem>>, %arg7: memref<!tpu.dma_semaphore, #tpu.memory_space<semaphore_mem>>) attributes {dimension_semantics = [#tpu.dimension_semantics<core_parallel>, #tpu.dimension_semantics<subcore_parallel>], iteration_bounds = array<i64: 2, 16>, scalar_prefetch = 0 : i64, scratch_operands = 3 : i64, tpu.core_type = #tpu.core_type<sc_vector_subcore>, window_params = [{transform_indices = #map}, {transform_indices = #map1}, {transform_indices = #map}]} {
    %mul3A = arith.constant 2 : i32
    %mul3A_0 = arith.muli %arg1, %mul3A : i32
    %add3A = arith.addi %mul3A_0, %arg0 : i32
    %mul3A_1 = arith.constant 256 : i32
    %mul3A_2 = arith.muli %add3A, %mul3A_1 : i32
    %add3A_3 = arith.constant 0 : i32
    %add3A_4 = arith.addi %mul3A_2, %add3A_3 : i32
    "tpu.region"() ({
      %run_scoped3A = tpu.sem_alloc : memref<!tpu.dma_semaphore, #tpu.memory_space<semaphore_mem>>
      %dma_start3A_17 = tpu.memref_slice %arg3[%add3A_4] : memref<8192xi32, #tpu.memory_space<hbm>> -> memref<128xi32, #tpu.memory_space<hbm>>
      %dma_start3A_18 = tpu.memref_slice %arg3[%add3A_4] : memref<8192xi32, #tpu.memory_space<hbm>> -> memref<128xi32, #tpu.memory_space<hbm>>
      tpu.enqueue_dma source(%dma_start3A_18 : memref<128xi32, #tpu.memory_space<hbm>>) target(%arg5 : memref<128xi32, #tpu.memory_space<vmem>>) target_semaphore(%run_scoped3A : memref<!tpu.dma_semaphore, #tpu.memory_space<semaphore_mem>>)
      %dma_wait3A_19 = tpu.memref_slice %arg3[%add3A_4] : memref<8192xi32, #tpu.memory_space<hbm>> -> memref<128xi32, #tpu.memory_space<hbm>>
      %dma_wait3A_20 = tpu.memref_slice %arg3[%add3A_4] : memref<8192xi32, #tpu.memory_space<hbm>> -> memref<128xi32, #tpu.memory_space<hbm>>
      tpu.wait_dma2 semaphore(%run_scoped3A : memref<!tpu.dma_semaphore, #tpu.memory_space<semaphore_mem>>) src(%dma_wait3A_20 : memref<128xi32, #tpu.memory_space<hbm>>) dst(%arg5 : memref<128xi32, #tpu.memory_space<vmem>>)
      tpu.yield
    }) : () -> ()
    %dma_start3A = arith.constant 0 : i32
    %dma_start3A_5 = arith.constant 0 : i32
    %dma_start3A_6 = tpu.memref_slice %arg2[%dma_start3A, %dma_start3A_5] : memref<8192x256xf32, #tpu.memory_space<hbm>> -> memref<8192x256xf32, #tpu.memory_space<hbm>>
    tpu.enqueue_indirect_dma source(%dma_start3A_6 : memref<8192x256xf32, #tpu.memory_space<hbm>>) target(%arg6 : memref<128x256xf32, #tpu.memory_space<vmem>>) offsets(%arg5 : memref<128xi32, #tpu.memory_space<vmem>>) semaphore(%arg7 : memref<!tpu.dma_semaphore, #tpu.memory_space<semaphore_mem>>)
    %dma_wait3A = arith.constant 0 : i32
    %dma_wait3A_7 = arith.constant 0 : i32
    %dma_wait3A_8 = tpu.memref_slice %arg2[%dma_wait3A, %dma_wait3A_7] : memref<8192x256xf32, #tpu.memory_space<hbm>> -> memref<8192x256xf32, #tpu.memory_space<hbm>>
    tpu.wait_indirect_dma semaphore(%arg7 : memref<!tpu.dma_semaphore, #tpu.memory_space<semaphore_mem>>) src(%dma_wait3A_8 : memref<8192x256xf32, #tpu.memory_space<hbm>>) dst(%arg6 : memref<128x256xf32, #tpu.memory_space<vmem>>)
    "tpu.region"() ({
      %run_scoped3A = tpu.sem_alloc : memref<!tpu.dma_semaphore, #tpu.memory_space<semaphore_mem>>
      %dma_start3A_17 = arith.constant 0 : i32
      %dma_start3A_18 = tpu.memref_slice %arg4[%add3A_4, %dma_start3A_17] : memref<8192x256xf32, #tpu.memory_space<hbm>> -> memref<128x256xf32, #tpu.memory_space<hbm>>
      %dma_start3A_19 = arith.constant 0 : i32
      %dma_start3A_20 = tpu.memref_slice %arg4[%add3A_4, %dma_start3A_19] : memref<8192x256xf32, #tpu.memory_space<hbm>> -> memref<128x256xf32, #tpu.memory_space<hbm>>
      tpu.enqueue_dma source(%arg6 : memref<128x256xf32, #tpu.memory_space<vmem>>) target(%dma_start3A_20 : memref<128x256xf32, #tpu.memory_space<hbm>>) target_semaphore(%run_scoped3A : memref<!tpu.dma_semaphore, #tpu.memory_space<semaphore_mem>>)
      %dma_wait3A_21 = arith.constant 0 : i32
      %dma_wait3A_22 = tpu.memref_slice %arg4[%add3A_4, %dma_wait3A_21] : memref<8192x256xf32, #tpu.memory_space<hbm>> -> memref<128x256xf32, #tpu.memory_space<hbm>>
      %dma_wait3A_23 = arith.constant 0 : i32
      %dma_wait3A_24 = tpu.memref_slice %arg4[%add3A_4, %dma_wait3A_23] : memref<8192x256xf32, #tpu.memory_space<hbm>> -> memref<128x256xf32, #tpu.memory_space<hbm>>
      tpu.wait_dma2 semaphore(%run_scoped3A : memref<!tpu.dma_semaphore, #tpu.memory_space<semaphore_mem>>) src(%arg6 : memref<128x256xf32, #tpu.memory_space<vmem>>) dst(%dma_wait3A_24 : memref<128x256xf32, #tpu.memory_space<hbm>>)
      tpu.yield
    }) : () -> ()
    %add3A_9 = arith.constant 128 : i32
    %add3A_10 = arith.addi %mul3A_2, %add3A_9 : i32
    "tpu.region"() ({
      %run_scoped3A = tpu.sem_alloc : memref<!tpu.dma_semaphore, #tpu.memory_space<semaphore_mem>>
      %dma_start3A_17 = tpu.memref_slice %arg3[%add3A_10] : memref<8192xi32, #tpu.memory_space<hbm>> -> memref<128xi32, #tpu.memory_space<hbm>>
      %dma_start3A_18 = tpu.memref_slice %arg3[%add3A_10] : memref<8192xi32, #tpu.memory_space<hbm>> -> memref<128xi32, #tpu.memory_space<hbm>>
      tpu.enqueue_dma source(%dma_start3A_18 : memref<128xi32, #tpu.memory_space<hbm>>) target(%arg5 : memref<128xi32, #tpu.memory_space<vmem>>) target_semaphore(%run_scoped3A : memref<!tpu.dma_semaphore, #tpu.memory_space<semaphore_mem>>)
      %dma_wait3A_19 = tpu.memref_slice %arg3[%add3A_10] : memref<8192xi32, #tpu.memory_space<hbm>> -> memref<128xi32, #tpu.memory_space<hbm>>
      %dma_wait3A_20 = tpu.memref_slice %arg3[%add3A_10] : memref<8192xi32, #tpu.memory_space<hbm>> -> memref<128xi32, #tpu.memory_space<hbm>>
      tpu.wait_dma2 semaphore(%run_scoped3A : memref<!tpu.dma_semaphore, #tpu.memory_space<semaphore_mem>>) src(%dma_wait3A_20 : memref<128xi32, #tpu.memory_space<hbm>>) dst(%arg5 : memref<128xi32, #tpu.memory_space<vmem>>)
      tpu.yield
    }) : () -> ()
    %dma_start3A_11 = arith.constant 0 : i32
    %dma_start3A_12 = arith.constant 0 : i32
    %dma_start3A_13 = tpu.memref_slice %arg2[%dma_start3A_11, %dma_start3A_12] : memref<8192x256xf32, #tpu.memory_space<hbm>> -> memref<8192x256xf32, #tpu.memory_space<hbm>>
    tpu.enqueue_indirect_dma source(%dma_start3A_13 : memref<8192x256xf32, #tpu.memory_space<hbm>>) target(%arg6 : memref<128x256xf32, #tpu.memory_space<vmem>>) offsets(%arg5 : memref<128xi32, #tpu.memory_space<vmem>>) semaphore(%arg7 : memref<!tpu.dma_semaphore, #tpu.memory_space<semaphore_mem>>)
    %dma_wait3A_14 = arith.constant 0 : i32
    %dma_wait3A_15 = arith.constant 0 : i32
    %dma_wait3A_16 = tpu.memref_slice %arg2[%dma_wait3A_14, %dma_wait3A_15] : memref<8192x256xf32, #tpu.memory_space<hbm>> -> memref<8192x256xf32, #tpu.memory_space<hbm>>
    tpu.wait_indirect_dma semaphore(%arg7 : memref<!tpu.dma_semaphore, #tpu.memory_space<semaphore_mem>>) src(%dma_wait3A_16 : memref<8192x256xf32, #tpu.memory_space<hbm>>) dst(%arg6 : memref<128x256xf32, #tpu.memory_space<vmem>>)
    "tpu.region"() ({
      %run_scoped3A = tpu.sem_alloc : memref<!tpu.dma_semaphore, #tpu.memory_space<semaphore_mem>>
      %dma_start3A_17 = arith.constant 0 : i32
      %dma_start3A_18 = tpu.memref_slice %arg4[%add3A_10, %dma_start3A_17] : memref<8192x256xf32, #tpu.memory_space<hbm>> -> memref<128x256xf32, #tpu.memory_space<hbm>>
      %dma_start3A_19 = arith.constant 0 : i32
      %dma_start3A_20 = tpu.memref_slice %arg4[%add3A_10, %dma_start3A_19] : memref<8192x256xf32, #tpu.memory_space<hbm>> -> memref<128x256xf32, #tpu.memory_space<hbm>>
      tpu.enqueue_dma source(%arg6 : memref<128x256xf32, #tpu.memory_space<vmem>>) target(%dma_start3A_20 : memref<128x256xf32, #tpu.memory_space<hbm>>) target_semaphore(%run_scoped3A : memref<!tpu.dma_semaphore, #tpu.memory_space<semaphore_mem>>)
      %dma_wait3A_21 = arith.constant 0 : i32
      %dma_wait3A_22 = tpu.memref_slice %arg4[%add3A_10, %dma_wait3A_21] : memref<8192x256xf32, #tpu.memory_space<hbm>> -> memref<128x256xf32, #tpu.memory_space<hbm>>
      %dma_wait3A_23 = arith.constant 0 : i32
      %dma_wait3A_24 = tpu.memref_slice %arg4[%add3A_10, %dma_wait3A_23] : memref<8192x256xf32, #tpu.memory_space<hbm>> -> memref<128x256xf32, #tpu.memory_space<hbm>>
      tpu.wait_dma2 semaphore(%run_scoped3A : memref<!tpu.dma_semaphore, #tpu.memory_space<semaphore_mem>>) src(%arg6 : memref<128x256xf32, #tpu.memory_space<vmem>>) dst(%dma_wait3A_24 : memref<128x256xf32, #tpu.memory_space<hbm>>)
      tpu.yield
    }) : () -> ()
    return
  }
}

module attributes {stable_mosaic.version = 14 : i64} {
  func.func @_head0_body(%arg0: i32, %arg1: memref<256x256xf32, #tpu.memory_space<vmem>>, %arg2: memref<8192x256xf32, #tpu.memory_space<vmem>>, %arg3: memref<1x1x256xi32, #tpu.memory_space<vmem>>) attributes {dimension_semantics = [#tpu.dimension_semantics<arbitrary>], iteration_bounds = array<i64: 32>, scalar_prefetch = 0 : i64, scratch_operands = 0 : i64, tpu.core_type = #tpu.core_type<tc>, window_params = [{transform_indices = @transform_0, window_bounds = array<i64: 256, 256>}, {pipeline_mode = #tpu.pipeline_mode<synchronous>, transform_indices = @transform_1, window_bounds = array<i64: 8192, 256>}, {transform_indices = @transform_2, window_bounds = array<i64: 1, 1, 256>}]} {
    %get3A = arith.constant 0 : index
    %get3A_0 = arith.constant 0 : index
    %get3A_1 = vector.load %arg1[%get3A, %get3A_0] : memref<256x256xf32, #tpu.memory_space<vmem>>, vector<256x256xf32>
    %mul3A = arith.mulf %get3A_1, %get3A_1 : vector<256x256xf32>
    %reduce_sum3A = arith.constant dense<0.000000e+00> : vector<256xf32>
    %reduce_sum3A_2 = vector.multi_reduction <add>, %mul3A, %reduce_sum3A [1] : vector<256x256xf32> to vector<256xf32>
    %broadcast_in_dim3A = vector.shape_cast %reduce_sum3A_2 : vector<256xf32> to vector<256x1xf32>
    %broadcast_in_dim3A_3 = arith.constant 0x7F800000 : f32
    %broadcast_in_dim3A_4 = vector.broadcast %broadcast_in_dim3A_3 : f32 to vector<256x1xf32>
    %broadcast_in_dim3A_5 = arith.constant 0 : i32
    %broadcast_in_dim3A_6 = vector.broadcast %broadcast_in_dim3A_5 : i32 to vector<256x1xi32>
    %scan3A = arith.constant 0 : i32
    %scan3A_7 = arith.constant 8 : i32
    %scan3A_8 = arith.addi %scan3A, %scan3A_7 : i32
    %scan3A_9 = arith.constant 1 : i32
    %scan3A_10:2 = scf.for %scan3A_15 = %scan3A to %scan3A_8 step %scan3A_9 iter_args(%scan3A_16 = %broadcast_in_dim3A_4, %scan3A_17 = %broadcast_in_dim3A_6) -> (vector<256x1xf32>, vector<256x1xi32>)  : i32 {
      %mul3A_18 = arith.constant 1024 : i32
      %mul3A_19 = arith.muli %scan3A_15, %mul3A_18 : i32
      %get3A_20 = arith.index_cast %mul3A_19 : i32 to index
      %get3A_21 = arith.constant 0 : index
      %get3A_22 = vector.load %arg2[%get3A_20, %get3A_21] : memref<8192x256xf32, #tpu.memory_space<vmem>>, vector<1024x256xf32>
      %dot_general3A = arith.constant dense<0.000000e+00> : vector<256x1024xf32>
      %dot_general3A_23 = tpu.matmul %get3A_1, %get3A_22, %dot_general3A {dimension_numbers = #tpu.dot_dimension_numbers<[1], [1], [0], [0], [0, 0, 1, 0], [], []>, transpose_lhs_hint = false} : vector<256x256xf32>, vector<1024x256xf32>, vector<256x1024xf32> -> vector<256x1024xf32>
      %mul3A_24 = arith.mulf %get3A_22, %get3A_22 : vector<1024x256xf32>
      %reduce_sum3A_25 = arith.constant dense<0.000000e+00> : vector<1024xf32>
      %reduce_sum3A_26 = vector.multi_reduction <add>, %mul3A_24, %reduce_sum3A_25 [1] : vector<1024x256xf32> to vector<1024xf32>
      %broadcast_in_dim3A_27 = vector.shape_cast %reduce_sum3A_26 : vector<1024xf32> to vector<1x1024xf32>
      %add3A = vector.broadcast %broadcast_in_dim3A : vector<256x1xf32> to vector<256x1024xf32>
      %add3A_28 = vector.broadcast %broadcast_in_dim3A_27 : vector<1x1024xf32> to vector<256x1024xf32>
      %add3A_29 = arith.addf %add3A, %add3A_28 : vector<256x1024xf32>
      %mul3A_30 = arith.constant 2.000000e+00 : f32
      %mul3A_31 = vector.broadcast %mul3A_30 : f32 to vector<256x1024xf32>
      %mul3A_32 = arith.mulf %mul3A_31, %dot_general3A_23 : vector<256x1024xf32>
      %sub3A = arith.subf %add3A_29, %mul3A_32 : vector<256x1024xf32>
      %reduce_min3A = arith.constant dense<0x7F800000> : vector<256xf32>
      %reduce_min3A_33 = vector.multi_reduction <minimumf>, %sub3A, %reduce_min3A [1] : vector<256x1024xf32> to vector<256xf32>
      %broadcast_in_dim3A_34 = vector.shape_cast %reduce_min3A_33 : vector<256xf32> to vector<256x1xf32>
      %iota3A = tpu.iota {dimensions = array<i32: 1>} : vector<256x1024xi32>
      %mul3A_35 = arith.constant 1024 : i32
      %mul3A_36 = arith.muli %scan3A_15, %mul3A_35 : i32
      %add3A_37 = vector.broadcast %mul3A_36 : i32 to vector<256x1024xi32>
      %add3A_38 = arith.addi %iota3A, %add3A_37 : vector<256x1024xi32>
      %eq3A = vector.broadcast %broadcast_in_dim3A_34 : vector<256x1xf32> to vector<256x1024xf32>
      %eq3A_39 = arith.cmpf oeq, %sub3A, %eq3A : vector<256x1024xf32>
      %jit3A = arith.constant 1073741824 : i32
      %broadcast_in_dim3A_40 = vector.broadcast %jit3A : i32 to vector<256x1024xi32>
      %select_n3A = arith.select %eq3A_39, %add3A_38, %broadcast_in_dim3A_40 : vector<256x1024xi1>, vector<256x1024xi32>
      %reduce_min3A_41 = arith.constant dense<2147483647> : vector<256xi32>
      %reduce_min3A_42 = vector.multi_reduction <minsi>, %select_n3A, %reduce_min3A_41 [1] : vector<256x1024xi32> to vector<256xi32>
      %broadcast_in_dim3A_43 = vector.shape_cast %reduce_min3A_42 : vector<256xi32> to vector<256x1xi32>
      %lt3A = arith.cmpf olt, %broadcast_in_dim3A_34, %scan3A_16 : vector<256x1xf32>
      %select_n3A_44 = arith.select %lt3A, %broadcast_in_dim3A_34, %scan3A_16 : vector<256x1xi1>, vector<256x1xf32>
      %select_n3A_45 = arith.select %lt3A, %broadcast_in_dim3A_43, %scan3A_17 : vector<256x1xi1>, vector<256x1xi32>
      scf.yield %select_n3A_44, %select_n3A_45 : vector<256x1xf32>, vector<256x1xi32>
    }
    %scan3A_11 = arith.constant 8 : i32
    %transpose3A = tpu.transpose %scan3A_10#1, [1, 0] : vector<256x1xi32> -> vector<1x256xi32>
    %reshape3A = vector.shape_cast %transpose3A : vector<1x256xi32> to vector<1x1x256xi32>
    %swap3A = arith.constant 0 : index
    %swap3A_12 = arith.constant 0 : index
    %swap3A_13 = arith.constant 0 : index
    %swap3A_14 = vector.load %arg3[%swap3A, %swap3A_12, %swap3A_13] : memref<1x1x256xi32, #tpu.memory_space<vmem>>, vector<1x1x256xi32>
    tpu.vector_store %arg3[%swap3A, %swap3A_12, %swap3A_13], %reshape3A {strides = array<i32>} : memref<1x1x256xi32, #tpu.memory_space<vmem>>, vector<1x1x256xi32>,
    return
  }
  func.func @transform_0(%arg0: i32) -> (i32, i32) {
    %c0_i32 = arith.constant 0 : i32
    %c0_i32_0 = arith.constant 0 : i32
    return %arg0, %c0_i32 : i32, i32
  }
  func.func @transform_1(%arg0: i32) -> (i32, i32) {
    %c0_i32 = arith.constant 0 : i32
    %c0_i32_0 = arith.constant 0 : i32
    %c0_i32_1 = arith.constant 0 : i32
    return %c0_i32, %c0_i32_0 : i32, i32
  }
  func.func @transform_2(%arg0: i32) -> (i32, i32, i32) {
    %c0_i32 = arith.constant 0 : i32
    %c0_i32_0 = arith.constant 0 : i32
    %c0_i32_1 = arith.constant 0 : i32
    return %arg0, %c0_i32, %c0_i32_0 : i32, i32, i32
  }
}

module attributes {stable_mosaic.version = 14 : i64} {
  func.func @_head_body(%arg0: i32, %arg1: memref<256x256xf32, #tpu.memory_space<vmem>>, %arg2: memref<256x256xf32, #tpu.memory_space<vmem>>, %arg3: memref<8192x256xf32, #tpu.memory_space<vmem>>, %arg4: memref<1x1x256xi32, #tpu.memory_space<vmem>>, %arg5: memref<256x256xf32, #tpu.memory_space<vmem>>) attributes {dimension_semantics = [#tpu.dimension_semantics<arbitrary>], iteration_bounds = array<i64: 32>, scalar_prefetch = 0 : i64, scratch_operands = 0 : i64, tpu.core_type = #tpu.core_type<tc>, window_params = [{transform_indices = @transform_0, window_bounds = array<i64: 256, 256>}, {transform_indices = @transform_1, window_bounds = array<i64: 256, 256>}, {pipeline_mode = #tpu.pipeline_mode<synchronous>, transform_indices = @transform_2, window_bounds = array<i64: 8192, 256>}, {transform_indices = @transform_3, window_bounds = array<i64: 1, 1, 256>}, {transform_indices = @transform_4, window_bounds = array<i64: 256, 256>}]} {
    %get3A = arith.constant 0 : index
    %get3A_0 = arith.constant 0 : index
    %get3A_1 = vector.load %arg1[%get3A, %get3A_0] : memref<256x256xf32, #tpu.memory_space<vmem>>, vector<256x256xf32>
    %get3A_2 = arith.constant 0 : index
    %get3A_3 = arith.constant 0 : index
    %get3A_4 = vector.load %arg2[%get3A_2, %get3A_3] : memref<256x256xf32, #tpu.memory_space<vmem>>, vector<256x256xf32>
    %convert_element_type3A = arith.truncf %get3A_4 : vector<256x256xf32> to vector<256x256xbf16>
    %convert_element_type3A_5 = arith.extf %convert_element_type3A : vector<256x256xbf16> to vector<256x256xf32>
    %sub3A = arith.subf %get3A_1, %convert_element_type3A_5 : vector<256x256xf32>
    %swap3A = arith.constant 0 : index
    %swap3A_6 = arith.constant 0 : index
    %swap3A_7 = vector.load %arg5[%swap3A, %swap3A_6] : memref<256x256xf32, #tpu.memory_space<vmem>>, vector<256x256xf32>
    tpu.vector_store %arg5[%swap3A, %swap3A_6], %sub3A {strides = array<i32>} : memref<256x256xf32, #tpu.memory_space<vmem>>, vector<256x256xf32>,
    %mul3A = arith.mulf %sub3A, %sub3A : vector<256x256xf32>
    %reduce_sum3A = arith.constant dense<0.000000e+00> : vector<256xf32>
    %reduce_sum3A_8 = vector.multi_reduction <add>, %mul3A, %reduce_sum3A [1] : vector<256x256xf32> to vector<256xf32>
    %broadcast_in_dim3A = vector.shape_cast %reduce_sum3A_8 : vector<256xf32> to vector<256x1xf32>
    %broadcast_in_dim3A_9 = arith.constant 0x7F800000 : f32
    %broadcast_in_dim3A_10 = vector.broadcast %broadcast_in_dim3A_9 : f32 to vector<256x1xf32>
    %broadcast_in_dim3A_11 = arith.constant 0 : i32
    %broadcast_in_dim3A_12 = vector.broadcast %broadcast_in_dim3A_11 : i32 to vector<256x1xi32>
    %scan3A = arith.constant 0 : i32
    %scan3A_13 = arith.constant 8 : i32
    %scan3A_14 = arith.addi %scan3A, %scan3A_13 : i32
    %scan3A_15 = arith.constant 1 : i32
    %scan3A_16:2 = scf.for %scan3A_22 = %scan3A to %scan3A_14 step %scan3A_15 iter_args(%scan3A_23 = %broadcast_in_dim3A_10, %scan3A_24 = %broadcast_in_dim3A_12) -> (vector<256x1xf32>, vector<256x1xi32>)  : i32 {
      %mul3A_25 = arith.constant 1024 : i32
      %mul3A_26 = arith.muli %scan3A_22, %mul3A_25 : i32
      %get3A_27 = arith.index_cast %mul3A_26 : i32 to index
      %get3A_28 = arith.constant 0 : index
      %get3A_29 = vector.load %arg3[%get3A_27, %get3A_28] : memref<8192x256xf32, #tpu.memory_space<vmem>>, vector<1024x256xf32>
      %dot_general3A = arith.constant dense<0.000000e+00> : vector<256x1024xf32>
      %dot_general3A_30 = tpu.matmul %sub3A, %get3A_29, %dot_general3A {dimension_numbers = #tpu.dot_dimension_numbers<[1], [1], [0], [0], [0, 0, 1, 0], [], []>, transpose_lhs_hint = false} : vector<256x256xf32>, vector<1024x256xf32>, vector<256x1024xf32> -> vector<256x1024xf32>
      %mul3A_31 = arith.mulf %get3A_29, %get3A_29 : vector<1024x256xf32>
      %reduce_sum3A_32 = arith.constant dense<0.000000e+00> : vector<1024xf32>
      %reduce_sum3A_33 = vector.multi_reduction <add>, %mul3A_31, %reduce_sum3A_32 [1] : vector<1024x256xf32> to vector<1024xf32>
      %broadcast_in_dim3A_34 = vector.shape_cast %reduce_sum3A_33 : vector<1024xf32> to vector<1x1024xf32>
      %add3A = vector.broadcast %broadcast_in_dim3A : vector<256x1xf32> to vector<256x1024xf32>
      %add3A_35 = vector.broadcast %broadcast_in_dim3A_34 : vector<1x1024xf32> to vector<256x1024xf32>
      %add3A_36 = arith.addf %add3A, %add3A_35 : vector<256x1024xf32>
      %mul3A_37 = arith.constant 2.000000e+00 : f32
      %mul3A_38 = vector.broadcast %mul3A_37 : f32 to vector<256x1024xf32>
      %mul3A_39 = arith.mulf %mul3A_38, %dot_general3A_30 : vector<256x1024xf32>
      %sub3A_40 = arith.subf %add3A_36, %mul3A_39 : vector<256x1024xf32>
      %reduce_min3A = arith.constant dense<0x7F800000> : vector<256xf32>
      %reduce_min3A_41 = vector.multi_reduction <minimumf>, %sub3A_40, %reduce_min3A [1] : vector<256x1024xf32> to vector<256xf32>
      %broadcast_in_dim3A_42 = vector.shape_cast %reduce_min3A_41 : vector<256xf32> to vector<256x1xf32>
      %iota3A = tpu.iota {dimensions = array<i32: 1>} : vector<256x1024xi32>
      %mul3A_43 = arith.constant 1024 : i32
      %mul3A_44 = arith.muli %scan3A_22, %mul3A_43 : i32
      %add3A_45 = vector.broadcast %mul3A_44 : i32 to vector<256x1024xi32>
      %add3A_46 = arith.addi %iota3A, %add3A_45 : vector<256x1024xi32>
      %eq3A = vector.broadcast %broadcast_in_dim3A_42 : vector<256x1xf32> to vector<256x1024xf32>
      %eq3A_47 = arith.cmpf oeq, %sub3A_40, %eq3A : vector<256x1024xf32>
      %jit3A = arith.constant 1073741824 : i32
      %broadcast_in_dim3A_48 = vector.broadcast %jit3A : i32 to vector<256x1024xi32>
      %select_n3A = arith.select %eq3A_47, %add3A_46, %broadcast_in_dim3A_48 : vector<256x1024xi1>, vector<256x1024xi32>
      %reduce_min3A_49 = arith.constant dense<2147483647> : vector<256xi32>
      %reduce_min3A_50 = vector.multi_reduction <minsi>, %select_n3A, %reduce_min3A_49 [1] : vector<256x1024xi32> to vector<256xi32>
      %broadcast_in_dim3A_51 = vector.shape_cast %reduce_min3A_50 : vector<256xi32> to vector<256x1xi32>
      %lt3A = arith.cmpf olt, %broadcast_in_dim3A_42, %scan3A_23 : vector<256x1xf32>
      %select_n3A_52 = arith.select %lt3A, %broadcast_in_dim3A_42, %scan3A_23 : vector<256x1xi1>, vector<256x1xf32>
      %select_n3A_53 = arith.select %lt3A, %broadcast_in_dim3A_51, %scan3A_24 : vector<256x1xi1>, vector<256x1xi32>
      scf.yield %select_n3A_52, %select_n3A_53 : vector<256x1xf32>, vector<256x1xi32>
    }
    %scan3A_17 = arith.constant 8 : i32
    %transpose3A = tpu.transpose %scan3A_16#1, [1, 0] : vector<256x1xi32> -> vector<1x256xi32>
    %reshape3A = vector.shape_cast %transpose3A : vector<1x256xi32> to vector<1x1x256xi32>
    %swap3A_18 = arith.constant 0 : index
    %swap3A_19 = arith.constant 0 : index
    %swap3A_20 = arith.constant 0 : index
    %swap3A_21 = vector.load %arg4[%swap3A_18, %swap3A_19, %swap3A_20] : memref<1x1x256xi32, #tpu.memory_space<vmem>>, vector<1x1x256xi32>
    tpu.vector_store %arg4[%swap3A_18, %swap3A_19, %swap3A_20], %reshape3A {strides = array<i32>} : memref<1x1x256xi32, #tpu.memory_space<vmem>>, vector<1x1x256xi32>,
    return
  }
  func.func @transform_0(%arg0: i32) -> (i32, i32) {
    %c0_i32 = arith.constant 0 : i32
    %c0_i32_0 = arith.constant 0 : i32
    return %arg0, %c0_i32 : i32, i32
  }
  func.func @transform_1(%arg0: i32) -> (i32, i32) {
    %c0_i32 = arith.constant 0 : i32
    %c0_i32_0 = arith.constant 0 : i32
    return %arg0, %c0_i32 : i32, i32
  }
  func.func @transform_2(%arg0: i32) -> (i32, i32) {
    %c0_i32 = arith.constant 0 : i32
    %c0_i32_0 = arith.constant 0 : i32
    %c0_i32_1 = arith.constant 0 : i32
    return %c0_i32, %c0_i32_0 : i32, i32
  }
  func.func @transform_3(%arg0: i32) -> (i32, i32, i32) {
    %c0_i32 = arith.constant 0 : i32
    %c0_i32_0 = arith.constant 0 : i32
    %c0_i32_1 = arith.constant 0 : i32
    return %arg0, %c0_i32, %c0_i32_0 : i32, i32, i32
  }
  func.func @transform_4(%arg0: i32) -> (i32, i32) {
    %c0_i32 = arith.constant 0 : i32
    %c0_i32_0 = arith.constant 0 : i32
    return %arg0, %c0_i32 : i32, i32
  }
}

</mosaic_0001>

<sc_bundles>
// kernel: kernel.11.cloned.1.call-start
scs
__scs_entry_jumppad:
0x0: {  	(pc) =	sbr.rel $0x88, $3  }
0x1: {  	(tag) =	ssettag $0x0;
	lr =	simm.s32 $0x1  }
0x2: {  	[smem:$0x3F9D] =	sst lr;
	_ =	strace $0xD0000000  }
0x3: {  	_ = 	snop  }
0x4: {  	_ = 	snop  }
0x5: {  	_ = 	snop  }
0x6: {  	_ = 	snop  }
0x7: {  	_ = 	snop  }
__scs_overlays_trampoline_lowered:
0x8: {  	[smem:$0x3FAC] =	sst s0  }
0x9: {  	[smem:$0x3FAD] =	sst s1  }
0xa: {  	[smem:$0x3FAE] =	sst s2  }
0xb: {  	[smem:$0x3FAF] =	sst s3  }
0xc: {  	[smem:$0x3FB0] =	sst s4  }
0xd: {  	[smem:$0x3FB1] =	sst s5  }
0xe: {  	[smem:$0x3FB2] =	sst s6  }
0xf: {  	[smem:$0x3FB3] =	sst s7  }
0x10: {  	[smem:$0x3FB4] =	sst s8  }
0x11: {  	[smem:$0x3FB5] =	sst s9;
	s0 =	simm.s32 @!p0 $0x0  }
0x12: {  	s1 =	sld [smem:$0x3F9B];
	s0 =	simm.s32 @p0 $0x1  }
0x13: {  	[smem:$0x3FB6] =	sst s0;
	s0 =	simm.s32 @!p1 $0x0  }
0x14: {  	s2 =	sld [smem:$0x3F9A];
	s0 =	simm.s32 @p1 $0x1  }
0x15: {  	[smem:$0x3FB7] =	sst s0;
	s0 =	simm.s32 @!p2 $0x0  }
0x16: {  	s3 =	sld [smem:$0x3FDB];
	s0 =	simm.s32 @p2 $0x1  }
0x17: {  	s4 =	simm.s32 $0x1BF5;
	[smem:$0x3FB9] =	sst s0  }
0x18: {  	s0 =	sld [smem:$0x3F9C];
	_ =	swait.ge [sflag:s4], $0x0  }
0x19: {  	s7 =	sld [smem:$0x3F9D]  }
0x1a: {  	s8 =	sadd.s32 $0xFFFFE003, lr  }
0x1b: {  	s9 =	sadd.s32 $0xFFFFFEF7, lr;
	s5 =	simm.s32 $0xFFFFFFFF;
	p2 =	slt.u32 s8, $0xFFFFF086  }
0x1c: {  	p1 =	slt.u32 s9, $0xF7A;
	s5 =	simm.s32 @!p2 $0x0  }
0x1d: {  	s5 =	simm.s32 @p1 $0x1;
	p0 =	seq.s32 s7, s2  }
0x1e: {  	s7 =	smul.u32 @!p0 $0xF7A, s2;
	p2 =	seq.s32 @!p0 s5, $0x0  }
0x1f: {  	s9 =	smul.u32 $0xF7A, s1;
	s8 =	simm.s32 @!p0 $0x1BF5;
	p2 =	por !p2, p0  }
0x20: {  	[sflag:s8] =	ssyncset.s32 @!p0 $0xFFFFF086;
	s6 =	sadd.s32 @!p0 s3, s7;
	s7 =	simm.s32 @!p0 $0x108  }
0x21: {  	s3 =	sadd.s32 s3, s9;
	s6 =	sadd.s32 @!p0 $0x88, s6;
	s7 =	simm.s32 @p2 $0x1082  }
0x22: {  	[simem:s7], [sflag:s8] =	dma.local @!p0 [hbm:s6], $0xF7A  }
0x23: {  	s9 =	sor.u32 $0xD0000000, s2;
	s6 =	simm.s32 $0x108;
	_ =	swait.ge @!p0 [sflag:s8], $0x0  }
0x24: {  	s3 =	sadd.s32 $0x88, s3;
	s6 =	simm.s32 @!p1 $0x1082;
	[sflag:s4] =	ssyncset.s32 $0xFFFFF086  }
0x25: {  	[simem:s6], [sflag:s4] =	dma.local [hbm:s3], $0xF7A  }
0x26: {  	[smem:$0x3F9D] =	sst s1;
	(tag) =	ssettag s2;
	_ =	strace s9  }
0x27: {  	s1 =	sld [smem:$0x3FAD]  }
0x28: {  	s2 =	sld [smem:$0x3FAE]  }
0x29: {  	s4 =	sld [smem:$0x3FB0]  }
0x2a: {  	p0 =	seq.s32 s5, $0x0;
	s5 =	sld [smem:$0x3FB1]  }
0x2b: {  	s6 =	sld [smem:$0x3FB2]  }
0x2c: {  	s7 =	sld [smem:$0x3FB3]  }
0x2d: {  	s3 =	simm.s32 $0x108;
	s8 =	sld [smem:$0x3FB4]  }
0x2e: {  	s3 =	simm.s32 @!p0 $0x1082;
	s9 =	sld [smem:$0x3FB5]  }
0x2f: {  	lr =	sadd.s32 s0, s3;
	s0 =	sld [smem:$0x3FAC]  }
0x30: {  	s3 =	sld [smem:$0x3FAF]  }
0x31: {  	[smem:$0x3FB8] =	sst s10  }
0x32: {  	s10 =	sld [smem:$0x3FB6];
	_ =	sdelay $0x3  }
0x33: {  	p0 =	seq.s32 s10, $0x1;
	s10 =	sld [smem:$0x3FB8];
	_ =	sdelay $0x3  }
0x34: {  	[smem:$0x3FB8] =	sst s10  }
0x35: {  	s10 =	sld [smem:$0x3FB7];
	_ =	sdelay $0x3  }
0x36: {  	p1 =	seq.s32 s10, $0x1;
	s10 =	sld [smem:$0x3FB8];
	_ =	sdelay $0x3  }
0x37: {  	[smem:$0x3FB8] =	sst s10  }
0x38: {  	s10 =	sld [smem:$0x3FB9]  }
0x39: {  	_ = 	snop;
	(pc) =	sbr.ind lr, $3  }
0x3a: {  	_ = 	snop  }
0x3b: {  	_ = 	snop  }
0x3c: {  	p2 =	seq.s32 s10, $0x1;
	s10 =	sld [smem:$0x3FB8]  }
0x3d: {  	_ =	shalt  }
0x3e: {  	_ =	shalt  }
0x3f: {  	_ =	shalt  }
0x40: {  	_ =	shalt  }
0x41: {  	_ =	shalt  }
0x42: {  	_ =	shalt  }
0x43: {  	_ =	shalt  }
0x44: {  	_ =	shalt  }
0x45: {  	_ =	shalt  }
0x46: {  	_ =	shalt  }
0x47: {  	_ =	shalt  }
0x48: {  	_ =	shalt  }
0x49: {  	_ =	shalt  }
0x4a: {  	_ =	shalt  }
0x4b: {  	_ =	shalt  }
0x4c: {  	_ =	shalt  }
0x4d: {  	_ =	shalt  }
0x4e: {  	_ =	shalt  }
0x4f: {  	_ =	shalt  }
0x50: {  	_ =	shalt  }
0x51: {  	_ =	shalt  }
0x52: {  	_ =	shalt  }
0x53: {  	_ =	shalt  }
0x54: {  	_ =	shalt  }
0x55: {  	_ =	shalt  }
0x56: {  	_ =	shalt  }
0x57: {  	_ =	shalt  }
0x58: {  	_ =	shalt  }
0x59: {  	_ =	shalt  }
0x5a: {  	_ =	shalt  }
0x5b: {  	_ =	shalt  }
0x5c: {  	_ =	shalt  }
0x5d: {  	_ =	shalt  }
0x5e: {  	_ =	shalt  }
0x5f: {  	_ =	shalt  }
0x60: {  	_ =	shalt  }
0x61: {  	_ =	shalt  }
0x62: {  	_ =	shalt  }
0x63: {  	_ =	shalt  }
0x64: {  	_ =	shalt  }
0x65: {  	_ =	shalt  }
0x66: {  	_ =	shalt  }
0x67: {  	_ =	shalt  }
0x68: {  	_ =	shalt  }
0x69: {  	_ =	shalt  }
0x6a: {  	_ =	shalt  }
0x6b: {  	_ =	shalt  }
0x6c: {  	_ =	shalt  }
0x6d: {  	_ =	shalt  }
0x6e: {  	_ =	shalt  }
0x6f: {  	_ =	shalt  }
0x70: {  	_ =	shalt  }
0x71: {  	_ =	shalt  }
0x72: {  	_ =	shalt  }
0x73: {  	_ =	shalt  }
0x74: {  	_ =	shalt  }
0x75: {  	_ =	shalt  }
0x76: {  	_ =	shalt  }
0x77: {  	_ =	shalt  }
0x78: {  	_ =	shalt  }
0x79: {  	_ =	shalt  }
0x7a: {  	_ =	shalt  }
0x7b: {  	_ =	shalt  }
0x7c: {  	_ =	shalt  }
0x7d: {  	_ =	shalt  }
0x7e: {  	_ =	shalt  }
0x7f: {  	_ =	shalt  }
0x80: {  	_ =	shalt  }
0x81: {  	_ =	shalt  }
0x82: {  	_ =	shalt  }
0x83: {  	_ =	shalt  }
0x84: {  	_ =	shalt  }
0x85: {  	_ =	shalt  }
0x86: {  	_ =	shalt  }
0x87: {  	_ =	shalt  }
.Lfunc_end0:
.L_simem_size_0:
called_computation.1_lowered:
.L_overlay_start_0:
0x88: {  	s2 =	sld [smem:$0x3FD9]  }
0x89: {  	s3 =	sld [smem:$0x3FFE];
	_ =	sdelay $0x1  }
0x8a: {  	s1 =	srdreg.scid  }
0x8b: {  	s0 =	sand.u32 $0x1, s1  }
0x8c: {  	s14 =	sshll.u32 s0, $0xA;
	s2 =	sadd.s32 s3, s2  }
0x8d: {  	s2 =	sadd.s32 s2, s14  }
0x8e: {  	[smem:$0x3FC4] =	sst s2  }
0x8f: {  	_ = 	snop  }
0x90: {  	s2 =	sld [smem:$0x3FD0];
	_ =	sdelay $0x2  }
0x91: {  	s4 =	simm.s32 $0xA;
	s5 =	simm.s32 $0x10;
	s15 =	sld [smem:$0x3FC7]  }
0x92: {  	[smem:s5], [sflag:s4] =	dma.local [hbm:s2], $0x1  }
0x93: {  	_ =	swait.eq [sflag:s4], $0x1  }
0x94: {  	[sflag:s4] =	ssyncset.done $0x0  }
0x95: {  	[sflag:s4] =	ssyncadd.s32 $0xFFFFFFFF  }
0x96: {  	s16 =	sld [smem:$0x10];
	(tm) =	ssettm $0x1  }
0x97: {  	s17 =	sld [smem:$0x3FFB];
	_ =	sdelay $0x3  }
0x98: {  	_ =	strace s17  }
0x99: {  	s4 =	sld [smem:$0x3FFC];
	_ =	sdelay $0x3  }
0x9a: {  	_ =	strace s4  }
0x9b: {  	s4 =	sld [smem:$0x3FFD];
	_ =	sdelay $0x3  }
0x9c: {  	_ =	strace s4  }
0x9d: {  	_ =	strace $0x8FFFFFFF  }
0x9e: {  	s18 =	sld [smem:$0x3FDB];
	_ =	sdelay $0x1  }
0x9f: {  	s19 =	simm.s32 $_scs_section_size  }
0xa0: {  	s6 =	simm.s32 $_size__tile_overlayer_lowered;
	s7 =	simm.s32 $_tile_overlayer_lowered  }
0xa1: {  	s22 =	simm.s32 $0x1BFF;
	s21 =	sshll.u32 s7, $0x1;
	s4 =	sadd.s32 s19, s18  }
0xa2: {  	s8 =	simm.s32 $0x0;
	s20 =	sshll.u32 s6, $0x1;
	s6 =	sadd.s32 s21, s4  }
0xa3: {  	[timem:s8], [sflag:s22] =	dma.local [hbm:s6], s20  }
0xa4: {  	_ =	swait.ge [sflag:s22], s20  }
0xa5: {  	s5 =	ssub.s32 $0x0, s20;
	[sflag:s22] =	ssyncset.done $0x0  }
0xa6: {  	[sflag:s22] =	ssyncadd.s32 s5;
	_ =	sdelay $0x1  }
0xa7: {  	s23 =	simm.s32 $0x1B8B  }
0xa8: {  	_ =	swait.ge [sflag:s23], $0x1  }
0xa9: {  	[sflag:s23] =	ssyncset.done $0x0  }
0xaa: {  	s25 =	simm.s32 $0x1B8E;
	s24 =	sld [smem:$0x3FFE];
	[sflag:s23] =	ssyncadd.s32 $0xFFFFFFFF  }
0xab: {  	s26 =	simm.s32 $execute0_lowered;
	[smem:$0x3FD2] =	sst s25  }
0xac: {  	s6 =	sshll.u32 s26, $0x1;
	_ =	strace $0x80000049;
	[dreg:$0x1] =	wrdreg $0xFFFFFFFF  }
0xad: {  	s28 =	simm.s32 $_size_execute0_lowered;
	s4 =	sadd.s32 s4, s6;
	[dreg:$0x0] =	wrdreg $0x0  }
0xae: {  	s6 =	sshll.u32 s28, $0x1;
	[dreg:$0x2] =	wrdreg s4  }
0xaf: {  	[dreg:$0x3] =	wrdreg s6  }
0xb0: {  	[dreg:$0x4] =	wrdreg $0xC0  }
0xb1: {  	_ =	task [dreg:s8], $0x5FFFF  }
0xb2: {  	[dreg:$0x1] =	wrdreg $0xFFFFFFFF  }
0xb3: {  	[dreg:$0x0] =	wrdreg $0x60  }
0xb4: {  	[dreg:$0x2] =	wrdreg s15  }
0xb5: {  	[dreg:$0x3] =	wrdreg s24  }
0xb6: {  	[dreg:$0x4] =	wrdreg s16  }
0xb7: {  	[dreg:$0x5] =	wrdreg $0x9  }
0xb8: {  	_ =	task.clear_ibuf [dreg:s8], $0x6FFFF;
	_ =	strace $0x90000049  }
0xb9: {  	s29 =	simm.s32 $0x9;
	_ =	strace $0x8000004B  }
0xba: {  	_ =	swait.ge [sflag:s29], $0x1  }
0xbb: {  	[sflag:s29] =	ssyncadd.s32 $0xFFFFFFFF  }
0xbc: {  	_ =	strace $0x9000004B  }
0xbd: {  	_ =	sfence  }
0xbe: {  	s30 =	sld [smem:$0x0];
	_ =	sdelay $0x2  }
0xbf: {  	s31 =	sshll.u32 s1, $0xD;
	s1 =	sshrl.u32 s1, $0x2  }
0xc0: {  	s3 =	sand.u32 $0x4000, s31;
	s1 =	sadd.s32 s1, s30  }
0xc1: {  	s0 =	sor.u32 s3, s0;
	s1 =	sshll.u32 s1, $0x11  }
0xc2: {  	s0 =	sor.u32 s1, s0  }
0xc3: {  	s0 =	sadd.s32 $0x8F2B, s0  }
0xc4: {  	[sflag:s0] =	ssyncadd.remote.s32 $0x1  }
0xc5: {  	_ =	sfence.sel $0xFFFF  }
0xc6: {  	[dreg:$0x0] =	wrdreg $0xFFFFFFFF;
	(pc) =	sbr.abs _section_cstart, $3  }
0xc7: {  	[dreg:$0x1] =	wrdreg $0xFFFFFFFF  }
0xc8: {  	_ =	task.clear_ibuf [dreg:s8], $0x2FFFF;
	_ =	strace $0x9FFFFFFF  }
0xc9: {  	(tm) =	ssettm $0x7FFFFFFF  }
tec
execute0_lowered:
.L_overlay_start_1:
0x0: {  	(tag) =	ssettag $0x1  }
0x1: {  	s1 =	rddreg [dreg:$0x0]  }
0x2: {  	s4 =	rddreg [dreg:$0x1]  }
0x3: {  	s7 =	rddreg [dreg:$0x2]  }
0x4: {  	s0 =	rddreg [dreg:$0x3];
	s3 =	simm.s32 $0x0;
	s5 =	srdreg.scid  }
0x5: {  	s2 =	stileid.u32;
	s11 =	simm.s32 $0x880;
	s12 =	simm.s32 $0x1080  }
0x6: {  	s13 =	simm.s32 $0x1880;
	s14 =	simm.s32 $0x2080;
	s15 =	simm.s32 $0x2880  }
0x7: {  	s16 =	simm.s32 $0x3080;
	s17 =	simm.s32 $0x3880;
	s18 =	simm.s32 $0x4080  }
0x8: {  	s19 =	simm.s32 $0x4880;
	s20 =	simm.s32 $0x5080;
	s21 =	simm.s32 $0x5880  }
0x9: {  	s22 =	simm.s32 $0x6080;
	s23 =	simm.s32 $0x6880;
	s24 =	simm.s32 $0x7080  }
0xa: {  	s25 =	simm.s32 $0x7880;
	s26 =	simm.s32 $0x1;
	s5 =	sand.u32 $0x1, s5  }
0xb: {  	[smem:$0x7FF] =	sst s3;
	s8 =	sshll.u32 s2, $0x9;
	s6 =	ssub.s32 $0x2, s5  }
0xc: {  	s28 =	sadd.s32 $0x42200, s4;
	s5 =	sshll.u32 s5, $0x8;
	s9 =	sshrl.u32 s6, $0x1  }
0xd: {  	_ =	strace $0x8000004A;
	s5 =	sor.u32 s5, s8;
	s9 =	ssub.s32 s6, s9  }
0xe: {  	s29 =	sshrl.u32 s5, $0x3;
	s30 =	sshll.u32 s5, $0x5;
	s10 =	sor.u32 $0x80, s5  }
0xf: {  	v2 =	vlaneseq.u32;
	s4 =	sadd.s32 s28, s29;
	s5 =	sadd.s32 s7, s30;
	s31 =	sshrl.u32 s10, $0x3  }
0x10: {  	vm0 =	vmmov $0xffff;
	v1 =	vshrl.u32 v2, $0x3;
	s10 =	sshll.u32 s10, $0x5;
	s8 =	smax.u32 s9, $0x1;
	s9 =	simm.s32 $0x2  }
0x11: {  	v0 =	vand.u32 $0x7, v2;
	v2 =	vor.u32 $0x8, v2;
	v1 =	vmul.u32 $0x8, v1;
	s6 =	sadd.s32 s28, s31;
	s7 =	sadd.s32 s7, s10;
	s10 =	simm.s32 $0x80  }
.LBB2_1:
0x12: {  	[tilespmem:s3], [sflag:$0x2] =	stream.linear.gather [hbm4b:s4+s3], $0x80, $0x38;
	[tilespmem:$0x8080] =	vst v63  }
0x13: {  	_ =	swait.ge [sflag:s9], $0x80  }
0x14: {  	[sflag:s9] =	ssyncset.done $0x0  }
0x15: {  	[sflag:s9] =	ssyncadd.s32 $0xFFFFFF80  }
0x16: {  	v3 =	vld [tilespmem:$0x0];
	_ =	sdelay $0x4  }
0x17: {  	v4 =	vshll.u32 v3, $0x1  }
0x18: {  	v3 =	vand.u32 $0x7, v3;
	v4 =	vand.u32 $0xFFFFFFF0, v4  }
0x19: {  	v3 =	vor.u32 v3, v4  }
0x1a: {  	v4 =	vperm.xlane v3, v0;
	_ =	sdelay $0x1  }
0x1b: {  	v3 =	vperm.xlane v3, v2;
	v4 =	vadd.s32 v1, v4;
	_ =	sdelay $0x1  }
0x1c: {  	v3 =	vadd.s32 v1, v3;
	_ =	sdelay $0x2  }
0x1d: {  	[tilespmem:s10], [sflag:$0x1] =	stream.indirect_vreg.gather [hbm4b:s1+s3], $0x80, v4, vm0, $0xb8;
	[tilespmem:$0x8080] =	vst v63  }
0x1e: {  	_ = 	snop  }
0x1f: {  	[tilespmem:s11], [sflag:$0x1] =	stream.indirect_vreg.gather [hbm4b:s1+s3], $0x80, v3, vm0, $0xb8;
	[tilespmem:$0x8080] =	vst v63  }
0x20: {  	v3 =	vld [tilespmem:$0x10];
	_ =	sdelay $0x4  }
0x21: {  	v49 =	vshll.u32 v3, $0x1  }
0x22: {  	v3 =	vand.u32 $0x7, v3;
	v4 =	vand.u32 $0xFFFFFFF0, v49  }
0x23: {  	v3 =	vor.u32 v3, v4  }
0x24: {  	v4 =	vperm.xlane v3, v0;
	_ =	sdelay $0x1  }
0x25: {  	v3 =	vperm.xlane v3, v2;
	v4 =	vadd.s32 v1, v4;
	_ =	sdelay $0x1  }
0x26: {  	v3 =	vadd.s32 v1, v3;
	_ =	sdelay $0x2  }
0x27: {  	[tilespmem:s12], [sflag:$0x1] =	stream.indirect_vreg.gather [hbm4b:s1+s3], $0x80, v4, vm0, $0xb8;
	[tilespmem:$0x8080] =	vst v63  }
0x28: {  	_ = 	snop  }
0x29: {  	[tilespmem:s13], [sflag:$0x1] =	stream.indirect_vreg.gather [hbm4b:s1+s3], $0x80, v3, vm0, $0xb8;
	[tilespmem:$0x8080] =	vst v63  }
0x2a: {  	v3 =	vld [tilespmem:$0x20];
	_ =	sdelay $0x4  }
0x2b: {  	v50 =	vshll.u32 v3, $0x1  }
0x2c: {  	v3 =	vand.u32 $0x7, v3;
	v4 =	vand.u32 $0xFFFFFFF0, v50  }
0x2d: {  	v3 =	vor.u32 v3, v4  }
0x2e: {  	v4 =	vperm.xlane v3, v0;
	_ =	sdelay $0x1  }
0x2f: {  	v3 =	vperm.xlane v3, v2;
	v4 =	vadd.s32 v1, v4;
	_ =	sdelay $0x1  }
0x30: {  	v3 =	vadd.s32 v1, v3;
	_ =	sdelay $0x2  }
0x31: {  	[tilespmem:s14], [sflag:$0x1] =	stream.indirect_vreg.gather [hbm4b:s1+s3], $0x80, v4, vm0, $0xb8;
	[tilespmem:$0x8080] =	vst v63  }
0x32: {  	_ = 	snop  }
0x33: {  	[tilespmem:s15], [sflag:$0x1] =	stream.indirect_vreg.gather [hbm4b:s1+s3], $0x80, v3, vm0, $0xb8;
	[tilespmem:$0x8080] =	vst v63  }
0x34: {  	v3 =	vld [tilespmem:$0x30];
	_ =	sdelay $0x4  }
0x35: {  	v51 =	vshll.u32 v3, $0x1  }
0x36: {  	v3 =	vand.u32 $0x7, v3;
	v4 =	vand.u32 $0xFFFFFFF0, v51  }
0x37: {  	v3 =	vor.u32 v3, v4  }
0x38: {  	v4 =	vperm.xlane v3, v0;
	_ =	sdelay $0x1  }
0x39: {  	v3 =	vperm.xlane v3, v2;
	v4 =	vadd.s32 v1, v4;
	_ =	sdelay $0x1  }
0x3a: {  	v3 =	vadd.s32 v1, v3;
	_ =	sdelay $0x2  }
0x3b: {  	[tilespmem:s16], [sflag:$0x1] =	stream.indirect_vreg.gather [hbm4b:s1+s3], $0x80, v4, vm0, $0xb8;
	[tilespmem:$0x8080] =	vst v63  }
0x3c: {  	_ = 	snop  }
0x3d: {  	[tilespmem:s17], [sflag:$0x1] =	stream.indirect_vreg.gather [hbm4b:s1+s3], $0x80, v3, vm0, $0xb8;
	[tilespmem:$0x8080] =	vst v63  }
0x3e: {  	v3 =	vld [tilespmem:$0x40];
	_ =	sdelay $0x4  }
0x3f: {  	v52 =	vshll.u32 v3, $0x1  }
0x40: {  	v3 =	vand.u32 $0x7, v3;
	v4 =	vand.u32 $0xFFFFFFF0, v52  }
0x41: {  	v3 =	vor.u32 v3, v4  }
0x42: {  	v4 =	vperm.xlane v3, v0;
	_ =	sdelay $0x1  }
0x43: {  	v3 =	vperm.xlane v3, v2;
	v4 =	vadd.s32 v1, v4;
	_ =	sdelay $0x1  }
0x44: {  	v3 =	vadd.s32 v1, v3;
	_ =	sdelay $0x2  }
0x45: {  	[tilespmem:s18], [sflag:$0x1] =	stream.indirect_vreg.gather [hbm4b:s1+s3], $0x80, v4, vm0, $0xb8;
	[tilespmem:$0x8080] =	vst v63  }
0x46: {  	_ = 	snop  }
0x47: {  	[tilespmem:s19], [sflag:$0x1] =	stream.indirect_vreg.gather [hbm4b:s1+s3], $0x80, v3, vm0, $0xb8;
	[tilespmem:$0x8080] =	vst v63  }
0x48: {  	v3 =	vld [tilespmem:$0x50];
	_ =	sdelay $0x4  }
0x49: {  	v53 =	vshll.u32 v3, $0x1  }
0x4a: {  	v3 =	vand.u32 $0x7, v3;
	v4 =	vand.u32 $0xFFFFFFF0, v53  }
0x4b: {  	v3 =	vor.u32 v3, v4  }
0x4c: {  	v4 =	vperm.xlane v3, v0;
	_ =	sdelay $0x1  }
0x4d: {  	v3 =	vperm.xlane v3, v2;
	v4 =	vadd.s32 v1, v4;
	_ =	sdelay $0x1  }
0x4e: {  	v3 =	vadd.s32 v1, v3;
	_ =	sdelay $0x2  }
0x4f: {  	[tilespmem:s20], [sflag:$0x1] =	stream.indirect_vreg.gather [hbm4b:s1+s3], $0x80, v4, vm0, $0xb8;
	[tilespmem:$0x8080] =	vst v63  }
0x50: {  	_ = 	snop  }
0x51: {  	[tilespmem:s21], [sflag:$0x1] =	stream.indirect_vreg.gather [hbm4b:s1+s3], $0x80, v3, vm0, $0xb8;
	[tilespmem:$0x8080] =	vst v63  }
0x52: {  	v3 =	vld [tilespmem:$0x60];
	_ =	sdelay $0x4  }
0x53: {  	v54 =	vshll.u32 v3, $0x1  }
0x54: {  	v3 =	vand.u32 $0x7, v3;
	v4 =	vand.u32 $0xFFFFFFF0, v54  }
0x55: {  	v3 =	vor.u32 v3, v4  }
0x56: {  	v4 =	vperm.xlane v3, v0;
	_ =	sdelay $0x1  }
0x57: {  	v3 =	vperm.xlane v3, v2;
	v4 =	vadd.s32 v1, v4;
	_ =	sdelay $0x1  }
0x58: {  	v3 =	vadd.s32 v1, v3;
	_ =	sdelay $0x2  }
0x59: {  	[tilespmem:s22], [sflag:$0x1] =	stream.indirect_vreg.gather [hbm4b:s1+s3], $0x80, v4, vm0, $0xb8;
	[tilespmem:$0x8080] =	vst v63  }
0x5a: {  	_ = 	snop  }
0x5b: {  	[tilespmem:s23], [sflag:$0x1] =	stream.indirect_vreg.gather [hbm4b:s1+s3], $0x80, v3, vm0, $0xb8;
	[tilespmem:$0x8080] =	vst v63  }
0x5c: {  	v3 =	vld [tilespmem:$0x70];
	_ =	sdelay $0x4  }
0x5d: {  	v55 =	vshll.u32 v3, $0x1  }
0x5e: {  	v3 =	vand.u32 $0x7, v3;
	v4 =	vand.u32 $0xFFFFFFF0, v55  }
0x5f: {  	v3 =	vor.u32 v3, v4  }
0x60: {  	v4 =	vperm.xlane v3, v0;
	_ =	sdelay $0x1  }
0x61: {  	v3 =	vperm.xlane v3, v2;
	v4 =	vadd.s32 v1, v4;
	_ =	sdelay $0x1  }
0x62: {  	v3 =	vadd.s32 v1, v3;
	_ =	sdelay $0x2  }
0x63: {  	[tilespmem:s24], [sflag:$0x1] =	stream.indirect_vreg.gather [hbm4b:s1+s3], $0x80, v4, vm0, $0xb8;
	[tilespmem:$0x8080] =	vst v63  }
0x64: {  	_ = 	snop  }
0x65: {  	[tilespmem:s25], [sflag:$0x1] =	stream.indirect_vreg.gather [hbm4b:s1+s3], $0x80, v3, vm0, $0xb8;
	[tilespmem:$0x8080] =	vst v63  }
0x66: {  	_ =	swait.ge [sflag:s26], $0x8000  }
0x67: {  	[sflag:s26] =	ssyncset.done $0x0  }
0x68: {  	[sflag:s26] =	ssyncadd.s32 $0xFFFF8000  }
0x69: {  	[hbm4b:s5+s3] =	stream.linear.scatter [tilespmem:s10], [sflag:$0x2], $0x8000, $0x38;
	[tilespmem:$0x8080] =	vst v63  }
0x6a: {  	_ =	swait.ge [sflag:s9], $0x8000  }
0x6b: {  	[sflag:s9] =	ssyncset.done $0x0  }
0x6c: {  	[sflag:s9] =	ssyncadd.s32 $0xFFFF8000  }
0x6d: {  	[tilespmem:s3], [sflag:$0x2] =	stream.linear.gather [hbm4b:s6+s3], $0x80, $0x38;
	[tilespmem:$0x8080] =	vst v63  }
0x6e: {  	_ =	swait.ge [sflag:s9], $0x80  }
0x6f: {  	[sflag:s9] =	ssyncset.done $0x0  }
0x70: {  	[sflag:s9] =	ssyncadd.s32 $0xFFFFFF80  }
0x71: {  	v3 =	vld [tilespmem:$0x0];
	_ =	sdelay $0x4  }
0x72: {  	v56 =	vshll.u32 v3, $0x1  }
0x73: {  	v3 =	vand.u32 $0x7, v3;
	v4 =	vand.u32 $0xFFFFFFF0, v56  }
0x74: {  	v3 =	vor.u32 v3, v4  }
0x75: {  	v4 =	vperm.xlane v3, v0;
	_ =	sdelay $0x1  }
0x76: {  	v3 =	vperm.xlane v3, v2;
	v4 =	vadd.s32 v1, v4;
	_ =	sdelay $0x1  }
0x77: {  	v3 =	vadd.s32 v1, v3;
	_ =	sdelay $0x2  }
0x78: {  	[tilespmem:s10], [sflag:$0x1] =	stream.indirect_vreg.gather [hbm4b:s1+s3], $0x80, v4, vm0, $0xb8;
	[tilespmem:$0x8080] =	vst v63  }
0x79: {  	_ = 	snop  }
0x7a: {  	[tilespmem:s11], [sflag:$0x1] =	stream.indirect_vreg.gather [hbm4b:s1+s3], $0x80, v3, vm0, $0xb8;
	[tilespmem:$0x8080] =	vst v63  }
0x7b: {  	v3 =	vld [tilespmem:$0x10];
	_ =	sdelay $0x4  }
0x7c: {  	v57 =	vshll.u32 v3, $0x1  }
0x7d: {  	v3 =	vand.u32 $0x7, v3;
	v4 =	vand.u32 $0xFFFFFFF0, v57  }
0x7e: {  	v3 =	vor.u32 v3, v4  }
0x7f: {  	v4 =	vperm.xlane v3, v0;
	_ =	sdelay $0x1  }
0x80: {  	v3 =	vperm.xlane v3, v2;
	v4 =	vadd.s32 v1, v4;
	_ =	sdelay $0x1  }
0x81: {  	v3 =	vadd.s32 v1, v3;
	_ =	sdelay $0x2  }
0x82: {  	[tilespmem:s12], [sflag:$0x1] =	stream.indirect_vreg.gather [hbm4b:s1+s3], $0x80, v4, vm0, $0xb8;
	[tilespmem:$0x8080] =	vst v63  }
0x83: {  	_ = 	snop  }
0x84: {  	[tilespmem:s13], [sflag:$0x1] =	stream.indirect_vreg.gather [hbm4b:s1+s3], $0x80, v3, vm0, $0xb8;
	[tilespmem:$0x8080] =	vst v63  }
0x85: {  	v3 =	vld [tilespmem:$0x20];
	_ =	sdelay $0x4  }
0x86: {  	v58 =	vshll.u32 v3, $0x1  }
0x87: {  	v3 =	vand.u32 $0x7, v3;
	v4 =	vand.u32 $0xFFFFFFF0, v58  }
0x88: {  	v3 =	vor.u32 v3, v4  }
0x89: {  	v4 =	vperm.xlane v3, v0;
	_ =	sdelay $0x1  }
0x8a: {  	v3 =	vperm.xlane v3, v2;
	v4 =	vadd.s32 v1, v4;
	_ =	sdelay $0x1  }
0x8b: {  	v3 =	vadd.s32 v1, v3;
	_ =	sdelay $0x2  }
0x8c: {  	[tilespmem:s14], [sflag:$0x1] =	stream.indirect_vreg.gather [hbm4b:s1+s3], $0x80, v4, vm0, $0xb8;
	[tilespmem:$0x8080] =	vst v63  }
0x8d: {  	_ = 	snop  }
0x8e: {  	[tilespmem:s15], [sflag:$0x1] =	stream.indirect_vreg.gather [hbm4b:s1+s3], $0x80, v3, vm0, $0xb8;
	[tilespmem:$0x8080] =	vst v63  }
0x8f: {  	v3 =	vld [tilespmem:$0x30];
	_ =	sdelay $0x4  }
0x90: {  	v59 =	vshll.u32 v3, $0x1  }
0x91: {  	v3 =	vand.u32 $0x7, v3;
	v4 =	vand.u32 $0xFFFFFFF0, v59  }
0x92: {  	v3 =	vor.u32 v3, v4  }
0x93: {  	v4 =	vperm.xlane v3, v0;
	_ =	sdelay $0x1  }
0x94: {  	v3 =	vperm.xlane v3, v2;
	v4 =	vadd.s32 v1, v4;
	_ =	sdelay $0x1  }
0x95: {  	v3 =	vadd.s32 v1, v3;
	_ =	sdelay $0x2  }
0x96: {  	[tilespmem:s16], [sflag:$0x1] =	stream.indirect_vreg.gather [hbm4b:s1+s3], $0x80, v4, vm0, $0xb8;
	[tilespmem:$0x8080] =	vst v63  }
0x97: {  	_ = 	snop  }
0x98: {  	[tilespmem:s17], [sflag:$0x1] =	stream.indirect_vreg.gather [hbm4b:s1+s3], $0x80, v3, vm0, $0xb8;
	[tilespmem:$0x8080] =	vst v63  }
0x99: {  	v3 =	vld [tilespmem:$0x40];
	_ =	sdelay $0x4  }
0x9a: {  	v60 =	vshll.u32 v3, $0x1  }
0x9b: {  	v3 =	vand.u32 $0x7, v3;
	v4 =	vand.u32 $0xFFFFFFF0, v60  }
0x9c: {  	v3 =	vor.u32 v3, v4  }
0x9d: {  	v4 =	vperm.xlane v3, v0;
	_ =	sdelay $0x1  }
0x9e: {  	v3 =	vperm.xlane v3, v2;
	v4 =	vadd.s32 v1, v4;
	_ =	sdelay $0x1  }
0x9f: {  	v3 =	vadd.s32 v1, v3;
	_ =	sdelay $0x2  }
0xa0: {  	[tilespmem:s18], [sflag:$0x1] =	stream.indirect_vreg.gather [hbm4b:s1+s3], $0x80, v4, vm0, $0xb8;
	[tilespmem:$0x8080] =	vst v63  }
0xa1: {  	_ = 	snop  }
0xa2: {  	[tilespmem:s19], [sflag:$0x1] =	stream.indirect_vreg.gather [hbm4b:s1+s3], $0x80, v3, vm0, $0xb8;
	[tilespmem:$0x8080] =	vst v63  }
0xa3: {  	v3 =	vld [tilespmem:$0x50];
	_ =	sdelay $0x4  }
0xa4: {  	v61 =	vshll.u32 v3, $0x1  }
0xa5: {  	v3 =	vand.u32 $0x7, v3;
	v4 =	vand.u32 $0xFFFFFFF0, v61  }
0xa6: {  	v3 =	vor.u32 v3, v4  }
0xa7: {  	v4 =	vperm.xlane v3, v0;
	_ =	sdelay $0x1  }
0xa8: {  	v3 =	vperm.xlane v3, v2;
	v4 =	vadd.s32 v1, v4;
	_ =	sdelay $0x1  }
0xa9: {  	v3 =	vadd.s32 v1, v3;
	_ =	sdelay $0x2  }
0xaa: {  	[tilespmem:s20], [sflag:$0x1] =	stream.indirect_vreg.gather [hbm4b:s1+s3], $0x80, v4, vm0, $0xb8;
	[tilespmem:$0x8080] =	vst v63  }
0xab: {  	_ = 	snop  }
0xac: {  	[tilespmem:s21], [sflag:$0x1] =	stream.indirect_vreg.gather [hbm4b:s1+s3], $0x80, v3, vm0, $0xb8;
	[tilespmem:$0x8080] =	vst v63  }
0xad: {  	v3 =	vld [tilespmem:$0x60];
	_ =	sdelay $0x4  }
0xae: {  	v62 =	vshll.u32 v3, $0x1  }
0xaf: {  	v3 =	vand.u32 $0x7, v3;
	v4 =	vand.u32 $0xFFFFFFF0, v62  }
0xb0: {  	v3 =	vor.u32 v3, v4  }
0xb1: {  	v4 =	vperm.xlane v3, v0;
	_ =	sdelay $0x1  }
0xb2: {  	v3 =	vperm.xlane v3, v2;
	v4 =	vadd.s32 v1, v4;
	_ =	sdelay $0x1  }
0xb3: {  	v3 =	vadd.s32 v1, v3;
	_ =	sdelay $0x2  }
0xb4: {  	[tilespmem:s22], [sflag:$0x1] =	stream.indirect_vreg.gather [hbm4b:s1+s3], $0x80, v4, vm0, $0xb8;
	[tilespmem:$0x8080] =	vst v63  }
0xb5: {  	_ = 	snop  }
0xb6: {  	[tilespmem:s23], [sflag:$0x1] =	stream.indirect_vreg.gather [hbm4b:s1+s3], $0x80, v3, vm0, $0xb8;
	[tilespmem:$0x8080] =	vst v63  }
0xb7: {  	v3 =	vld [tilespmem:$0x70];
	_ =	sdelay $0x4  }
0xb8: {  	v63 =	vshll.u32 v3, $0x1  }
0xb9: {  	v3 =	vand.u32 $0x7, v3;
	v4 =	vand.u32 $0xFFFFFFF0, v63  }
0xba: {  	v3 =	vor.u32 v3, v4  }
0xbb: {  	v4 =	vperm.xlane v3, v0;
	_ =	sdelay $0x1  }
0xbc: {  	v3 =	vperm.xlane v3, v2;
	v4 =	vadd.s32 v1, v4;
	_ =	sdelay $0x1  }
0xbd: {  	v3 =	vadd.s32 v1, v3;
	_ =	sdelay $0x2  }
0xbe: {  	[tilespmem:s24], [sflag:$0x1] =	stream.indirect_vreg.gather [hbm4b:s1+s3], $0x80, v4, vm0, $0xb8;
	[tilespmem:$0x8080] =	vst v63  }
0xbf: {  	_ = 	snop  }
0xc0: {  	[tilespmem:s25], [sflag:$0x1] =	stream.indirect_vreg.gather [hbm4b:s1+s3], $0x80, v3, vm0, $0xb8;
	[tilespmem:$0x8080] =	vst v63  }
0xc1: {  	_ =	swait.ge [sflag:s26], $0x8000  }
0xc2: {  	p0 =	sne.s32 s8, $0x1;
	[sflag:s26] =	ssyncset.done $0x0  }
.Ltmp0:
0xc3: {  	[sflag:s26] =	ssyncadd.s32 $0xFFFF8000;
	(pc) =	sbr.rel @p0 .LBB2_1-.Ltmp0, $4  }
0xc4: {  	[hbm4b:s7+s3] =	stream.linear.scatter [tilespmem:s10], [sflag:$0x2], $0x8000, $0x38;
	[tilespmem:$0x8080] =	vst v63  }
0xc5: {  	_ =	swait.ge [sflag:s9], $0x8000  }
0xc6: {  	[sflag:s9] =	ssyncset.done $0x0  }
0xc7: {  	s8 =	sadd.s32 $0xFFFFFFFF, s8;
	[sflag:s9] =	ssyncadd.s32 $0xFFFF8000  }
0xc8: {  	_ =	sfence.sel $0x180000  }
0xc9: {  	[bflag:$0x0] =	sbarrier.arrive $0xFFFF  }
0xca: {  	p0 =	sne.s32 s2, $0x0;
	_ =	strace $0x9000004A  }
0xcb: {  	s0 =	sadd.s32 @!p0 $0x100000, s0;
	[bflag:$0x2] =	sbarrier.arrive $0xFFFF  }
0xcc: {  	[sflag:s0] =	ssyncadd.tile.s32 @!p0 $0x1;
	_ =	shalt  }
.Lfunc_end2:
_tile_overlayer_lowered:
.L_overlay_start_2:
0xcd: {  	(tag) =	ssettag $0x2  }
0xce: {  	s0 =	rddreg [dreg:$0x0];
	s2 =	stileid.u32  }
0xcf: {  	s1 =	rddreg [dreg:$0x1];
	p0 =	sne.s32 s2, $0x0  }
0xd0: {  	s3 =	rddreg [dreg:$0x2];
	[bflag:$0x3] =	sbarrier.arrive $0xFFFF;
	s2 =	simm.s32 @!p0 $0x1C02  }
0xd1: {  	[timem:s3], [sflag:s2] =	dma.local @!p0 [hbm:s0], s1  }
0xd2: {  	s0 =	simm.s32 @!p0 $0x2  }
0xd3: {  	_ =	swait.ge @!p0 [sflag:s0], s1  }
0xd4: {  	s1 =	ssub.s32 @!p0 $0x0, s1;
	[sflag:s0] =	ssyncset.done @!p0 $0x0  }
0xd5: {  	[sflag:s0] =	ssyncadd.s32 @!p0 s1  }
0xd6: {  	[bflag:$0x3] =	sbarrier.arrive $0xFFFF  }
0xd7: {  	_ =	shalt  }

// kernel: kernel.14.cloned.1.call-start
scs
__scs_entry_jumppad:
0x0: {  	(pc) =	sbr.rel $0x88, $3  }
0x1: {  	(tag) =	ssettag $0x0;
	lr =	simm.s32 $0x1  }
0x2: {  	[smem:$0x3F9D] =	sst lr;
	_ =	strace $0xD0000000  }
0x3: {  	_ = 	snop  }
0x4: {  	_ = 	snop  }
0x5: {  	_ = 	snop  }
0x6: {  	_ = 	snop  }
0x7: {  	_ = 	snop  }
__scs_overlays_trampoline_lowered:
0x8: {  	[smem:$0x3FAC] =	sst s0  }
0x9: {  	[smem:$0x3FAD] =	sst s1  }
0xa: {  	[smem:$0x3FAE] =	sst s2  }
0xb: {  	[smem:$0x3FAF] =	sst s3  }
0xc: {  	[smem:$0x3FB0] =	sst s4  }
0xd: {  	[smem:$0x3FB1] =	sst s5  }
0xe: {  	[smem:$0x3FB2] =	sst s6  }
0xf: {  	[smem:$0x3FB3] =	sst s7  }
0x10: {  	[smem:$0x3FB4] =	sst s8  }
0x11: {  	[smem:$0x3FB5] =	sst s9;
	s0 =	simm.s32 @!p0 $0x0  }
0x12: {  	s1 =	sld [smem:$0x3F9B];
	s0 =	simm.s32 @p0 $0x1  }
0x13: {  	[smem:$0x3FB6] =	sst s0;
	s0 =	simm.s32 @!p1 $0x0  }
0x14: {  	s2 =	sld [smem:$0x3F9A];
	s0 =	simm.s32 @p1 $0x1  }
0x15: {  	[smem:$0x3FB7] =	sst s0;
	s0 =	simm.s32 @!p2 $0x0  }
0x16: {  	s3 =	sld [smem:$0x3FDB];
	s0 =	simm.s32 @p2 $0x1  }
0x17: {  	s4 =	simm.s32 $0x1BF5;
	[smem:$0x3FB9] =	sst s0  }
0x18: {  	s0 =	sld [smem:$0x3F9C];
	_ =	swait.ge [sflag:s4], $0x0  }
0x19: {  	s7 =	sld [smem:$0x3F9D]  }
0x1a: {  	s8 =	sadd.s32 $0xFFFFE003, lr  }
0x1b: {  	s9 =	sadd.s32 $0xFFFFFEF7, lr;
	s5 =	simm.s32 $0xFFFFFFFF;
	p2 =	slt.u32 s8, $0xFFFFF086  }
0x1c: {  	p1 =	slt.u32 s9, $0xF7A;
	s5 =	simm.s32 @!p2 $0x0  }
0x1d: {  	s5 =	simm.s32 @p1 $0x1;
	p0 =	seq.s32 s7, s2  }
0x1e: {  	s7 =	smul.u32 @!p0 $0xF7A, s2;
	p2 =	seq.s32 @!p0 s5, $0x0  }
0x1f: {  	s9 =	smul.u32 $0xF7A, s1;
	s8 =	simm.s32 @!p0 $0x1BF5;
	p2 =	por !p2, p0  }
0x20: {  	[sflag:s8] =	ssyncset.s32 @!p0 $0xFFFFF086;
	s6 =	sadd.s32 @!p0 s3, s7;
	s7 =	simm.s32 @!p0 $0x108  }
0x21: {  	s3 =	sadd.s32 s3, s9;
	s6 =	sadd.s32 @!p0 $0x88, s6;
	s7 =	simm.s32 @p2 $0x1082  }
0x22: {  	[simem:s7], [sflag:s8] =	dma.local @!p0 [hbm:s6], $0xF7A  }
0x23: {  	s9 =	sor.u32 $0xD0000000, s2;
	s6 =	simm.s32 $0x108;
	_ =	swait.ge @!p0 [sflag:s8], $0x0  }
0x24: {  	s3 =	sadd.s32 $0x88, s3;
	s6 =	simm.s32 @!p1 $0x1082;
	[sflag:s4] =	ssyncset.s32 $0xFFFFF086  }
0x25: {  	[simem:s6], [sflag:s4] =	dma.local [hbm:s3], $0xF7A  }
0x26: {  	[smem:$0x3F9D] =	sst s1;
	(tag) =	ssettag s2;
	_ =	strace s9  }
0x27: {  	s1 =	sld [smem:$0x3FAD]  }
0x28: {  	s2 =	sld [smem:$0x3FAE]  }
0x29: {  	s4 =	sld [smem:$0x3FB0]  }
0x2a: {  	p0 =	seq.s32 s5, $0x0;
	s5 =	sld [smem:$0x3FB1]  }
0x2b: {  	s6 =	sld [smem:$0x3FB2]  }
0x2c: {  	s7 =	sld [smem:$0x3FB3]  }
0x2d: {  	s3 =	simm.s32 $0x108;
	s8 =	sld [smem:$0x3FB4]  }
0x2e: {  	s3 =	simm.s32 @!p0 $0x1082;
	s9 =	sld [smem:$0x3FB5]  }
0x2f: {  	lr =	sadd.s32 s0, s3;
	s0 =	sld [smem:$0x3FAC]  }
0x30: {  	s3 =	sld [smem:$0x3FAF]  }
0x31: {  	[smem:$0x3FB8] =	sst s10  }
0x32: {  	s10 =	sld [smem:$0x3FB6];
	_ =	sdelay $0x3  }
0x33: {  	p0 =	seq.s32 s10, $0x1;
	s10 =	sld [smem:$0x3FB8];
	_ =	sdelay $0x3  }
0x34: {  	[smem:$0x3FB8] =	sst s10  }
0x35: {  	s10 =	sld [smem:$0x3FB7];
	_ =	sdelay $0x3  }
0x36: {  	p1 =	seq.s32 s10, $0x1;
	s10 =	sld [smem:$0x3FB8];
	_ =	sdelay $0x3  }
0x37: {  	[smem:$0x3FB8] =	sst s10  }
0x38: {  	s10 =	sld [smem:$0x3FB9]  }
0x39: {  	_ = 	snop;
	(pc) =	sbr.ind lr, $3  }
0x3a: {  	_ = 	snop  }
0x3b: {  	_ = 	snop  }
0x3c: {  	p2 =	seq.s32 s10, $0x1;
	s10 =	sld [smem:$0x3FB8]  }
0x3d: {  	_ =	shalt  }
0x3e: {  	_ =	shalt  }
0x3f: {  	_ =	shalt  }
0x40: {  	_ =	shalt  }
0x41: {  	_ =	shalt  }
0x42: {  	_ =	shalt  }
0x43: {  	_ =	shalt  }
0x44: {  	_ =	shalt  }
0x45: {  	_ =	shalt  }
0x46: {  	_ =	shalt  }
0x47: {  	_ =	shalt  }
0x48: {  	_ =	shalt  }
0x49: {  	_ =	shalt  }
0x4a: {  	_ =	shalt  }
0x4b: {  	_ =	shalt  }
0x4c: {  	_ =	shalt  }
0x4d: {  	_ =	shalt  }
0x4e: {  	_ =	shalt  }
0x4f: {  	_ =	shalt  }
0x50: {  	_ =	shalt  }
0x51: {  	_ =	shalt  }
0x52: {  	_ =	shalt  }
0x53: {  	_ =	shalt  }
0x54: {  	_ =	shalt  }
0x55: {  	_ =	shalt  }
0x56: {  	_ =	shalt  }
0x57: {  	_ =	shalt  }
0x58: {  	_ =	shalt  }
0x59: {  	_ =	shalt  }
0x5a: {  	_ =	shalt  }
0x5b: {  	_ =	shalt  }
0x5c: {  	_ =	shalt  }
0x5d: {  	_ =	shalt  }
0x5e: {  	_ =	shalt  }
0x5f: {  	_ =	shalt  }
0x60: {  	_ =	shalt  }
0x61: {  	_ =	shalt  }
0x62: {  	_ =	shalt  }
0x63: {  	_ =	shalt  }
0x64: {  	_ =	shalt  }
0x65: {  	_ =	shalt  }
0x66: {  	_ =	shalt  }
0x67: {  	_ =	shalt  }
0x68: {  	_ =	shalt  }
0x69: {  	_ =	shalt  }
0x6a: {  	_ =	shalt  }
0x6b: {  	_ =	shalt  }
0x6c: {  	_ =	shalt  }
0x6d: {  	_ =	shalt  }
0x6e: {  	_ =	shalt  }
0x6f: {  	_ =	shalt  }
0x70: {  	_ =	shalt  }
0x71: {  	_ =	shalt  }
0x72: {  	_ =	shalt  }
0x73: {  	_ =	shalt  }
0x74: {  	_ =	shalt  }
0x75: {  	_ =	shalt  }
0x76: {  	_ =	shalt  }
0x77: {  	_ =	shalt  }
0x78: {  	_ =	shalt  }
0x79: {  	_ =	shalt  }
0x7a: {  	_ =	shalt  }
0x7b: {  	_ =	shalt  }
0x7c: {  	_ =	shalt  }
0x7d: {  	_ =	shalt  }
0x7e: {  	_ =	shalt  }
0x7f: {  	_ =	shalt  }
0x80: {  	_ =	shalt  }
0x81: {  	_ =	shalt  }
0x82: {  	_ =	shalt  }
0x83: {  	_ =	shalt  }
0x84: {  	_ =	shalt  }
0x85: {  	_ =	shalt  }
0x86: {  	_ =	shalt  }
0x87: {  	_ =	shalt  }
.Lfunc_end0:
.L_simem_size_0:
called_computation.2_lowered:
.L_overlay_start_0:
0x88: {  	s2 =	sld [smem:$0x3FD9]  }
0x89: {  	s3 =	sld [smem:$0x3FFE];
	_ =	sdelay $0x1  }
0x8a: {  	s1 =	srdreg.scid  }
0x8b: {  	s0 =	sand.u32 $0x1, s1  }
0x8c: {  	s14 =	sshll.u32 s0, $0xA;
	s2 =	sadd.s32 s3, s2  }
0x8d: {  	s2 =	sadd.s32 s2, s14  }
0x8e: {  	[smem:$0x3FC4] =	sst s2  }
0x8f: {  	_ = 	snop  }
0x90: {  	s2 =	sld [smem:$0x3FD0];
	_ =	sdelay $0x2  }
0x91: {  	s4 =	simm.s32 $0xA;
	s5 =	simm.s32 $0x10;
	s15 =	sld [smem:$0x3FC6]  }
0x92: {  	[smem:s5], [sflag:s4] =	dma.local [hbm:s2], $0x1  }
0x93: {  	_ =	swait.eq [sflag:s4], $0x1  }
0x94: {  	[sflag:s4] =	ssyncset.done $0x0  }
0x95: {  	[sflag:s4] =	ssyncadd.s32 $0xFFFFFFFF  }
0x96: {  	s16 =	sld [smem:$0x10];
	(tm) =	ssettm $0x1  }
0x97: {  	s17 =	sld [smem:$0x3FFB];
	_ =	sdelay $0x3  }
0x98: {  	_ =	strace s17  }
0x99: {  	s4 =	sld [smem:$0x3FFC];
	_ =	sdelay $0x3  }
0x9a: {  	_ =	strace s4  }
0x9b: {  	s4 =	sld [smem:$0x3FFD];
	_ =	sdelay $0x3  }
0x9c: {  	_ =	strace s4  }
0x9d: {  	_ =	strace $0x8FFFFFFF  }
0x9e: {  	s18 =	sld [smem:$0x3FDB];
	_ =	sdelay $0x1  }
0x9f: {  	s19 =	simm.s32 $_scs_section_size  }
0xa0: {  	s6 =	simm.s32 $_size__tile_overlayer_lowered;
	s7 =	simm.s32 $_tile_overlayer_lowered  }
0xa1: {  	s22 =	simm.s32 $0x1BFF;
	s21 =	sshll.u32 s7, $0x1;
	s4 =	sadd.s32 s19, s18  }
0xa2: {  	s8 =	simm.s32 $0x0;
	s20 =	sshll.u32 s6, $0x1;
	s6 =	sadd.s32 s21, s4  }
0xa3: {  	[timem:s8], [sflag:s22] =	dma.local [hbm:s6], s20  }
0xa4: {  	_ =	swait.ge [sflag:s22], s20  }
0xa5: {  	s5 =	ssub.s32 $0x0, s20;
	[sflag:s22] =	ssyncset.done $0x0  }
0xa6: {  	[sflag:s22] =	ssyncadd.s32 s5;
	_ =	sdelay $0x1  }
0xa7: {  	s23 =	simm.s32 $0x1B8B  }
0xa8: {  	_ =	swait.ge [sflag:s23], $0x1  }
0xa9: {  	[sflag:s23] =	ssyncset.done $0x0  }
0xaa: {  	s25 =	simm.s32 $0x1B8E;
	s24 =	sld [smem:$0x3FFE];
	[sflag:s23] =	ssyncadd.s32 $0xFFFFFFFF  }
0xab: {  	s26 =	simm.s32 $execute0_lowered;
	[smem:$0x3FD2] =	sst s25  }
0xac: {  	s6 =	sshll.u32 s26, $0x1;
	_ =	strace $0x8000004C;
	[dreg:$0x1] =	wrdreg $0xFFFFFFFF  }
0xad: {  	s28 =	simm.s32 $_size_execute0_lowered;
	s4 =	sadd.s32 s4, s6;
	[dreg:$0x0] =	wrdreg $0x0  }
0xae: {  	s6 =	sshll.u32 s28, $0x1;
	[dreg:$0x2] =	wrdreg s4  }
0xaf: {  	[dreg:$0x3] =	wrdreg s6  }
0xb0: {  	[dreg:$0x4] =	wrdreg $0xC0  }
0xb1: {  	_ =	task [dreg:s8], $0x5FFFF  }
0xb2: {  	[dreg:$0x1] =	wrdreg $0xFFFFFFFF  }
0xb3: {  	[dreg:$0x0] =	wrdreg $0x60  }
0xb4: {  	[dreg:$0x2] =	wrdreg s15  }
0xb5: {  	[dreg:$0x3] =	wrdreg s24  }
0xb6: {  	[dreg:$0x4] =	wrdreg s16  }
0xb7: {  	[dreg:$0x5] =	wrdreg $0x9  }
0xb8: {  	_ =	task.clear_ibuf [dreg:s8], $0x6FFFF;
	_ =	strace $0x9000004C  }
0xb9: {  	s29 =	simm.s32 $0x9;
	_ =	strace $0x8000004E  }
0xba: {  	_ =	swait.ge [sflag:s29], $0x1  }
0xbb: {  	[sflag:s29] =	ssyncadd.s32 $0xFFFFFFFF  }
0xbc: {  	_ =	strace $0x9000004E  }
0xbd: {  	_ =	sfence  }
0xbe: {  	s30 =	sld [smem:$0x0];
	_ =	sdelay $0x2  }
0xbf: {  	s31 =	sshll.u32 s1, $0xD;
	s1 =	sshrl.u32 s1, $0x2  }
0xc0: {  	s3 =	sand.u32 $0x4000, s31;
	s1 =	sadd.s32 s1, s30  }
0xc1: {  	s0 =	sor.u32 s3, s0;
	s1 =	sshll.u32 s1, $0x11  }
0xc2: {  	s0 =	sor.u32 s1, s0  }
0xc3: {  	s0 =	sadd.s32 $0x8F2B, s0  }
0xc4: {  	[sflag:s0] =	ssyncadd.remote.s32 $0x1  }
0xc5: {  	_ =	sfence.sel $0xFFFF  }
0xc6: {  	[dreg:$0x0] =	wrdreg $0xFFFFFFFF;
	(pc) =	sbr.abs _section_cstart, $3  }
0xc7: {  	[dreg:$0x1] =	wrdreg $0xFFFFFFFF  }
0xc8: {  	_ =	task.clear_ibuf [dreg:s8], $0x2FFFF;
	_ =	strace $0x9FFFFFFF  }
0xc9: {  	(tm) =	ssettm $0x7FFFFFFF  }
tec
execute0_lowered:
.L_overlay_start_1:
0x0: {  	(tag) =	ssettag $0x1  }
0x1: {  	s1 =	rddreg [dreg:$0x0]  }
0x2: {  	s0 =	rddreg [dreg:$0x1]  }
0x3: {  	s3 =	rddreg [dreg:$0x2];
	s2 =	simm.s32 $0x0;
	s5 =	srdreg.scid  }
0x4: {  	s7 =	stileid.u32;
	s13 =	simm.s32 $0x2;
	s17 =	simm.s32 $0x1880  }
0x5: {  	s18 =	simm.s32 $0x2080;
	s19 =	simm.s32 $0x2880;
	s20 =	simm.s32 $0x3080  }
0x6: {  	s21 =	simm.s32 $0x3880;
	s22 =	simm.s32 $0x4080;
	s28 =	simm.s32 $0x6880  }
0x7: {  	s29 =	simm.s32 $0x7080;
	s30 =	simm.s32 $0x7880;
	s31 =	simm.s32 $0x8080  }
0x8: {  	[smem:$0x7FF] =	sst s2;
	s4 =	sadd.s32 $0x42600, s0;
	s5 =	sand.u32 $0x1, s5  }
0x9: {  	s9 =	sadd.s32 $0x2200, s0;
	s7 =	sshll.u32 s7, $0x9;
	s6 =	ssub.s32 $0x2, s5  }
0xa: {  	s0 =	sadd.s32 $0x42A00, s0;
	s5 =	sshll.u32 s5, $0x8;
	s8 =	sshrl.u32 s6, $0x1  }
0xb: {  	_ =	strace $0x8000004D;
	s5 =	sor.u32 s5, s7;
	s12 =	ssub.s32 s6, s8  }
0xc: {  	s23 =	sshrl.u32 s5, $0x3;
	s7 =	sshll.u32 s5, $0x5;
	s5 =	sor.u32 $0x80, s5  }
0xd: {  	s6 =	sadd.s32 s4, s23;
	s24 =	sadd.s32 s9, s7;
	s25 =	sadd.s32 s3, s7  }
0xe: {  	s26 =	sshrl.u32 s5, $0x3;
	s5 =	sshll.u32 s5, $0x5;
	[dreg:$0x4] =	wrdreg s6  }
0xf: {  	s7 =	sadd.s32 s0, s7;
	s12 =	smax.u32 s12, $0x1;
	[dreg:$0x5] =	wrdreg s24  }
0x10: {  	s23 =	simm.s32 $0x4880;
	[dreg:$0x6] =	wrdreg s25;
	s8 =	sadd.s32 s4, s26  }
0x11: {  	v2 =	vlaneseq.u32;
	s9 =	sadd.s32 s9, s5;
	s10 =	sadd.s32 s3, s5;
	s11 =	sadd.s32 s0, s5  }
0x12: {  	vm0 =	vmmov $0xffff;
	v1 =	vshrl.u32 v2, $0x3;
	s24 =	simm.s32 $0x5080;
	s25 =	simm.s32 $0x5880;
	s26 =	simm.s32 $0x6080  }
0x13: {  	v0 =	vand.u32 $0x7, v2;
	v2 =	vor.u32 $0x8, v2;
	v1 =	vmul.u32 $0x8, v1;
	s0 =	simm.s32 $0x10080;
	s3 =	simm.s32 $0x1;
	s4 =	simm.s32 $0x0  }
.LBB2_1:
0x14: {  	s5 =	rddreg [dreg:$0x4]  }
0x15: {  	[tilespmem:s2], [sflag:$0x2] =	stream.linear.gather [hbm4b:s5+s2], $0x80, $0x38;
	[tilespmem:$0x18080] =	vst v63  }
0x16: {  	_ =	swait.ge [sflag:s13], $0x80  }
0x17: {  	[sflag:s13] =	ssyncset.done $0x0  }
0x18: {  	[sflag:s13] =	ssyncadd.s32 $0xFFFFFF80  }
0x19: {  	v3 =	vld [tilespmem:$0x0];
	_ =	sdelay $0x4  }
0x1a: {  	v4 =	vshll.u32 v3, $0x1  }
0x1b: {  	v3 =	vand.u32 $0x7, v3;
	v4 =	vand.u32 $0xFFFFFFF0, v4  }
0x1c: {  	v3 =	vor.u32 v3, v4  }
0x1d: {  	v4 =	vperm.xlane v3, v0;
	_ =	sdelay $0x1  }
0x1e: {  	v3 =	vperm.xlane v3, v2;
	v4 =	vadd.s32 v1, v4;
	_ =	sdelay $0x1  }
0x1f: {  	v3 =	vadd.s32 v1, v3;
	_ =	sdelay $0x1  }
0x20: {  	s15 =	simm.s32 $0x80  }
0x21: {  	[tilespmem:s15], [sflag:$0x1] =	stream.indirect_vreg.gather [hbm4b:s1+s2], $0x80, v4, vm0, $0xb8;
	[tilespmem:$0x18080] =	vst v63  }
0x22: {  	s16 =	simm.s32 $0x880  }
0x23: {  	[tilespmem:s16], [sflag:$0x1] =	stream.indirect_vreg.gather [hbm4b:s1+s2], $0x80, v3, vm0, $0xb8;
	[tilespmem:$0x18080] =	vst v63  }
0x24: {  	v3 =	vld [tilespmem:$0x10];
	_ =	sdelay $0x4  }
0x25: {  	v4 =	vshll.u32 v3, $0x1  }
0x26: {  	v3 =	vand.u32 $0x7, v3;
	v4 =	vand.u32 $0xFFFFFFF0, v4  }
0x27: {  	v3 =	vor.u32 v3, v4  }
0x28: {  	v4 =	vperm.xlane v3, v0;
	_ =	sdelay $0x1  }
0x29: {  	v3 =	vperm.xlane v3, v2;
	v4 =	vadd.s32 v1, v4;
	_ =	sdelay $0x1  }
0x2a: {  	v3 =	vadd.s32 v1, v3;
	_ =	sdelay $0x1  }
0x2b: {  	s6 =	simm.s32 $0x1080  }
0x2c: {  	[tilespmem:s6], [sflag:$0x1] =	stream.indirect_vreg.gather [hbm4b:s1+s2], $0x80, v4, vm0, $0xb8;
	[tilespmem:$0x18080] =	vst v63  }
0x2d: {  	_ = 	snop  }
0x2e: {  	[tilespmem:s17], [sflag:$0x1] =	stream.indirect_vreg.gather [hbm4b:s1+s2], $0x80, v3, vm0, $0xb8;
	[tilespmem:$0x18080] =	vst v63  }
0x2f: {  	v3 =	vld [tilespmem:$0x20];
	_ =	sdelay $0x4  }
0x30: {  	v4 =	vshll.u32 v3, $0x1  }
0x31: {  	v3 =	vand.u32 $0x7, v3;
	v4 =	vand.u32 $0xFFFFFFF0, v4  }
0x32: {  	v3 =	vor.u32 v3, v4  }
0x33: {  	v4 =	vperm.xlane v3, v0;
	_ =	sdelay $0x1  }
0x34: {  	v3 =	vperm.xlane v3, v2;
	v4 =	vadd.s32 v1, v4;
	_ =	sdelay $0x1  }
0x35: {  	v3 =	vadd.s32 v1, v3;
	_ =	sdelay $0x2  }
0x36: {  	[tilespmem:s18], [sflag:$0x1] =	stream.indirect_vreg.gather [hbm4b:s1+s2], $0x80, v4, vm0, $0xb8;
	[tilespmem:$0x18080] =	vst v63  }
0x37: {  	_ = 	snop  }
0x38: {  	[tilespmem:s19], [sflag:$0x1] =	stream.indirect_vreg.gather [hbm4b:s1+s2], $0x80, v3, vm0, $0xb8;
	[tilespmem:$0x18080] =	vst v63  }
0x39: {  	v3 =	vld [tilespmem:$0x30];
	_ =	sdelay $0x4  }
0x3a: {  	v4 =	vshll.u32 v3, $0x1  }
0x3b: {  	v3 =	vand.u32 $0x7, v3;
	v4 =	vand.u32 $0xFFFFFFF0, v4  }
0x3c: {  	v3 =	vor.u32 v3, v4  }
0x3d: {  	v4 =	vperm.xlane v3, v0;
	_ =	sdelay $0x1  }
0x3e: {  	v3 =	vperm.xlane v3, v2;
	v4 =	vadd.s32 v1, v4;
	_ =	sdelay $0x1  }
0x3f: {  	v3 =	vadd.s32 v1, v3;
	_ =	sdelay $0x2  }
0x40: {  	[tilespmem:s20], [sflag:$0x1] =	stream.indirect_vreg.gather [hbm4b:s1+s2], $0x80, v4, vm0, $0xb8;
	[tilespmem:$0x18080] =	vst v63  }
0x41: {  	_ = 	snop  }
0x42: {  	[tilespmem:s21], [sflag:$0x1] =	stream.indirect_vreg.gather [hbm4b:s1+s2], $0x80, v3, vm0, $0xb8;
	[tilespmem:$0x18080] =	vst v63  }
0x43: {  	v3 =	vld [tilespmem:$0x40];
	_ =	sdelay $0x4  }
0x44: {  	v4 =	vshll.u32 v3, $0x1  }
0x45: {  	v3 =	vand.u32 $0x7, v3;
	v4 =	vand.u32 $0xFFFFFFF0, v4  }
0x46: {  	v3 =	vor.u32 v3, v4  }
0x47: {  	v4 =	vperm.xlane v3, v0;
	_ =	sdelay $0x1  }
0x48: {  	v3 =	vperm.xlane v3, v2;
	v4 =	vadd.s32 v1, v4;
	_ =	sdelay $0x1  }
0x49: {  	v3 =	vadd.s32 v1, v3;
	_ =	sdelay $0x2  }
0x4a: {  	[tilespmem:s22], [sflag:$0x1] =	stream.indirect_vreg.gather [hbm4b:s1+s2], $0x80, v4, vm0, $0xb8;
	[tilespmem:$0x18080] =	vst v63  }
0x4b: {  	_ = 	snop  }
0x4c: {  	[tilespmem:s23], [sflag:$0x1] =	stream.indirect_vreg.gather [hbm4b:s1+s2], $0x80, v3, vm0, $0xb8;
	[tilespmem:$0x18080] =	vst v63  }
0x4d: {  	v3 =	vld [tilespmem:$0x50];
	_ =	sdelay $0x4  }
0x4e: {  	v4 =	vshll.u32 v3, $0x1  }
0x4f: {  	v3 =	vand.u32 $0x7, v3;
	v4 =	vand.u32 $0xFFFFFFF0, v4  }
0x50: {  	v3 =	vor.u32 v3, v4  }
0x51: {  	v4 =	vperm.xlane v3, v0;
	_ =	sdelay $0x1  }
0x52: {  	v3 =	vperm.xlane v3, v2;
	v4 =	vadd.s32 v1, v4;
	_ =	sdelay $0x1  }
0x53: {  	v3 =	vadd.s32 v1, v3;
	_ =	sdelay $0x2  }
0x54: {  	[tilespmem:s24], [sflag:$0x1] =	stream.indirect_vreg.gather [hbm4b:s1+s2], $0x80, v4, vm0, $0xb8;
	[tilespmem:$0x18080] =	vst v63  }
0x55: {  	_ = 	snop  }
0x56: {  	[tilespmem:s25], [sflag:$0x1] =	stream.indirect_vreg.gather [hbm4b:s1+s2], $0x80, v3, vm0, $0xb8;
	[tilespmem:$0x18080] =	vst v63  }
0x57: {  	v3 =	vld [tilespmem:$0x60];
	_ =	sdelay $0x4  }
0x58: {  	v4 =	vshll.u32 v3, $0x1  }
0x59: {  	v3 =	vand.u32 $0x7, v3;
	v4 =	vand.u32 $0xFFFFFFF0, v4  }
0x5a: {  	v3 =	vor.u32 v3, v4  }
0x5b: {  	v4 =	vperm.xlane v3, v0;
	_ =	sdelay $0x1  }
0x5c: {  	v3 =	vperm.xlane v3, v2;
	v4 =	vadd.s32 v1, v4;
	_ =	sdelay $0x1  }
0x5d: {  	v3 =	vadd.s32 v1, v3;
	_ =	sdelay $0x2  }
0x5e: {  	[tilespmem:s26], [sflag:$0x1] =	stream.indirect_vreg.gather [hbm4b:s1+s2], $0x80, v4, vm0, $0xb8;
	[tilespmem:$0x18080] =	vst v63  }
0x5f: {  	_ = 	snop  }
0x60: {  	[tilespmem:s28], [sflag:$0x1] =	stream.indirect_vreg.gather [hbm4b:s1+s2], $0x80, v3, vm0, $0xb8;
	[tilespmem:$0x18080] =	vst v63  }
0x61: {  	v3 =	vld [tilespmem:$0x70];
	_ =	sdelay $0x4  }
0x62: {  	v4 =	vshll.u32 v3, $0x1  }
0x63: {  	v3 =	vand.u32 $0x7, v3;
	v4 =	vand.u32 $0xFFFFFFF0, v4  }
0x64: {  	v3 =	vor.u32 v3, v4  }
0x65: {  	v4 =	vperm.xlane v3, v0;
	_ =	sdelay $0x1  }
0x66: {  	v3 =	vperm.xlane v3, v2;
	v4 =	vadd.s32 v1, v4;
	_ =	sdelay $0x1  }
0x67: {  	v3 =	vadd.s32 v1, v3;
	_ =	sdelay $0x2  }
0x68: {  	[tilespmem:s29], [sflag:$0x1] =	stream.indirect_vreg.gather [hbm4b:s1+s2], $0x80, v4, vm0, $0xb8;
	[tilespmem:$0x18080] =	vst v63  }
0x69: {  	_ = 	snop  }
0x6a: {  	[tilespmem:s30], [sflag:$0x1] =	stream.indirect_vreg.gather [hbm4b:s1+s2], $0x80, v3, vm0, $0xb8;
	[tilespmem:$0x18080] =	vst v63  }
0x6b: {  	s14 =	rddreg [dreg:$0x5]  }
0x6c: {  	[tilespmem:s31], [sflag:$0x2] =	stream.linear.gather [hbm4b:s14+s2], $0x8000, $0x38;
	[tilespmem:$0x18080] =	vst v63  }
0x6d: {  	_ =	swait.ge [sflag:s13], $0x8000  }
0x6e: {  	[sflag:s13] =	ssyncset.done $0x0  }
0x6f: {  	s15 =	rddreg [dreg:$0x6];
	[sflag:s13] =	ssyncadd.s32 $0xFFFF8000  }
0x70: {  	[tilespmem:s0], [sflag:$0x2] =	stream.linear.gather [hbm4b:s15+s2], $0x8000, $0x38;
	[tilespmem:$0x18080] =	vst v63  }
0x71: {  	_ =	swait.ge [sflag:s13], $0x8000  }
0x72: {  	[sflag:s13] =	ssyncset.done $0x0  }
0x73: {  	[sflag:s13] =	ssyncadd.s32 $0xFFFF8000  }
0x74: {  	_ =	swait.ge [sflag:s3], $0x8000  }
0x75: {  	s16 =	sand.u32 $0x7800, s2;
	s14 =	sand.u32 $0x380, s2;
	[sflag:s3] =	ssyncset.done $0x0  }
0x76: {  	s14 =	sor.u32 s14, s16;
	[sflag:s3] =	ssyncadd.s32 $0xFFFF8000  }
0x77: {  	v17 =	vld [tilespmem:s14+$0x80]  }
0x78: {  	v18 =	vld [tilespmem:s14+$0x90]  }
0x79: {  	v19 =	vld [tilespmem:s14+$0xA0]  }
0x7a: {  	v21 =	vld [tilespmem:s14+$0xB0]  }
0x7b: {  	v22 =	vld [tilespmem:s14+$0xC0]  }
0x7c: {  	v23 =	vld [tilespmem:s14+$0xD0]  }
0x7d: {  	v24 =	vld [tilespmem:s14+$0xE0]  }
0x7e: {  	v9 =	vld [tilespmem:s14+$0xF0]  }
0x7f: {  	v8 =	vld [tilespmem:s14+$0x480]  }
0x80: {  	v7 =	vld [tilespmem:s14+$0x490]  }
0x81: {  	v6 =	vld [tilespmem:s14+$0x4A0]  }
0x82: {  	v5 =	vld [tilespmem:s14+$0x4B0]  }
0x83: {  	v4 =	vld [tilespmem:s14+$0x4C0]  }
0x84: {  	v3 =	vld [tilespmem:s14+$0x4D0]  }
0x85: {  	v20 =	vld [tilespmem:s14+$0x10080]  }
0x86: {  	v25 =	vld [tilespmem:s14+$0x10090]  }
0x87: {  	v26 =	vld [tilespmem:s14+$0x100A0]  }
0x88: {  	v27 =	vld [tilespmem:s14+$0x100B0]  }
0x89: {  	v28 =	vld [tilespmem:s14+$0x100C0]  }
0x8a: {  	v29 =	vld [tilespmem:s14+$0x100D0]  }
0x8b: {  	v30 =	vld [tilespmem:s14+$0x100E0]  }
0x8c: {  	v31 =	vld [tilespmem:s14+$0x100F0]  }
0x8d: {  	v32 =	vld [tilespmem:s14+$0x10480]  }
0x8e: {  	v16 =	vld [tilespmem:s14+$0x10490]  }
0x8f: {  	v15 =	vld [tilespmem:s14+$0x104A0]  }
0x90: {  	v14 =	vld [tilespmem:s14+$0x104B0]  }
0x91: {  	v13 =	vld [tilespmem:s14+$0x104C0]  }
0x92: {  	v12 =	vld [tilespmem:s14+$0x104D0]  }
0x93: {  	v11 =	vld [tilespmem:s14+$0x104E0]  }
0x94: {  	v10 =	vld [tilespmem:s14+$0x104F0]  }
0x95: {  	v33 =	vld [tilespmem:s14+$0x8080]  }
0x96: {  	v34 =	vld [tilespmem:s14+$0x8090]  }
0x97: {  	v35 =	vld [tilespmem:s14+$0x80A0]  }
0x98: {  	v36 =	vld [tilespmem:s14+$0x80B0]  }
0x99: {  	v37 =	vld [tilespmem:s14+$0x80C0]  }
0x9a: {  	v60 =	vld [tilespmem:s14+$0x80D0];
	v20 =	vsub.f32 v33, v20  }
0x9b: {  	v61 =	vld [tilespmem:s14+$0x80E0];
	v25 =	vsub.f32 v34, v25  }
0x9c: {  	v17 =	vadd.f32 v17, v20;
	v20 =	vsub.f32 v35, v26;
	v26 =	vld [tilespmem:s14+$0x80F0]  }
0x9d: {  	v18 =	vadd.f32 v18, v25;
	v25 =	vsub.f32 v36, v27;
	v27 =	vld [tilespmem:s14+$0x8480]  }
0x9e: {  	[tilespmem:s14+$0x8080] =	vst v17;
	v17 =	vadd.f32 v19, v20;
	v19 =	vsub.f32 v37, v28;
	v20 =	vld [tilespmem:s14+$0x8490]  }
0x9f: {  	v62 =	vsub.f32 v60, v29;
	[tilespmem:s14+$0x8090] =	vst v18;
	v25 =	vadd.f32 v21, v25;
	v21 =	vld [tilespmem:s14+$0x84A0]  }
0xa0: {  	v63 =	vsub.f32 v61, v30;
	v18 =	vld [tilespmem:s14+$0x84B0];
	[tilespmem:s14+$0x80A0] =	vst v17;
	v17 =	vadd.f32 v22, v19  }
0xa1: {  	[tilespmem:s14+$0x80B0] =	vst v25;
	v22 =	vadd.f32 v23, v62;
	v19 =	vld [tilespmem:s14+$0x84C0];
	v23 =	vsub.f32 v26, v31  }
0xa2: {  	s5 =	simm.s32 $0x100;
	s15 =	simm.s32 $0x0;
	v25 =	vadd.f32 v24, v63;
	v24 =	vsub.f32 v27, v32;
	[tilespmem:s14+$0x80C0] =	vst v17;
	v17 =	vld [tilespmem:s14+$0x84D0]  }
.LBB2_2:
0xa3: {  	p0 =	sne.s32 s5, $0x7F00;
	[tilespmem:s14+$0x80D0] =	vst v22;
	v9 =	vadd.f32 v9, v23;
	v16 =	vsub.f32 v20, v16;
	v20 =	vld [tilespmem:s14+$0x84E0]  }
0xa4: {  	s15 =	sadd.s32 $0x80, s15;
	[tilespmem:s14+$0x80E0] =	vst v25;
	v8 =	vadd.f32 v8, v24;
	v15 =	vsub.f32 v21, v15;
	v21 =	vld [tilespmem:s14+$0x84F0]  }
0xa5: {  	s6 =	sand.u32 $0x7800, s5;
	s16 =	sand.u32 $0x380, s15;
	[tilespmem:s14+$0x80F0] =	vst v9;
	v7 =	vadd.f32 v7, v16;
	v9 =	vsub.f32 v18, v14;
	v14 =	vld [tilespmem:s14+$0x4E0]  }
0xa6: {  	s6 =	sor.u32 s16, s6;
	[tilespmem:s14+$0x8480] =	vst v8;
	v6 =	vadd.f32 v6, v15;
	v8 =	vsub.f32 v19, v13;
	v13 =	vld [tilespmem:s14+$0x4F0]  }
0xa7: {  	v18 =	vld [tilespmem:s6+$0x80];
	[tilespmem:s14+$0x8490] =	vst v7;
	v5 =	vadd.f32 v5, v9;
	v7 =	vsub.f32 v17, v12  }
0xa8: {  	v17 =	vld [tilespmem:s6+$0x90];
	[tilespmem:s14+$0x84A0] =	vst v6;
	v4 =	vadd.f32 v4, v8;
	v6 =	vsub.f32 v20, v11  }
0xa9: {  	v19 =	vld [tilespmem:s6+$0xA0];
	[tilespmem:s14+$0x84B0] =	vst v5;
	v3 =	vadd.f32 v3, v7;
	v5 =	vsub.f32 v21, v10  }
0xaa: {  	v21 =	vld [tilespmem:s6+$0xB0];
	[tilespmem:s14+$0x84C0] =	vst v4;
	v4 =	vadd.f32 v14, v6  }
0xab: {  	v22 =	vld [tilespmem:s6+$0xC0];
	[tilespmem:s14+$0x84D0] =	vst v3;
	v3 =	vadd.f32 v13, v5  }
0xac: {  	v23 =	vld [tilespmem:s6+$0xD0];
	[tilespmem:s14+$0x84E0] =	vst v4  }
0xad: {  	v24 =	vld [tilespmem:s6+$0xE0];
	[tilespmem:s14+$0x84F0] =	vst v3;
	s14 =	smov.u32 s6  }
0xae: {  	v9 =	vld [tilespmem:s14+$0xF0]  }
0xaf: {  	v8 =	vld [tilespmem:s14+$0x480]  }
0xb0: {  	v7 =	vld [tilespmem:s14+$0x490]  }
0xb1: {  	v6 =	vld [tilespmem:s14+$0x4A0]  }
0xb2: {  	v5 =	vld [tilespmem:s14+$0x4B0]  }
0xb3: {  	v4 =	vld [tilespmem:s14+$0x4C0]  }
0xb4: {  	v3 =	vld [tilespmem:s14+$0x4D0]  }
0xb5: {  	v20 =	vld [tilespmem:s14+$0x10080]  }
0xb6: {  	v25 =	vld [tilespmem:s14+$0x10090]  }
0xb7: {  	v26 =	vld [tilespmem:s14+$0x100A0]  }
0xb8: {  	v27 =	vld [tilespmem:s14+$0x100B0]  }
0xb9: {  	v28 =	vld [tilespmem:s14+$0x100C0]  }
0xba: {  	v29 =	vld [tilespmem:s14+$0x100D0]  }
0xbb: {  	v30 =	vld [tilespmem:s14+$0x100E0]  }
0xbc: {  	v31 =	vld [tilespmem:s14+$0x100F0]  }
0xbd: {  	v32 =	vld [tilespmem:s14+$0x10480]  }
0xbe: {  	v16 =	vld [tilespmem:s14+$0x10490]  }
0xbf: {  	v15 =	vld [tilespmem:s14+$0x104A0]  }
0xc0: {  	v14 =	vld [tilespmem:s14+$0x104B0]  }
0xc1: {  	v13 =	vld [tilespmem:s14+$0x104C0]  }
0xc2: {  	v12 =	vld [tilespmem:s14+$0x104D0]  }
0xc3: {  	v11 =	vld [tilespmem:s14+$0x104E0]  }
0xc4: {  	v10 =	vld [tilespmem:s14+$0x104F0]  }
0xc5: {  	v33 =	vld [tilespmem:s14+$0x8080]  }
0xc6: {  	v34 =	vld [tilespmem:s14+$0x8090]  }
0xc7: {  	v35 =	vld [tilespmem:s14+$0x80A0]  }
0xc8: {  	v36 =	vld [tilespmem:s14+$0x80B0]  }
0xc9: {  	v37 =	vld [tilespmem:s14+$0x80C0]  }
0xca: {  	v20 =	vsub.f32 v33, v20;
	v33 =	vld [tilespmem:s14+$0x80D0]  }
0xcb: {  	v25 =	vsub.f32 v34, v25;
	v34 =	vld [tilespmem:s14+$0x80E0]  }
0xcc: {  	v18 =	vadd.f32 v18, v20;
	v20 =	vsub.f32 v35, v26;
	v26 =	vld [tilespmem:s14+$0x80F0]  }
0xcd: {  	v17 =	vadd.f32 v17, v25;
	v25 =	vsub.f32 v36, v27;
	v27 =	vld [tilespmem:s14+$0x8480]  }
.Ltmp0:
0xce: {  	[tilespmem:s14+$0x8080] =	vst v18;
	v18 =	vadd.f32 v19, v20;
	v19 =	vsub.f32 v37, v28;
	v20 =	vld [tilespmem:s14+$0x8490];
	(pc) =	sbr.rel @p0 .LBB2_2-.Ltmp0, $4  }
0xcf: {  	[tilespmem:s14+$0x8090] =	vst v17;
	v17 =	vadd.f32 v21, v25;
	v25 =	vsub.f32 v33, v29;
	v21 =	vld [tilespmem:s14+$0x84A0]  }
0xd0: {  	[tilespmem:s14+$0x80A0] =	vst v18;
	v28 =	vadd.f32 v22, v19;
	v29 =	vsub.f32 v34, v30;
	v18 =	vld [tilespmem:s14+$0x84B0]  }
0xd1: {  	[tilespmem:s14+$0x80B0] =	vst v17;
	v22 =	vadd.f32 v23, v25;
	v23 =	vsub.f32 v26, v31;
	v19 =	vld [tilespmem:s14+$0x84C0]  }
0xd2: {  	s5 =	sadd.s32 $0x100, s5;
	[tilespmem:s14+$0x80C0] =	vst v28;
	v25 =	vadd.f32 v24, v29;
	v24 =	vsub.f32 v27, v32;
	v17 =	vld [tilespmem:s14+$0x84D0]  }
0xd3: {  	v9 =	vadd.f32 v9, v23  }
0xd4: {  	[tilespmem:s14+$0x80D0] =	vst v22;
	v22 =	vld [tilespmem:s14+$0x84E0];
	v16 =	vsub.f32 v20, v16  }
0xd5: {  	v20 =	vld [tilespmem:s14+$0x84F0];
	v8 =	vadd.f32 v8, v24;
	[tilespmem:s14+$0x80F0] =	vst v9;
	v9 =	vsub.f32 v21, v15  }
0xd6: {  	[tilespmem:s14+$0x80E0] =	vst v25;
	v15 =	vld [tilespmem:s14+$0x4E0];
	v7 =	vadd.f32 v7, v16;
	v14 =	vsub.f32 v18, v14  }
0xd7: {  	[tilespmem:s14+$0x8480] =	vst v8;
	v8 =	vsub.f32 v19, v13;
	v6 =	vadd.f32 v6, v9;
	v9 =	vld [tilespmem:s14+$0x4F0]  }
0xd8: {  	[tilespmem:s14+$0x8490] =	vst v7;
	v5 =	vadd.f32 v5, v14;
	v7 =	vsub.f32 v17, v12  }
0xd9: {  	v4 =	vadd.f32 v4, v8;
	[tilespmem:s14+$0x84A0] =	vst v6;
	v6 =	vsub.f32 v22, v11  }
0xda: {  	[tilespmem:s14+$0x84B0] =	vst v5;
	v3 =	vadd.f32 v3, v7;
	v5 =	vsub.f32 v20, v10  }
0xdb: {  	[tilespmem:s14+$0x84C0] =	vst v4;
	v4 =	vadd.f32 v15, v6  }
0xdc: {  	[tilespmem:s14+$0x84D0] =	vst v3;
	v3 =	vadd.f32 v9, v5  }
0xdd: {  	[tilespmem:s14+$0x84E0] =	vst v4  }
0xde: {  	[tilespmem:s14+$0x84F0] =	vst v3;
	s14 =	simm.s32 $0x0  }
0xdf: {  	[hbm4b:s7+s14] =	stream.linear.scatter [tilespmem:s31], [sflag:$0x2], $0x8000, $0x38;
	[tilespmem:$0x18080] =	vst v63  }
0xe0: {  	_ =	swait.ge [sflag:s13], $0x8000  }
0xe1: {  	[sflag:s13] =	ssyncset.done $0x0  }
0xe2: {  	[sflag:s13] =	ssyncadd.s32 $0xFFFF8000  }
0xe3: {  	[tilespmem:s14], [sflag:$0x2] =	stream.linear.gather [hbm4b:s8+s14], $0x80, $0x38;
	[tilespmem:$0x18080] =	vst v63  }
0xe4: {  	_ =	swait.ge [sflag:s13], $0x80  }
0xe5: {  	[sflag:s13] =	ssyncset.done $0x0  }
0xe6: {  	[sflag:s13] =	ssyncadd.s32 $0xFFFFFF80  }
0xe7: {  	v3 =	vld [tilespmem:$0x0];
	_ =	sdelay $0x4  }
0xe8: {  	v4 =	vshll.u32 v3, $0x1  }
0xe9: {  	v3 =	vand.u32 $0x7, v3;
	v4 =	vand.u32 $0xFFFFFFF0, v4  }
0xea: {  	v3 =	vor.u32 v3, v4  }
0xeb: {  	v4 =	vperm.xlane v3, v0;
	_ =	sdelay $0x1  }
0xec: {  	v3 =	vperm.xlane v3, v2;
	v4 =	vadd.s32 v1, v4;
	_ =	sdelay $0x1  }
0xed: {  	v3 =	vadd.s32 v1, v3;
	_ =	sdelay $0x1  }
0xee: {  	s5 =	simm.s32 $0x80  }
0xef: {  	[tilespmem:s5], [sflag:$0x1] =	stream.indirect_vreg.gather [hbm4b:s1+s14], $0x80, v4, vm0, $0xb8;
	[tilespmem:$0x18080] =	vst v63  }
0xf0: {  	s6 =	simm.s32 $0x880  }
0xf1: {  	[tilespmem:s6], [sflag:$0x1] =	stream.indirect_vreg.gather [hbm4b:s1+s14], $0x80, v3, vm0, $0xb8;
	[tilespmem:$0x18080] =	vst v63  }
0xf2: {  	v3 =	vld [tilespmem:$0x10];
	_ =	sdelay $0x4  }
0xf3: {  	v4 =	vshll.u32 v3, $0x1  }
0xf4: {  	v3 =	vand.u32 $0x7, v3;
	v4 =	vand.u32 $0xFFFFFFF0, v4  }
0xf5: {  	v3 =	vor.u32 v3, v4  }
0xf6: {  	v4 =	vperm.xlane v3, v0;
	_ =	sdelay $0x1  }
0xf7: {  	v3 =	vperm.xlane v3, v2;
	v4 =	vadd.s32 v1, v4;
	_ =	sdelay $0x1  }
0xf8: {  	v3 =	vadd.s32 v1, v3;
	_ =	sdelay $0x1  }
0xf9: {  	s15 =	simm.s32 $0x1080  }
0xfa: {  	[tilespmem:s15], [sflag:$0x1] =	stream.indirect_vreg.gather [hbm4b:s1+s14], $0x80, v4, vm0, $0xb8;
	[tilespmem:$0x18080] =	vst v63  }
0xfb: {  	_ = 	snop  }
0xfc: {  	[tilespmem:s17], [sflag:$0x1] =	stream.indirect_vreg.gather [hbm4b:s1+s14], $0x80, v3, vm0, $0xb8;
	[tilespmem:$0x18080] =	vst v63  }
0xfd: {  	v3 =	vld [tilespmem:$0x20];
	_ =	sdelay $0x4  }
0xfe: {  	v4 =	vshll.u32 v3, $0x1  }
0xff: {  	v3 =	vand.u32 $0x7, v3;
	v4 =	vand.u32 $0xFFFFFFF0, v4  }
0x100: {  	v3 =	vor.u32 v3, v4  }
0x101: {  	v4 =	vperm.xlane v3, v0;
	_ =	sdelay $0x1  }
0x102: {  	v3 =	vperm.xlane v3, v2;
	v4 =	vadd.s32 v1, v4;
	_ =	sdelay $0x1  }
0x103: {  	v3 =	vadd.s32 v1, v3;
	_ =	sdelay $0x2  }
0x104: {  	[tilespmem:s18], [sflag:$0x1] =	stream.indirect_vreg.gather [hbm4b:s1+s14], $0x80, v4, vm0, $0xb8;
	[tilespmem:$0x18080] =	vst v63  }
0x105: {  	_ = 	snop  }
0x106: {  	[tilespmem:s19], [sflag:$0x1] =	stream.indirect_vreg.gather [hbm4b:s1+s14], $0x80, v3, vm0, $0xb8;
	[tilespmem:$0x18080] =	vst v63  }
0x107: {  	v3 =	vld [tilespmem:$0x30];
	_ =	sdelay $0x4  }
0x108: {  	v4 =	vshll.u32 v3, $0x1  }
0x109: {  	v3 =	vand.u32 $0x7, v3;
	v4 =	vand.u32 $0xFFFFFFF0, v4  }
0x10a: {  	v3 =	vor.u32 v3, v4  }
0x10b: {  	v4 =	vperm.xlane v3, v0;
	_ =	sdelay $0x1  }
0x10c: {  	v3 =	vperm.xlane v3, v2;
	v4 =	vadd.s32 v1, v4;
	_ =	sdelay $0x1  }
0x10d: {  	v3 =	vadd.s32 v1, v3;
	_ =	sdelay $0x2  }
0x10e: {  	[tilespmem:s20], [sflag:$0x1] =	stream.indirect_vreg.gather [hbm4b:s1+s14], $0x80, v4, vm0, $0xb8;
	[tilespmem:$0x18080] =	vst v63  }
0x10f: {  	_ = 	snop  }
0x110: {  	[tilespmem:s21], [sflag:$0x1] =	stream.indirect_vreg.gather [hbm4b:s1+s14], $0x80, v3, vm0, $0xb8;
	[tilespmem:$0x18080] =	vst v63  }
0x111: {  	v3 =	vld [tilespmem:$0x40];
	_ =	sdelay $0x4  }
0x112: {  	v4 =	vshll.u32 v3, $0x1  }
0x113: {  	v3 =	vand.u32 $0x7, v3;
	v4 =	vand.u32 $0xFFFFFFF0, v4  }
0x114: {  	v3 =	vor.u32 v3, v4  }
0x115: {  	v4 =	vperm.xlane v3, v0;
	_ =	sdelay $0x1  }
0x116: {  	v3 =	vperm.xlane v3, v2;
	v4 =	vadd.s32 v1, v4;
	_ =	sdelay $0x1  }
0x117: {  	v3 =	vadd.s32 v1, v3;
	_ =	sdelay $0x2  }
0x118: {  	[tilespmem:s22], [sflag:$0x1] =	stream.indirect_vreg.gather [hbm4b:s1+s14], $0x80, v4, vm0, $0xb8;
	[tilespmem:$0x18080] =	vst v63  }
0x119: {  	_ = 	snop  }
0x11a: {  	[tilespmem:s23], [sflag:$0x1] =	stream.indirect_vreg.gather [hbm4b:s1+s14], $0x80, v3, vm0, $0xb8;
	[tilespmem:$0x18080] =	vst v63  }
0x11b: {  	v3 =	vld [tilespmem:$0x50];
	_ =	sdelay $0x4  }
0x11c: {  	v4 =	vshll.u32 v3, $0x1  }
0x11d: {  	v3 =	vand.u32 $0x7, v3;
	v4 =	vand.u32 $0xFFFFFFF0, v4  }
0x11e: {  	v3 =	vor.u32 v3, v4  }
0x11f: {  	v4 =	vperm.xlane v3, v0;
	_ =	sdelay $0x1  }
0x120: {  	v3 =	vperm.xlane v3, v2;
	v4 =	vadd.s32 v1, v4;
	_ =	sdelay $0x1  }
0x121: {  	v3 =	vadd.s32 v1, v3;
	_ =	sdelay $0x2  }
0x122: {  	[tilespmem:s24], [sflag:$0x1] =	stream.indirect_vreg.gather [hbm4b:s1+s14], $0x80, v4, vm0, $0xb8;
	[tilespmem:$0x18080] =	vst v63  }
0x123: {  	_ = 	snop  }
0x124: {  	[tilespmem:s25], [sflag:$0x1] =	stream.indirect_vreg.gather [hbm4b:s1+s14], $0x80, v3, vm0, $0xb8;
	[tilespmem:$0x18080] =	vst v63  }
0x125: {  	v3 =	vld [tilespmem:$0x60];
	_ =	sdelay $0x4  }
0x126: {  	v4 =	vshll.u32 v3, $0x1  }
0x127: {  	v3 =	vand.u32 $0x7, v3;
	v4 =	vand.u32 $0xFFFFFFF0, v4  }
0x128: {  	v3 =	vor.u32 v3, v4  }
0x129: {  	v4 =	vperm.xlane v3, v0;
	_ =	sdelay $0x1  }
0x12a: {  	v3 =	vperm.xlane v3, v2;
	v4 =	vadd.s32 v1, v4;
	_ =	sdelay $0x1  }
0x12b: {  	v3 =	vadd.s32 v1, v3;
	_ =	sdelay $0x2  }
0x12c: {  	[tilespmem:s26], [sflag:$0x1] =	stream.indirect_vreg.gather [hbm4b:s1+s14], $0x80, v4, vm0, $0xb8;
	[tilespmem:$0x18080] =	vst v63  }
0x12d: {  	_ = 	snop  }
0x12e: {  	[tilespmem:s28], [sflag:$0x1] =	stream.indirect_vreg.gather [hbm4b:s1+s14], $0x80, v3, vm0, $0xb8;
	[tilespmem:$0x18080] =	vst v63  }
0x12f: {  	v3 =	vld [tilespmem:$0x70];
	_ =	sdelay $0x4  }
0x130: {  	v4 =	vshll.u32 v3, $0x1  }
0x131: {  	v3 =	vand.u32 $0x7, v3;
	v4 =	vand.u32 $0xFFFFFFF0, v4  }
0x132: {  	v3 =	vor.u32 v3, v4  }
0x133: {  	v4 =	vperm.xlane v3, v0;
	_ =	sdelay $0x1  }
0x134: {  	v3 =	vperm.xlane v3, v2;
	v4 =	vadd.s32 v1, v4;
	_ =	sdelay $0x1  }
0x135: {  	v3 =	vadd.s32 v1, v3;
	_ =	sdelay $0x2  }
0x136: {  	[tilespmem:s29], [sflag:$0x1] =	stream.indirect_vreg.gather [hbm4b:s1+s14], $0x80, v4, vm0, $0xb8;
	[tilespmem:$0x18080] =	vst v63  }
0x137: {  	_ = 	snop  }
0x138: {  	[tilespmem:s30], [sflag:$0x1] =	stream.indirect_vreg.gather [hbm4b:s1+s14], $0x80, v3, vm0, $0xb8;
	[tilespmem:$0x18080] =	vst v63  }
0x139: {  	_ = 	snop  }
0x13a: {  	[tilespmem:s31], [sflag:$0x2] =	stream.linear.gather [hbm4b:s9+s14], $0x8000, $0x38;
	[tilespmem:$0x18080] =	vst v63  }
0x13b: {  	_ =	swait.ge [sflag:s13], $0x8000  }
0x13c: {  	[sflag:s13] =	ssyncset.done $0x0  }
0x13d: {  	[sflag:s13] =	ssyncadd.s32 $0xFFFF8000  }
0x13e: {  	[tilespmem:s0], [sflag:$0x2] =	stream.linear.gather [hbm4b:s10+s14], $0x8000, $0x38;
	[tilespmem:$0x18080] =	vst v63  }
0x13f: {  	_ =	swait.ge [sflag:s13], $0x8000  }
0x140: {  	[sflag:s13] =	ssyncset.done $0x0  }
0x141: {  	[sflag:s13] =	ssyncadd.s32 $0xFFFF8000  }
0x142: {  	_ =	swait.ge [sflag:s3], $0x8000  }
0x143: {  	s16 =	sand.u32 $0x7800, s14;
	s6 =	sand.u32 $0x380, s14;
	[sflag:s3] =	ssyncset.done $0x0  }
0x144: {  	s5 =	sor.u32 s6, s16;
	[sflag:s3] =	ssyncadd.s32 $0xFFFF8000  }
0x145: {  	v17 =	vld [tilespmem:s5+$0x80]  }
0x146: {  	v18 =	vld [tilespmem:s5+$0x90]  }
0x147: {  	v19 =	vld [tilespmem:s5+$0xA0]  }
0x148: {  	v21 =	vld [tilespmem:s5+$0xB0]  }
0x149: {  	v22 =	vld [tilespmem:s5+$0xC0]  }
0x14a: {  	v23 =	vld [tilespmem:s5+$0xD0]  }
0x14b: {  	v24 =	vld [tilespmem:s5+$0xE0]  }
0x14c: {  	v9 =	vld [tilespmem:s5+$0xF0]  }
0x14d: {  	v8 =	vld [tilespmem:s5+$0x480]  }
0x14e: {  	v7 =	vld [tilespmem:s5+$0x490]  }
0x14f: {  	v6 =	vld [tilespmem:s5+$0x4A0]  }
0x150: {  	v5 =	vld [tilespmem:s5+$0x4B0]  }
0x151: {  	v4 =	vld [tilespmem:s5+$0x4C0]  }
0x152: {  	v3 =	vld [tilespmem:s5+$0x4D0]  }
0x153: {  	v20 =	vld [tilespmem:s5+$0x10080]  }
0x154: {  	v25 =	vld [tilespmem:s5+$0x10090]  }
0x155: {  	v26 =	vld [tilespmem:s5+$0x100A0]  }
0x156: {  	v27 =	vld [tilespmem:s5+$0x100B0]  }
0x157: {  	v28 =	vld [tilespmem:s5+$0x100C0]  }
0x158: {  	v29 =	vld [tilespmem:s5+$0x100D0]  }
0x159: {  	v30 =	vld [tilespmem:s5+$0x100E0]  }
0x15a: {  	v31 =	vld [tilespmem:s5+$0x100F0]  }
0x15b: {  	v32 =	vld [tilespmem:s5+$0x10480]  }
0x15c: {  	v16 =	vld [tilespmem:s5+$0x10490]  }
0x15d: {  	v15 =	vld [tilespmem:s5+$0x104A0]  }
0x15e: {  	v14 =	vld [tilespmem:s5+$0x104B0]  }
0x15f: {  	v13 =	vld [tilespmem:s5+$0x104C0]  }
0x160: {  	v12 =	vld [tilespmem:s5+$0x104D0]  }
0x161: {  	v11 =	vld [tilespmem:s5+$0x104E0]  }
0x162: {  	v10 =	vld [tilespmem:s5+$0x104F0]  }
0x163: {  	v33 =	vld [tilespmem:s5+$0x8080]  }
0x164: {  	v34 =	vld [tilespmem:s5+$0x8090]  }
0x165: {  	v35 =	vld [tilespmem:s5+$0x80A0]  }
0x166: {  	v36 =	vld [tilespmem:s5+$0x80B0]  }
0x167: {  	v37 =	vld [tilespmem:s5+$0x80C0]  }
0x168: {  	v60 =	vld [tilespmem:s5+$0x80D0];
	v20 =	vsub.f32 v33, v20  }
0x169: {  	v61 =	vld [tilespmem:s5+$0x80E0];
	v25 =	vsub.f32 v34, v25  }
0x16a: {  	v17 =	vadd.f32 v17, v20;
	v20 =	vsub.f32 v35, v26;
	v26 =	vld [tilespmem:s5+$0x80F0]  }
0x16b: {  	v18 =	vadd.f32 v18, v25;
	v25 =	vsub.f32 v36, v27;
	v27 =	vld [tilespmem:s5+$0x8480]  }
0x16c: {  	[tilespmem:s5+$0x8080] =	vst v17;
	v17 =	vadd.f32 v19, v20;
	v19 =	vsub.f32 v37, v28;
	v20 =	vld [tilespmem:s5+$0x8490]  }
0x16d: {  	v62 =	vsub.f32 v60, v29;
	[tilespmem:s5+$0x8090] =	vst v18;
	v25 =	vadd.f32 v21, v25;
	v21 =	vld [tilespmem:s5+$0x84A0]  }
0x16e: {  	v63 =	vsub.f32 v61, v30;
	v18 =	vld [tilespmem:s5+$0x84B0];
	[tilespmem:s5+$0x80A0] =	vst v17;
	v17 =	vadd.f32 v22, v19  }
0x16f: {  	[tilespmem:s5+$0x80B0] =	vst v25;
	v22 =	vadd.f32 v23, v62;
	v19 =	vld [tilespmem:s5+$0x84C0];
	v23 =	vsub.f32 v26, v31  }
0x170: {  	s15 =	simm.s32 $0x100;
	v25 =	vadd.f32 v24, v63;
	v24 =	vsub.f32 v27, v32;
	[tilespmem:s5+$0x80C0] =	vst v17;
	v17 =	vld [tilespmem:s5+$0x84D0]  }
.LBB2_4:
0x171: {  	p0 =	sne.s32 s15, $0x7F00;
	[tilespmem:s5+$0x80D0] =	vst v22;
	v9 =	vadd.f32 v9, v23;
	v16 =	vsub.f32 v20, v16;
	v20 =	vld [tilespmem:s5+$0x84E0]  }
0x172: {  	s14 =	sadd.s32 $0x80, s14;
	[tilespmem:s5+$0x80E0] =	vst v25;
	v8 =	vadd.f32 v8, v24;
	v15 =	vsub.f32 v21, v15;
	v21 =	vld [tilespmem:s5+$0x84F0]  }
0x173: {  	s6 =	sand.u32 $0x7800, s15;
	s16 =	sand.u32 $0x380, s14;
	[tilespmem:s5+$0x80F0] =	vst v9;
	v7 =	vadd.f32 v7, v16;
	v9 =	vsub.f32 v18, v14;
	v14 =	vld [tilespmem:s5+$0x4E0]  }
0x174: {  	s6 =	sor.u32 s16, s6;
	[tilespmem:s5+$0x8480] =	vst v8;
	v6 =	vadd.f32 v6, v15;
	v8 =	vsub.f32 v19, v13;
	v13 =	vld [tilespmem:s5+$0x4F0]  }
0x175: {  	v18 =	vld [tilespmem:s6+$0x80];
	[tilespmem:s5+$0x8490] =	vst v7;
	v5 =	vadd.f32 v5, v9;
	v7 =	vsub.f32 v17, v12  }
0x176: {  	v17 =	vld [tilespmem:s6+$0x90];
	[tilespmem:s5+$0x84A0] =	vst v6;
	v4 =	vadd.f32 v4, v8;
	v6 =	vsub.f32 v20, v11  }
0x177: {  	v19 =	vld [tilespmem:s6+$0xA0];
	[tilespmem:s5+$0x84B0] =	vst v5;
	v3 =	vadd.f32 v3, v7;
	v5 =	vsub.f32 v21, v10  }
0x178: {  	v21 =	vld [tilespmem:s6+$0xB0];
	[tilespmem:s5+$0x84C0] =	vst v4;
	v4 =	vadd.f32 v14, v6  }
0x179: {  	v22 =	vld [tilespmem:s6+$0xC0];
	[tilespmem:s5+$0x84D0] =	vst v3;
	v3 =	vadd.f32 v13, v5  }
0x17a: {  	v23 =	vld [tilespmem:s6+$0xD0];
	[tilespmem:s5+$0x84E0] =	vst v4  }
0x17b: {  	v24 =	vld [tilespmem:s6+$0xE0];
	[tilespmem:s5+$0x84F0] =	vst v3;
	s5 =	smov.u32 s6  }
0x17c: {  	v9 =	vld [tilespmem:s5+$0xF0]  }
0x17d: {  	v8 =	vld [tilespmem:s5+$0x480]  }
0x17e: {  	v7 =	vld [tilespmem:s5+$0x490]  }
0x17f: {  	v6 =	vld [tilespmem:s5+$0x4A0]  }
0x180: {  	v5 =	vld [tilespmem:s5+$0x4B0]  }
0x181: {  	v4 =	vld [tilespmem:s5+$0x4C0]  }
0x182: {  	v3 =	vld [tilespmem:s5+$0x4D0]  }
0x183: {  	v20 =	vld [tilespmem:s5+$0x10080]  }
0x184: {  	v25 =	vld [tilespmem:s5+$0x10090]  }
0x185: {  	v26 =	vld [tilespmem:s5+$0x100A0]  }
0x186: {  	v27 =	vld [tilespmem:s5+$0x100B0]  }
0x187: {  	v28 =	vld [tilespmem:s5+$0x100C0]  }
0x188: {  	v29 =	vld [tilespmem:s5+$0x100D0]  }
0x189: {  	v30 =	vld [tilespmem:s5+$0x100E0]  }
0x18a: {  	v31 =	vld [tilespmem:s5+$0x100F0]  }
0x18b: {  	v32 =	vld [tilespmem:s5+$0x10480]  }
0x18c: {  	v16 =	vld [tilespmem:s5+$0x10490]  }
0x18d: {  	v15 =	vld [tilespmem:s5+$0x104A0]  }
0x18e: {  	v14 =	vld [tilespmem:s5+$0x104B0]  }
0x18f: {  	v13 =	vld [tilespmem:s5+$0x104C0]  }
0x190: {  	v12 =	vld [tilespmem:s5+$0x104D0]  }
0x191: {  	v11 =	vld [tilespmem:s5+$0x104E0]  }
0x192: {  	v10 =	vld [tilespmem:s5+$0x104F0]  }
0x193: {  	v33 =	vld [tilespmem:s5+$0x8080]  }
0x194: {  	v34 =	vld [tilespmem:s5+$0x8090]  }
0x195: {  	v35 =	vld [tilespmem:s5+$0x80A0]  }
0x196: {  	v36 =	vld [tilespmem:s5+$0x80B0]  }
0x197: {  	v37 =	vld [tilespmem:s5+$0x80C0]  }
0x198: {  	v20 =	vsub.f32 v33, v20;
	v33 =	vld [tilespmem:s5+$0x80D0]  }
0x199: {  	v25 =	vsub.f32 v34, v25;
	v34 =	vld [tilespmem:s5+$0x80E0]  }
0x19a: {  	v18 =	vadd.f32 v18, v20;
	v20 =	vsub.f32 v35, v26;
	v26 =	vld [tilespmem:s5+$0x80F0]  }
0x19b: {  	v17 =	vadd.f32 v17, v25;
	v25 =	vsub.f32 v36, v27;
	v27 =	vld [tilespmem:s5+$0x8480]  }
.Ltmp1:
0x19c: {  	[tilespmem:s5+$0x8080] =	vst v18;
	v18 =	vadd.f32 v19, v20;
	v19 =	vsub.f32 v37, v28;
	v20 =	vld [tilespmem:s5+$0x8490];
	(pc) =	sbr.rel @p0 .LBB2_4-.Ltmp1, $4  }
0x19d: {  	[tilespmem:s5+$0x8090] =	vst v17;
	v17 =	vadd.f32 v21, v25;
	v25 =	vsub.f32 v33, v29;
	v21 =	vld [tilespmem:s5+$0x84A0]  }
0x19e: {  	[tilespmem:s5+$0x80A0] =	vst v18;
	v28 =	vadd.f32 v22, v19;
	v29 =	vsub.f32 v34, v30;
	v18 =	vld [tilespmem:s5+$0x84B0]  }
0x19f: {  	[tilespmem:s5+$0x80B0] =	vst v17;
	v22 =	vadd.f32 v23, v25;
	v23 =	vsub.f32 v26, v31;
	v19 =	vld [tilespmem:s5+$0x84C0]  }
0x1a0: {  	s15 =	sadd.s32 $0x100, s15;
	[tilespmem:s5+$0x80C0] =	vst v28;
	v25 =	vadd.f32 v24, v29;
	v24 =	vsub.f32 v27, v32;
	v17 =	vld [tilespmem:s5+$0x84D0]  }
0x1a1: {  	[tilespmem:s5+$0x80D0] =	vst v22;
	v9 =	vadd.f32 v9, v23;
	v54 =	vld [tilespmem:s5+$0x84E0];
	v16 =	vsub.f32 v20, v16  }
0x1a2: {  	v55 =	vld [tilespmem:s5+$0x84F0];
	[tilespmem:s5+$0x80E0] =	vst v25;
	v8 =	vadd.f32 v8, v24;
	v56 =	vsub.f32 v21, v15  }
0x1a3: {  	v57 =	vld [tilespmem:s5+$0x4E0];
	[tilespmem:s5+$0x80F0] =	vst v9;
	v7 =	vadd.f32 v7, v16;
	v14 =	vsub.f32 v18, v14  }
0x1a4: {  	v59 =	vld [tilespmem:s5+$0x4F0];
	[tilespmem:s5+$0x8480] =	vst v8;
	v6 =	vadd.f32 v6, v56;
	v58 =	vsub.f32 v19, v13  }
0x1a5: {  	[tilespmem:s5+$0x8490] =	vst v7;
	v5 =	vadd.f32 v5, v14;
	v60 =	vsub.f32 v17, v12  }
0x1a6: {  	[tilespmem:s5+$0x84A0] =	vst v6;
	v4 =	vadd.f32 v4, v58;
	v61 =	vsub.f32 v54, v11  }
0x1a7: {  	v62 =	vsub.f32 v55, v10;
	[tilespmem:s5+$0x84B0] =	vst v5;
	v3 =	vadd.f32 v3, v60  }
0x1a8: {  	[tilespmem:s5+$0x84C0] =	vst v4;
	v63 =	vadd.f32 v57, v61  }
0x1a9: {  	s4 =	sadd.s32 $0x1, s4;
	[tilespmem:s5+$0x84D0] =	vst v3;
	v3 =	vadd.f32 v59, v62  }
0x1aa: {  	p0 =	sne.s32 s4, s12;
	[tilespmem:s5+$0x84E0] =	vst v63  }
.Ltmp2:
0x1ab: {  	[tilespmem:s5+$0x84F0] =	vst v3;
	(pc) =	sbr.rel @p0 .LBB2_1-.Ltmp2, $4  }
0x1ac: {  	[hbm4b:s11+s2] =	stream.linear.scatter [tilespmem:s31], [sflag:$0x2], $0x8000, $0x38;
	[tilespmem:$0x18080] =	vst v63  }
0x1ad: {  	_ =	swait.ge [sflag:s13], $0x8000  }
0x1ae: {  	[sflag:s13] =	ssyncset.done $0x0  }
0x1af: {  	[sflag:s13] =	ssyncadd.s32 $0xFFFF8000  }
0x1b0: {  	_ =	sfence.sel $0x180000  }
0x1b1: {  	[bflag:$0x0] =	sbarrier.arrive $0xFFFF  }
0x1b2: {  	_ =	strace $0x9000004D  }
0x1b3: {  	s0 =	stileid.u32;
	[bflag:$0x2] =	sbarrier.arrive $0xFFFF  }
0x1b4: {  	p0 =	sne.s32 s0, $0x0;
	s0 =	rddreg [dreg:$0x3]  }
0x1b5: {  	s0 =	sadd.s32 @!p0 $0x100000, s0  }
0x1b6: {  	[sflag:s0] =	ssyncadd.tile.s32 @!p0 $0x1;
	_ =	shalt  }
.Lfunc_end2:
_tile_overlayer_lowered:
.L_overlay_start_2:
0x1b7: {  	(tag) =	ssettag $0x2  }
0x1b8: {  	s0 =	rddreg [dreg:$0x0];
	s2 =	stileid.u32  }
0x1b9: {  	s1 =	rddreg [dreg:$0x1];
	p0 =	sne.s32 s2, $0x0  }
0x1ba: {  	s3 =	rddreg [dreg:$0x2];
	[bflag:$0x3] =	sbarrier.arrive $0xFFFF;
	s2 =	simm.s32 @!p0 $0x1C02  }
0x1bb: {  	[timem:s3], [sflag:s2] =	dma.local @!p0 [hbm:s0], s1  }
0x1bc: {  	s0 =	simm.s32 @!p0 $0x2  }
0x1bd: {  	_ =	swait.ge @!p0 [sflag:s0], s1  }
0x1be: {  	s1 =	ssub.s32 @!p0 $0x0, s1;
	[sflag:s0] =	ssyncset.done @!p0 $0x0  }
0x1bf: {  	[sflag:s0] =	ssyncadd.s32 @!p0 s1  }
0x1c0: {  	[bflag:$0x3] =	sbarrier.arrive $0xFFFF  }
0x1c1: {  	_ =	shalt  }

// kernel: kernel.8.cloned.1.call-start
scs
__scs_entry_jumppad:
0x0: {  	(pc) =	sbr.rel $0x88, $3  }
0x1: {  	(tag) =	ssettag $0x0;
	lr =	simm.s32 $0x1  }
0x2: {  	[smem:$0x3F9D] =	sst lr;
	_ =	strace $0xD0000000  }
0x3: {  	_ = 	snop  }
0x4: {  	_ = 	snop  }
0x5: {  	_ = 	snop  }
0x6: {  	_ = 	snop  }
0x7: {  	_ = 	snop  }
__scs_overlays_trampoline_lowered:
0x8: {  	[smem:$0x3FAC] =	sst s0  }
0x9: {  	[smem:$0x3FAD] =	sst s1  }
0xa: {  	[smem:$0x3FAE] =	sst s2  }
0xb: {  	[smem:$0x3FAF] =	sst s3  }
0xc: {  	[smem:$0x3FB0] =	sst s4  }
0xd: {  	[smem:$0x3FB1] =	sst s5  }
0xe: {  	[smem:$0x3FB2] =	sst s6  }
0xf: {  	[smem:$0x3FB3] =	sst s7  }
0x10: {  	[smem:$0x3FB4] =	sst s8  }
0x11: {  	[smem:$0x3FB5] =	sst s9;
	s0 =	simm.s32 @!p0 $0x0  }
0x12: {  	s1 =	sld [smem:$0x3F9B];
	s0 =	simm.s32 @p0 $0x1  }
0x13: {  	[smem:$0x3FB6] =	sst s0;
	s0 =	simm.s32 @!p1 $0x0  }
0x14: {  	s2 =	sld [smem:$0x3F9A];
	s0 =	simm.s32 @p1 $0x1  }
0x15: {  	[smem:$0x3FB7] =	sst s0;
	s0 =	simm.s32 @!p2 $0x0  }
0x16: {  	s3 =	sld [smem:$0x3FDB];
	s0 =	simm.s32 @p2 $0x1  }
0x17: {  	s4 =	simm.s32 $0x1BF5;
	[smem:$0x3FB9] =	sst s0  }
0x18: {  	s0 =	sld [smem:$0x3F9C];
	_ =	swait.ge [sflag:s4], $0x0  }
0x19: {  	s7 =	sld [smem:$0x3F9D]  }
0x1a: {  	s8 =	sadd.s32 $0xFFFFE003, lr  }
0x1b: {  	s9 =	sadd.s32 $0xFFFFFEF7, lr;
	s5 =	simm.s32 $0xFFFFFFFF;
	p2 =	slt.u32 s8, $0xFFFFF086  }
0x1c: {  	p1 =	slt.u32 s9, $0xF7A;
	s5 =	simm.s32 @!p2 $0x0  }
0x1d: {  	s5 =	simm.s32 @p1 $0x1;
	p0 =	seq.s32 s7, s2  }
0x1e: {  	s7 =	smul.u32 @!p0 $0xF7A, s2;
	p2 =	seq.s32 @!p0 s5, $0x0  }
0x1f: {  	s9 =	smul.u32 $0xF7A, s1;
	s8 =	simm.s32 @!p0 $0x1BF5;
	p2 =	por !p2, p0  }
0x20: {  	[sflag:s8] =	ssyncset.s32 @!p0 $0xFFFFF086;
	s6 =	sadd.s32 @!p0 s3, s7;
	s7 =	simm.s32 @!p0 $0x108  }
0x21: {  	s3 =	sadd.s32 s3, s9;
	s6 =	sadd.s32 @!p0 $0x88, s6;
	s7 =	simm.s32 @p2 $0x1082  }
0x22: {  	[simem:s7], [sflag:s8] =	dma.local @!p0 [hbm:s6], $0xF7A  }
0x23: {  	s9 =	sor.u32 $0xD0000000, s2;
	s6 =	simm.s32 $0x108;
	_ =	swait.ge @!p0 [sflag:s8], $0x0  }
0x24: {  	s3 =	sadd.s32 $0x88, s3;
	s6 =	simm.s32 @!p1 $0x1082;
	[sflag:s4] =	ssyncset.s32 $0xFFFFF086  }
0x25: {  	[simem:s6], [sflag:s4] =	dma.local [hbm:s3], $0xF7A  }
0x26: {  	[smem:$0x3F9D] =	sst s1;
	(tag) =	ssettag s2;
	_ =	strace s9  }
0x27: {  	s1 =	sld [smem:$0x3FAD]  }
0x28: {  	s2 =	sld [smem:$0x3FAE]  }
0x29: {  	s4 =	sld [smem:$0x3FB0]  }
0x2a: {  	p0 =	seq.s32 s5, $0x0;
	s5 =	sld [smem:$0x3FB1]  }
0x2b: {  	s6 =	sld [smem:$0x3FB2]  }
0x2c: {  	s7 =	sld [smem:$0x3FB3]  }
0x2d: {  	s3 =	simm.s32 $0x108;
	s8 =	sld [smem:$0x3FB4]  }
0x2e: {  	s3 =	simm.s32 @!p0 $0x1082;
	s9 =	sld [smem:$0x3FB5]  }
0x2f: {  	lr =	sadd.s32 s0, s3;
	s0 =	sld [smem:$0x3FAC]  }
0x30: {  	s3 =	sld [smem:$0x3FAF]  }
0x31: {  	[smem:$0x3FB8] =	sst s10  }
0x32: {  	s10 =	sld [smem:$0x3FB6];
	_ =	sdelay $0x3  }
0x33: {  	p0 =	seq.s32 s10, $0x1;
	s10 =	sld [smem:$0x3FB8];
	_ =	sdelay $0x3  }
0x34: {  	[smem:$0x3FB8] =	sst s10  }
0x35: {  	s10 =	sld [smem:$0x3FB7];
	_ =	sdelay $0x3  }
0x36: {  	p1 =	seq.s32 s10, $0x1;
	s10 =	sld [smem:$0x3FB8];
	_ =	sdelay $0x3  }
0x37: {  	[smem:$0x3FB8] =	sst s10  }
0x38: {  	s10 =	sld [smem:$0x3FB9]  }
0x39: {  	_ = 	snop;
	(pc) =	sbr.ind lr, $3  }
0x3a: {  	_ = 	snop  }
0x3b: {  	_ = 	snop  }
0x3c: {  	p2 =	seq.s32 s10, $0x1;
	s10 =	sld [smem:$0x3FB8]  }
0x3d: {  	_ =	shalt  }
0x3e: {  	_ =	shalt  }
0x3f: {  	_ =	shalt  }
0x40: {  	_ =	shalt  }
0x41: {  	_ =	shalt  }
0x42: {  	_ =	shalt  }
0x43: {  	_ =	shalt  }
0x44: {  	_ =	shalt  }
0x45: {  	_ =	shalt  }
0x46: {  	_ =	shalt  }
0x47: {  	_ =	shalt  }
0x48: {  	_ =	shalt  }
0x49: {  	_ =	shalt  }
0x4a: {  	_ =	shalt  }
0x4b: {  	_ =	shalt  }
0x4c: {  	_ =	shalt  }
0x4d: {  	_ =	shalt  }
0x4e: {  	_ =	shalt  }
0x4f: {  	_ =	shalt  }
0x50: {  	_ =	shalt  }
0x51: {  	_ =	shalt  }
0x52: {  	_ =	shalt  }
0x53: {  	_ =	shalt  }
0x54: {  	_ =	shalt  }
0x55: {  	_ =	shalt  }
0x56: {  	_ =	shalt  }
0x57: {  	_ =	shalt  }
0x58: {  	_ =	shalt  }
0x59: {  	_ =	shalt  }
0x5a: {  	_ =	shalt  }
0x5b: {  	_ =	shalt  }
0x5c: {  	_ =	shalt  }
0x5d: {  	_ =	shalt  }
0x5e: {  	_ =	shalt  }
0x5f: {  	_ =	shalt  }
0x60: {  	_ =	shalt  }
0x61: {  	_ =	shalt  }
0x62: {  	_ =	shalt  }
0x63: {  	_ =	shalt  }
0x64: {  	_ =	shalt  }
0x65: {  	_ =	shalt  }
0x66: {  	_ =	shalt  }
0x67: {  	_ =	shalt  }
0x68: {  	_ =	shalt  }
0x69: {  	_ =	shalt  }
0x6a: {  	_ =	shalt  }
0x6b: {  	_ =	shalt  }
0x6c: {  	_ =	shalt  }
0x6d: {  	_ =	shalt  }
0x6e: {  	_ =	shalt  }
0x6f: {  	_ =	shalt  }
0x70: {  	_ =	shalt  }
0x71: {  	_ =	shalt  }
0x72: {  	_ =	shalt  }
0x73: {  	_ =	shalt  }
0x74: {  	_ =	shalt  }
0x75: {  	_ =	shalt  }
0x76: {  	_ =	shalt  }
0x77: {  	_ =	shalt  }
0x78: {  	_ =	shalt  }
0x79: {  	_ =	shalt  }
0x7a: {  	_ =	shalt  }
0x7b: {  	_ =	shalt  }
0x7c: {  	_ =	shalt  }
0x7d: {  	_ =	shalt  }
0x7e: {  	_ =	shalt  }
0x7f: {  	_ =	shalt  }
0x80: {  	_ =	shalt  }
0x81: {  	_ =	shalt  }
0x82: {  	_ =	shalt  }
0x83: {  	_ =	shalt  }
0x84: {  	_ =	shalt  }
0x85: {  	_ =	shalt  }
0x86: {  	_ =	shalt  }
0x87: {  	_ =	shalt  }
.Lfunc_end0:
.L_simem_size_0:
called_computation_lowered:
.L_overlay_start_0:
0x88: {  	s2 =	sld [smem:$0x3FD9]  }
0x89: {  	s3 =	sld [smem:$0x3FFE];
	_ =	sdelay $0x1  }
0x8a: {  	s1 =	srdreg.scid  }
0x8b: {  	s0 =	sand.u32 $0x1, s1  }
0x8c: {  	s15 =	sshll.u32 s0, $0xA;
	s2 =	sadd.s32 s3, s2  }
0x8d: {  	s2 =	sadd.s32 s2, s15  }
0x8e: {  	[smem:$0x3FC4] =	sst s2  }
0x8f: {  	_ = 	snop  }
0x90: {  	s2 =	sld [smem:$0x3FD0];
	_ =	sdelay $0x2  }
0x91: {  	s4 =	simm.s32 $0xA;
	s5 =	simm.s32 $0x10;
	s16 =	sld [smem:$0x3FC8]  }
0x92: {  	[smem:s5], [sflag:s4] =	dma.local [hbm:s2], $0x1  }
0x93: {  	_ =	swait.eq [sflag:s4], $0x1  }
0x94: {  	[sflag:s4] =	ssyncset.done $0x0  }
0x95: {  	s17 =	sld [smem:$0x10];
	[sflag:s4] =	ssyncadd.s32 $0xFFFFFFFF  }
0x96: {  	s18 =	sld [smem:$0x11];
	(tm) =	ssettm $0x1  }
0x97: {  	s19 =	sld [smem:$0x3FFB];
	_ =	sdelay $0x3  }
0x98: {  	_ =	strace s19  }
0x99: {  	s5 =	sld [smem:$0x3FFC];
	_ =	sdelay $0x3  }
0x9a: {  	_ =	strace s5  }
0x9b: {  	s5 =	sld [smem:$0x3FFD];
	_ =	sdelay $0x3  }
0x9c: {  	_ =	strace s5  }
0x9d: {  	_ =	strace $0x8FFFFFFF  }
0x9e: {  	s20 =	sld [smem:$0x3FDB];
	_ =	sdelay $0x1  }
0x9f: {  	s6 =	simm.s32 $_scs_section_size  }
0xa0: {  	s7 =	simm.s32 $_size__tile_overlayer_lowered;
	s8 =	simm.s32 $_tile_overlayer_lowered  }
0xa1: {  	s23 =	simm.s32 $0x1BFF;
	s22 =	sshll.u32 s8, $0x1;
	s5 =	sadd.s32 s6, s20  }
0xa2: {  	s9 =	simm.s32 $0x0;
	s21 =	sshll.u32 s7, $0x1;
	s7 =	sadd.s32 s22, s5  }
0xa3: {  	[timem:s9], [sflag:s23] =	dma.local [hbm:s7], s21  }
0xa4: {  	_ =	swait.ge [sflag:s23], s21  }
0xa5: {  	s6 =	ssub.s32 $0x0, s21;
	[sflag:s23] =	ssyncset.done $0x0  }
0xa6: {  	[sflag:s23] =	ssyncadd.s32 s6;
	_ =	sdelay $0x1  }
0xa7: {  	s24 =	simm.s32 $0x1B8B  }
0xa8: {  	_ =	swait.ge [sflag:s24], $0x1  }
0xa9: {  	[sflag:s24] =	ssyncset.done $0x0  }
0xaa: {  	s25 =	simm.s32 $0x1B8E;
	[sflag:s24] =	ssyncadd.s32 $0xFFFFFFFF  }
0xab: {  	s26 =	simm.s32 $execute0_lowered;
	[smem:$0x3FD2] =	sst s25  }
0xac: {  	s6 =	sshll.u32 s26, $0x1;
	_ =	strace $0x80000046;
	[dreg:$0x1] =	wrdreg $0xFFFFFFFF  }
0xad: {  	s28 =	simm.s32 $_size_execute0_lowered;
	s5 =	sadd.s32 s5, s6;
	[dreg:$0x0] =	wrdreg $0x0  }
0xae: {  	s6 =	sshll.u32 s28, $0x1;
	[dreg:$0x2] =	wrdreg s5  }
0xaf: {  	[dreg:$0x3] =	wrdreg s6  }
0xb0: {  	[dreg:$0x4] =	wrdreg $0xC0  }
0xb1: {  	_ =	task [dreg:s9], $0x5FFFF  }
0xb2: {  	[dreg:$0x1] =	wrdreg $0xFFFFFFFF  }
0xb3: {  	[dreg:$0x0] =	wrdreg $0x60  }
0xb4: {  	[dreg:$0x2] =	wrdreg s16  }
0xb5: {  	[dreg:$0x3] =	wrdreg s18  }
0xb6: {  	[dreg:$0x4] =	wrdreg s17  }
0xb7: {  	[dreg:$0x5] =	wrdreg $0x9  }
0xb8: {  	_ =	task.clear_ibuf [dreg:s9], $0x6FFFF;
	_ =	strace $0x90000046  }
0xb9: {  	s29 =	simm.s32 $0x9;
	_ =	strace $0x80000048  }
0xba: {  	_ =	swait.ge [sflag:s29], $0x1  }
0xbb: {  	[sflag:s29] =	ssyncadd.s32 $0xFFFFFFFF  }
0xbc: {  	_ =	strace $0x90000048  }
0xbd: {  	_ =	sfence  }
0xbe: {  	s30 =	sld [smem:$0x0];
	_ =	sdelay $0x2  }
0xbf: {  	s31 =	sshll.u32 s1, $0xD;
	s1 =	sshrl.u32 s1, $0x2  }
0xc0: {  	s3 =	sand.u32 $0x4000, s31;
	s1 =	sadd.s32 s1, s30  }
0xc1: {  	s0 =	sor.u32 s3, s0;
	s1 =	sshll.u32 s1, $0x11  }
0xc2: {  	s0 =	sor.u32 s1, s0  }
0xc3: {  	s0 =	sadd.s32 $0x8F2B, s0  }
0xc4: {  	[sflag:s0] =	ssyncadd.remote.s32 $0x1  }
0xc5: {  	_ =	sfence.sel $0xFFFF  }
0xc6: {  	[dreg:$0x0] =	wrdreg $0xFFFFFFFF;
	(pc) =	sbr.abs _section_cstart, $3  }
0xc7: {  	[dreg:$0x1] =	wrdreg $0xFFFFFFFF  }
0xc8: {  	_ =	task.clear_ibuf [dreg:s9], $0x2FFFF;
	_ =	strace $0x9FFFFFFF  }
0xc9: {  	(tm) =	ssettm $0x7FFFFFFF  }
tec
execute0_lowered:
.L_overlay_start_1:
0x0: {  	(tag) =	ssettag $0x1  }
0x1: {  	s1 =	rddreg [dreg:$0x0]  }
0x2: {  	s6 =	rddreg [dreg:$0x1]  }
0x3: {  	s7 =	rddreg [dreg:$0x2]  }
0x4: {  	s0 =	rddreg [dreg:$0x3];
	s4 =	srdreg.scid  }
0x5: {  	s3 =	simm.s32 $0x0;
	s2 =	stileid.u32;
	s11 =	simm.s32 $0x880  }
0x6: {  	s12 =	simm.s32 $0x1080;
	s13 =	simm.s32 $0x1880;
	s14 =	simm.s32 $0x2080  }
0x7: {  	s15 =	simm.s32 $0x2880;
	s16 =	simm.s32 $0x3080;
	s17 =	simm.s32 $0x3880  }
0x8: {  	s18 =	simm.s32 $0x4080;
	s19 =	simm.s32 $0x4880;
	s20 =	simm.s32 $0x5080  }
0x9: {  	s21 =	simm.s32 $0x5880;
	s22 =	simm.s32 $0x6080;
	s23 =	simm.s32 $0x6880  }
0xa: {  	s24 =	simm.s32 $0x7080;
	s25 =	simm.s32 $0x7880;
	s4 =	sand.u32 $0x1, s4  }
0xb: {  	s26 =	simm.s32 $0x1;
	s8 =	sshll.u32 s2, $0x9;
	s5 =	ssub.s32 $0x2, s4  }
0xc: {  	[smem:$0x7FF] =	sst s3;
	s4 =	sshll.u32 s4, $0x8;
	s9 =	sshrl.u32 s5, $0x1  }
0xd: {  	_ =	strace $0x80000047;
	s8 =	sor.u32 s4, s8;
	s9 =	ssub.s32 s5, s9  }
0xe: {  	s4 =	sshrl.u32 s8, $0x3;
	s31 =	sshll.u32 s8, $0x5;
	s8 =	sor.u32 $0x80, s8  }
0xf: {  	v2 =	vlaneseq.u32;
	s4 =	sadd.s32 s6, s4;
	s10 =	sshrl.u32 s8, $0x3;
	s8 =	sshll.u32 s8, $0x5  }
0x10: {  	vm0 =	vmmov $0xffff;
	v1 =	vshrl.u32 v2, $0x3;
	s5 =	sadd.s32 s7, s31;
	s6 =	sadd.s32 s6, s10;
	s7 =	sadd.s32 s7, s8  }
0x11: {  	v0 =	vand.u32 $0x7, v2;
	v2 =	vor.u32 $0x8, v2;
	v1 =	vmul.u32 $0x8, v1;
	s8 =	smax.u32 s9, $0x1;
	s9 =	simm.s32 $0x2;
	s10 =	simm.s32 $0x80  }
.LBB2_1:
0x12: {  	[tilespmem:s3], [sflag:$0x2] =	stream.linear.gather [hbm4b:s4+s3], $0x80, $0x38;
	[tilespmem:$0x8080] =	vst v63  }
0x13: {  	_ =	swait.ge [sflag:s9], $0x80  }
0x14: {  	[sflag:s9] =	ssyncset.done $0x0  }
0x15: {  	[sflag:s9] =	ssyncadd.s32 $0xFFFFFF80  }
0x16: {  	v3 =	vld [tilespmem:$0x0];
	_ =	sdelay $0x4  }
0x17: {  	v4 =	vshll.u32 v3, $0x1  }
0x18: {  	v3 =	vand.u32 $0x7, v3;
	v4 =	vand.u32 $0xFFFFFFF0, v4  }
0x19: {  	v3 =	vor.u32 v3, v4  }
0x1a: {  	v4 =	vperm.xlane v3, v0;
	_ =	sdelay $0x1  }
0x1b: {  	v3 =	vperm.xlane v3, v2;
	v4 =	vadd.s32 v1, v4;
	_ =	sdelay $0x1  }
0x1c: {  	v3 =	vadd.s32 v1, v3;
	_ =	sdelay $0x2  }
0x1d: {  	[tilespmem:s10], [sflag:$0x1] =	stream.indirect_vreg.gather [hbm4b:s1+s3], $0x80, v4, vm0, $0xb8;
	[tilespmem:$0x8080] =	vst v63  }
0x1e: {  	_ = 	snop  }
0x1f: {  	[tilespmem:s11], [sflag:$0x1] =	stream.indirect_vreg.gather [hbm4b:s1+s3], $0x80, v3, vm0, $0xb8;
	[tilespmem:$0x8080] =	vst v63  }
0x20: {  	v3 =	vld [tilespmem:$0x10];
	_ =	sdelay $0x4  }
0x21: {  	v49 =	vshll.u32 v3, $0x1  }
0x22: {  	v3 =	vand.u32 $0x7, v3;
	v4 =	vand.u32 $0xFFFFFFF0, v49  }
0x23: {  	v3 =	vor.u32 v3, v4  }
0x24: {  	v4 =	vperm.xlane v3, v0;
	_ =	sdelay $0x1  }
0x25: {  	v3 =	vperm.xlane v3, v2;
	v4 =	vadd.s32 v1, v4;
	_ =	sdelay $0x1  }
0x26: {  	v3 =	vadd.s32 v1, v3;
	_ =	sdelay $0x2  }
0x27: {  	[tilespmem:s12], [sflag:$0x1] =	stream.indirect_vreg.gather [hbm4b:s1+s3], $0x80, v4, vm0, $0xb8;
	[tilespmem:$0x8080] =	vst v63  }
0x28: {  	_ = 	snop  }
0x29: {  	[tilespmem:s13], [sflag:$0x1] =	stream.indirect_vreg.gather [hbm4b:s1+s3], $0x80, v3, vm0, $0xb8;
	[tilespmem:$0x8080] =	vst v63  }
0x2a: {  	v3 =	vld [tilespmem:$0x20];
	_ =	sdelay $0x4  }
0x2b: {  	v50 =	vshll.u32 v3, $0x1  }
0x2c: {  	v3 =	vand.u32 $0x7, v3;
	v4 =	vand.u32 $0xFFFFFFF0, v50  }
0x2d: {  	v3 =	vor.u32 v3, v4  }
0x2e: {  	v4 =	vperm.xlane v3, v0;
	_ =	sdelay $0x1  }
0x2f: {  	v3 =	vperm.xlane v3, v2;
	v4 =	vadd.s32 v1, v4;
	_ =	sdelay $0x1  }
0x30: {  	v3 =	vadd.s32 v1, v3;
	_ =	sdelay $0x2  }
0x31: {  	[tilespmem:s14], [sflag:$0x1] =	stream.indirect_vreg.gather [hbm4b:s1+s3], $0x80, v4, vm0, $0xb8;
	[tilespmem:$0x8080] =	vst v63  }
0x32: {  	_ = 	snop  }
0x33: {  	[tilespmem:s15], [sflag:$0x1] =	stream.indirect_vreg.gather [hbm4b:s1+s3], $0x80, v3, vm0, $0xb8;
	[tilespmem:$0x8080] =	vst v63  }
0x34: {  	v3 =	vld [tilespmem:$0x30];
	_ =	sdelay $0x4  }
0x35: {  	v51 =	vshll.u32 v3, $0x1  }
0x36: {  	v3 =	vand.u32 $0x7, v3;
	v4 =	vand.u32 $0xFFFFFFF0, v51  }
0x37: {  	v3 =	vor.u32 v3, v4  }
0x38: {  	v4 =	vperm.xlane v3, v0;
	_ =	sdelay $0x1  }
0x39: {  	v3 =	vperm.xlane v3, v2;
	v4 =	vadd.s32 v1, v4;
	_ =	sdelay $0x1  }
0x3a: {  	v3 =	vadd.s32 v1, v3;
	_ =	sdelay $0x2  }
0x3b: {  	[tilespmem:s16], [sflag:$0x1] =	stream.indirect_vreg.gather [hbm4b:s1+s3], $0x80, v4, vm0, $0xb8;
	[tilespmem:$0x8080] =	vst v63  }
0x3c: {  	_ = 	snop  }
0x3d: {  	[tilespmem:s17], [sflag:$0x1] =	stream.indirect_vreg.gather [hbm4b:s1+s3], $0x80, v3, vm0, $0xb8;
	[tilespmem:$0x8080] =	vst v63  }
0x3e: {  	v3 =	vld [tilespmem:$0x40];
	_ =	sdelay $0x4  }
0x3f: {  	v52 =	vshll.u32 v3, $0x1  }
0x40: {  	v3 =	vand.u32 $0x7, v3;
	v4 =	vand.u32 $0xFFFFFFF0, v52  }
0x41: {  	v3 =	vor.u32 v3, v4  }
0x42: {  	v4 =	vperm.xlane v3, v0;
	_ =	sdelay $0x1  }
0x43: {  	v3 =	vperm.xlane v3, v2;
	v4 =	vadd.s32 v1, v4;
	_ =	sdelay $0x1  }
0x44: {  	v3 =	vadd.s32 v1, v3;
	_ =	sdelay $0x2  }
0x45: {  	[tilespmem:s18], [sflag:$0x1] =	stream.indirect_vreg.gather [hbm4b:s1+s3], $0x80, v4, vm0, $0xb8;
	[tilespmem:$0x8080] =	vst v63  }
0x46: {  	_ = 	snop  }
0x47: {  	[tilespmem:s19], [sflag:$0x1] =	stream.indirect_vreg.gather [hbm4b:s1+s3], $0x80, v3, vm0, $0xb8;
	[tilespmem:$0x8080] =	vst v63  }
0x48: {  	v3 =	vld [tilespmem:$0x50];
	_ =	sdelay $0x4  }
0x49: {  	v53 =	vshll.u32 v3, $0x1  }
0x4a: {  	v3 =	vand.u32 $0x7, v3;
	v4 =	vand.u32 $0xFFFFFFF0, v53  }
0x4b: {  	v3 =	vor.u32 v3, v4  }
0x4c: {  	v4 =	vperm.xlane v3, v0;
	_ =	sdelay $0x1  }
0x4d: {  	v3 =	vperm.xlane v3, v2;
	v4 =	vadd.s32 v1, v4;
	_ =	sdelay $0x1  }
0x4e: {  	v3 =	vadd.s32 v1, v3;
	_ =	sdelay $0x2  }
0x4f: {  	[tilespmem:s20], [sflag:$0x1] =	stream.indirect_vreg.gather [hbm4b:s1+s3], $0x80, v4, vm0, $0xb8;
	[tilespmem:$0x8080] =	vst v63  }
0x50: {  	_ = 	snop  }
0x51: {  	[tilespmem:s21], [sflag:$0x1] =	stream.indirect_vreg.gather [hbm4b:s1+s3], $0x80, v3, vm0, $0xb8;
	[tilespmem:$0x8080] =	vst v63  }
0x52: {  	v3 =	vld [tilespmem:$0x60];
	_ =	sdelay $0x4  }
0x53: {  	v54 =	vshll.u32 v3, $0x1  }
0x54: {  	v3 =	vand.u32 $0x7, v3;
	v4 =	vand.u32 $0xFFFFFFF0, v54  }
0x55: {  	v3 =	vor.u32 v3, v4  }
0x56: {  	v4 =	vperm.xlane v3, v0;
	_ =	sdelay $0x1  }
0x57: {  	v3 =	vperm.xlane v3, v2;
	v4 =	vadd.s32 v1, v4;
	_ =	sdelay $0x1  }
0x58: {  	v3 =	vadd.s32 v1, v3;
	_ =	sdelay $0x2  }
0x59: {  	[tilespmem:s22], [sflag:$0x1] =	stream.indirect_vreg.gather [hbm4b:s1+s3], $0x80, v4, vm0, $0xb8;
	[tilespmem:$0x8080] =	vst v63  }
0x5a: {  	_ = 	snop  }
0x5b: {  	[tilespmem:s23], [sflag:$0x1] =	stream.indirect_vreg.gather [hbm4b:s1+s3], $0x80, v3, vm0, $0xb8;
	[tilespmem:$0x8080] =	vst v63  }
0x5c: {  	v3 =	vld [tilespmem:$0x70];
	_ =	sdelay $0x4  }
0x5d: {  	v55 =	vshll.u32 v3, $0x1  }
0x5e: {  	v3 =	vand.u32 $0x7, v3;
	v4 =	vand.u32 $0xFFFFFFF0, v55  }
0x5f: {  	v3 =	vor.u32 v3, v4  }
0x60: {  	v4 =	vperm.xlane v3, v0;
	_ =	sdelay $0x1  }
0x61: {  	v3 =	vperm.xlane v3, v2;
	v4 =	vadd.s32 v1, v4;
	_ =	sdelay $0x1  }
0x62: {  	v3 =	vadd.s32 v1, v3;
	_ =	sdelay $0x2  }
0x63: {  	[tilespmem:s24], [sflag:$0x1] =	stream.indirect_vreg.gather [hbm4b:s1+s3], $0x80, v4, vm0, $0xb8;
	[tilespmem:$0x8080] =	vst v63  }
0x64: {  	_ = 	snop  }
0x65: {  	[tilespmem:s25], [sflag:$0x1] =	stream.indirect_vreg.gather [hbm4b:s1+s3], $0x80, v3, vm0, $0xb8;
	[tilespmem:$0x8080] =	vst v63  }
0x66: {  	_ =	swait.ge [sflag:s26], $0x8000  }
0x67: {  	[sflag:s26] =	ssyncset.done $0x0  }
0x68: {  	[sflag:s26] =	ssyncadd.s32 $0xFFFF8000  }
0x69: {  	[hbm4b:s5+s3] =	stream.linear.scatter [tilespmem:s10], [sflag:$0x2], $0x8000, $0x38;
	[tilespmem:$0x8080] =	vst v63  }
0x6a: {  	_ =	swait.ge [sflag:s9], $0x8000  }
0x6b: {  	[sflag:s9] =	ssyncset.done $0x0  }
0x6c: {  	[sflag:s9] =	ssyncadd.s32 $0xFFFF8000  }
0x6d: {  	[tilespmem:s3], [sflag:$0x2] =	stream.linear.gather [hbm4b:s6+s3], $0x80, $0x38;
	[tilespmem:$0x8080] =	vst v63  }
0x6e: {  	_ =	swait.ge [sflag:s9], $0x80  }
0x6f: {  	[sflag:s9] =	ssyncset.done $0x0  }
0x70: {  	[sflag:s9] =	ssyncadd.s32 $0xFFFFFF80  }
0x71: {  	v3 =	vld [tilespmem:$0x0];
	_ =	sdelay $0x4  }
0x72: {  	v56 =	vshll.u32 v3, $0x1  }
0x73: {  	v3 =	vand.u32 $0x7, v3;
	v4 =	vand.u32 $0xFFFFFFF0, v56  }
0x74: {  	v3 =	vor.u32 v3, v4  }
0x75: {  	v4 =	vperm.xlane v3, v0;
	_ =	sdelay $0x1  }
0x76: {  	v3 =	vperm.xlane v3, v2;
	v4 =	vadd.s32 v1, v4;
	_ =	sdelay $0x1  }
0x77: {  	v3 =	vadd.s32 v1, v3;
	_ =	sdelay $0x2  }
0x78: {  	[tilespmem:s10], [sflag:$0x1] =	stream.indirect_vreg.gather [hbm4b:s1+s3], $0x80, v4, vm0, $0xb8;
	[tilespmem:$0x8080] =	vst v63  }
0x79: {  	_ = 	snop  }
0x7a: {  	[tilespmem:s11], [sflag:$0x1] =	stream.indirect_vreg.gather [hbm4b:s1+s3], $0x80, v3, vm0, $0xb8;
	[tilespmem:$0x8080] =	vst v63  }
0x7b: {  	v3 =	vld [tilespmem:$0x10];
	_ =	sdelay $0x4  }
0x7c: {  	v57 =	vshll.u32 v3, $0x1  }
0x7d: {  	v3 =	vand.u32 $0x7, v3;
	v4 =	vand.u32 $0xFFFFFFF0, v57  }
0x7e: {  	v3 =	vor.u32 v3, v4  }
0x7f: {  	v4 =	vperm.xlane v3, v0;
	_ =	sdelay $0x1  }
0x80: {  	v3 =	vperm.xlane v3, v2;
	v4 =	vadd.s32 v1, v4;
	_ =	sdelay $0x1  }
0x81: {  	v3 =	vadd.s32 v1, v3;
	_ =	sdelay $0x2  }
0x82: {  	[tilespmem:s12], [sflag:$0x1] =	stream.indirect_vreg.gather [hbm4b:s1+s3], $0x80, v4, vm0, $0xb8;
	[tilespmem:$0x8080] =	vst v63  }
0x83: {  	_ = 	snop  }
0x84: {  	[tilespmem:s13], [sflag:$0x1] =	stream.indirect_vreg.gather [hbm4b:s1+s3], $0x80, v3, vm0, $0xb8;
	[tilespmem:$0x8080] =	vst v63  }
0x85: {  	v3 =	vld [tilespmem:$0x20];
	_ =	sdelay $0x4  }
0x86: {  	v58 =	vshll.u32 v3, $0x1  }
0x87: {  	v3 =	vand.u32 $0x7, v3;
	v4 =	vand.u32 $0xFFFFFFF0, v58  }
0x88: {  	v3 =	vor.u32 v3, v4  }
0x89: {  	v4 =	vperm.xlane v3, v0;
	_ =	sdelay $0x1  }
0x8a: {  	v3 =	vperm.xlane v3, v2;
	v4 =	vadd.s32 v1, v4;
	_ =	sdelay $0x1  }
0x8b: {  	v3 =	vadd.s32 v1, v3;
	_ =	sdelay $0x2  }
0x8c: {  	[tilespmem:s14], [sflag:$0x1] =	stream.indirect_vreg.gather [hbm4b:s1+s3], $0x80, v4, vm0, $0xb8;
	[tilespmem:$0x8080] =	vst v63  }
0x8d: {  	_ = 	snop  }
0x8e: {  	[tilespmem:s15], [sflag:$0x1] =	stream.indirect_vreg.gather [hbm4b:s1+s3], $0x80, v3, vm0, $0xb8;
	[tilespmem:$0x8080] =	vst v63  }
0x8f: {  	v3 =	vld [tilespmem:$0x30];
	_ =	sdelay $0x4  }
0x90: {  	v59 =	vshll.u32 v3, $0x1  }
0x91: {  	v3 =	vand.u32 $0x7, v3;
	v4 =	vand.u32 $0xFFFFFFF0, v59  }
0x92: {  	v3 =	vor.u32 v3, v4  }
0x93: {  	v4 =	vperm.xlane v3, v0;
	_ =	sdelay $0x1  }
0x94: {  	v3 =	vperm.xlane v3, v2;
	v4 =	vadd.s32 v1, v4;
	_ =	sdelay $0x1  }
0x95: {  	v3 =	vadd.s32 v1, v3;
	_ =	sdelay $0x2  }
0x96: {  	[tilespmem:s16], [sflag:$0x1] =	stream.indirect_vreg.gather [hbm4b:s1+s3], $0x80, v4, vm0, $0xb8;
	[tilespmem:$0x8080] =	vst v63  }
0x97: {  	_ = 	snop  }
0x98: {  	[tilespmem:s17], [sflag:$0x1] =	stream.indirect_vreg.gather [hbm4b:s1+s3], $0x80, v3, vm0, $0xb8;
	[tilespmem:$0x8080] =	vst v63  }
0x99: {  	v3 =	vld [tilespmem:$0x40];
	_ =	sdelay $0x4  }
0x9a: {  	v60 =	vshll.u32 v3, $0x1  }
0x9b: {  	v3 =	vand.u32 $0x7, v3;
	v4 =	vand.u32 $0xFFFFFFF0, v60  }
0x9c: {  	v3 =	vor.u32 v3, v4  }
0x9d: {  	v4 =	vperm.xlane v3, v0;
	_ =	sdelay $0x1  }
0x9e: {  	v3 =	vperm.xlane v3, v2;
	v4 =	vadd.s32 v1, v4;
	_ =	sdelay $0x1  }
0x9f: {  	v3 =	vadd.s32 v1, v3;
	_ =	sdelay $0x2  }
0xa0: {  	[tilespmem:s18], [sflag:$0x1] =	stream.indirect_vreg.gather [hbm4b:s1+s3], $0x80, v4, vm0, $0xb8;
	[tilespmem:$0x8080] =	vst v63  }
0xa1: {  	_ = 	snop  }
0xa2: {  	[tilespmem:s19], [sflag:$0x1] =	stream.indirect_vreg.gather [hbm4b:s1+s3], $0x80, v3, vm0, $0xb8;
	[tilespmem:$0x8080] =	vst v63  }
0xa3: {  	v3 =	vld [tilespmem:$0x50];
	_ =	sdelay $0x4  }
0xa4: {  	v61 =	vshll.u32 v3, $0x1  }
0xa5: {  	v3 =	vand.u32 $0x7, v3;
	v4 =	vand.u32 $0xFFFFFFF0, v61  }
0xa6: {  	v3 =	vor.u32 v3, v4  }
0xa7: {  	v4 =	vperm.xlane v3, v0;
	_ =	sdelay $0x1  }
0xa8: {  	v3 =	vperm.xlane v3, v2;
	v4 =	vadd.s32 v1, v4;
	_ =	sdelay $0x1  }
0xa9: {  	v3 =	vadd.s32 v1, v3;
	_ =	sdelay $0x2  }
0xaa: {  	[tilespmem:s20], [sflag:$0x1] =	stream.indirect_vreg.gather [hbm4b:s1+s3], $0x80, v4, vm0, $0xb8;
	[tilespmem:$0x8080] =	vst v63  }
0xab: {  	_ = 	snop  }
0xac: {  	[tilespmem:s21], [sflag:$0x1] =	stream.indirect_vreg.gather [hbm4b:s1+s3], $0x80, v3, vm0, $0xb8;
	[tilespmem:$0x8080] =	vst v63  }
0xad: {  	v3 =	vld [tilespmem:$0x60];
	_ =	sdelay $0x4  }
0xae: {  	v62 =	vshll.u32 v3, $0x1  }
0xaf: {  	v3 =	vand.u32 $0x7, v3;
	v4 =	vand.u32 $0xFFFFFFF0, v62  }
0xb0: {  	v3 =	vor.u32 v3, v4  }
0xb1: {  	v4 =	vperm.xlane v3, v0;
	_ =	sdelay $0x1  }
0xb2: {  	v3 =	vperm.xlane v3, v2;
	v4 =	vadd.s32 v1, v4;
	_ =	sdelay $0x1  }
0xb3: {  	v3 =	vadd.s32 v1, v3;
	_ =	sdelay $0x2  }
0xb4: {  	[tilespmem:s22], [sflag:$0x1] =	stream.indirect_vreg.gather [hbm4b:s1+s3], $0x80, v4, vm0, $0xb8;
	[tilespmem:$0x8080] =	vst v63  }
0xb5: {  	_ = 	snop  }
0xb6: {  	[tilespmem:s23], [sflag:$0x1] =	stream.indirect_vreg.gather [hbm4b:s1+s3], $0x80, v3, vm0, $0xb8;
	[tilespmem:$0x8080] =	vst v63  }
0xb7: {  	v3 =	vld [tilespmem:$0x70];
	_ =	sdelay $0x4  }
0xb8: {  	v63 =	vshll.u32 v3, $0x1  }
0xb9: {  	v3 =	vand.u32 $0x7, v3;
	v4 =	vand.u32 $0xFFFFFFF0, v63  }
0xba: {  	v3 =	vor.u32 v3, v4  }
0xbb: {  	v4 =	vperm.xlane v3, v0;
	_ =	sdelay $0x1  }
0xbc: {  	v3 =	vperm.xlane v3, v2;
	v4 =	vadd.s32 v1, v4;
	_ =	sdelay $0x1  }
0xbd: {  	v3 =	vadd.s32 v1, v3;
	_ =	sdelay $0x2  }
0xbe: {  	[tilespmem:s24], [sflag:$0x1] =	stream.indirect_vreg.gather [hbm4b:s1+s3], $0x80, v4, vm0, $0xb8;
	[tilespmem:$0x8080] =	vst v63  }
0xbf: {  	_ = 	snop  }
0xc0: {  	[tilespmem:s25], [sflag:$0x1] =	stream.indirect_vreg.gather [hbm4b:s1+s3], $0x80, v3, vm0, $0xb8;
	[tilespmem:$0x8080] =	vst v63  }
0xc1: {  	_ =	swait.ge [sflag:s26], $0x8000  }
0xc2: {  	p0 =	sne.s32 s8, $0x1;
	[sflag:s26] =	ssyncset.done $0x0  }
.Ltmp0:
0xc3: {  	[sflag:s26] =	ssyncadd.s32 $0xFFFF8000;
	(pc) =	sbr.rel @p0 .LBB2_1-.Ltmp0, $4  }
0xc4: {  	[hbm4b:s7+s3] =	stream.linear.scatter [tilespmem:s10], [sflag:$0x2], $0x8000, $0x38;
	[tilespmem:$0x8080] =	vst v63  }
0xc5: {  	_ =	swait.ge [sflag:s9], $0x8000  }
0xc6: {  	[sflag:s9] =	ssyncset.done $0x0  }
0xc7: {  	s8 =	sadd.s32 $0xFFFFFFFF, s8;
	[sflag:s9] =	ssyncadd.s32 $0xFFFF8000  }
0xc8: {  	_ =	sfence.sel $0x180000  }
0xc9: {  	[bflag:$0x0] =	sbarrier.arrive $0xFFFF  }
0xca: {  	p0 =	sne.s32 s2, $0x0;
	_ =	strace $0x90000047  }
0xcb: {  	s0 =	sadd.s32 @!p0 $0x100000, s0;
	[bflag:$0x2] =	sbarrier.arrive $0xFFFF  }
0xcc: {  	[sflag:s0] =	ssyncadd.tile.s32 @!p0 $0x1;
	_ =	shalt  }
.Lfunc_end2:
_tile_overlayer_lowered:
.L_overlay_start_2:
0xcd: {  	(tag) =	ssettag $0x2  }
0xce: {  	s0 =	rddreg [dreg:$0x0];
	s2 =	stileid.u32  }
0xcf: {  	s1 =	rddreg [dreg:$0x1];
	p0 =	sne.s32 s2, $0x0  }
0xd0: {  	s3 =	rddreg [dreg:$0x2];
	[bflag:$0x3] =	sbarrier.arrive $0xFFFF;
	s2 =	simm.s32 @!p0 $0x1C02  }
0xd1: {  	[timem:s3], [sflag:s2] =	dma.local @!p0 [hbm:s0], s1  }
0xd2: {  	s0 =	simm.s32 @!p0 $0x2  }
0xd3: {  	_ =	swait.ge @!p0 [sflag:s0], s1  }
0xd4: {  	s1 =	ssub.s32 @!p0 $0x0, s1;
	[sflag:s0] =	ssyncset.done @!p0 $0x0  }
0xd5: {  	[sflag:s0] =	ssyncadd.s32 @!p0 s1  }
0xd6: {  	[bflag:$0x3] =	sbarrier.arrive $0xFFFF  }
0xd7: {  	_ =	shalt  }

</sc_bundles>
